<compile_context>
chip_gen: v7x
topology: tpu7x:2x2x1
jax: 0.10.2.dev20260603
libtpu: 0.0.44.dev20260713+nightly
codegen_flags: <defaults>
</compile_context>

<pallas_src>
import jax
import jax.numpy as jnp
from jax import lax
from jax.experimental import pallas as pl
from jax.experimental.pallas import tpu as pltpu
from jax.experimental.pallas import tpu_sc as plsc

N_NODES = 10000
D = 128
N_CORES = 2
N_SUB = 16
CHUNK = 128
SPLIT0 = 0.505
ROWS_PER_TILE = 624
TAIL_BASE = ROWS_PER_TILE * N_SUB
TAIL_ROWS = N_NODES - TAIL_BASE
ACC_ROWS = N_NODES


def _sc_agg(feats, ei, zeros):
    n_edges = ei.shape[1]
    t_chunks = n_edges // CHUNK
    c0 = int(round(t_chunks * SPLIT0))
    c1 = t_chunks - c0
    k0max = -(-c0 // N_SUB)
    k1max = -(-c1 // N_SUB)

    def body(feats, ei, zeros, out, idx_s, idx_d0, idx_d1, rows0, rows1, acc,
             gsem0, gsem1, ssem0, ssem1, dsem0, dsem1, stg):
        c = lax.axis_index("c")
        s = lax.axis_index("s")

        def cdims(cbase, csize):
            r_lo = s * csize // N_SUB
            cnt = (s + 1) * csize // N_SUB - r_lo
            off = pl.multiple_of((cbase + r_lo) * CHUNK, CHUNK)
            return off, cnt

        def stage(cbase, csize, kmax):
            off, _ = cdims(cbase, csize)
            pltpu.async_copy(ei.at[0, pl.ds(off, kmax * CHUNK)],
                             idx_s.at[pl.ds(0, kmax * CHUNK)], stg)

        @pl.when(c == 0)
        def _():
            stage(0, c0, k0max)

        @pl.when(c != 0)
        def _():
            stage(c0, c1, k1max)

        base = s * ROWS_PER_TILE

        @pl.when(c == 0)
        def _():
            pltpu.sync_copy(feats.at[pl.ds(base, ROWS_PER_TILE)],
                            acc.at[pl.ds(base, ROWS_PER_TILE)])

            @pl.when(s == N_SUB - 1)
            def _():
                pltpu.sync_copy(feats.at[pl.ds(TAIL_BASE, TAIL_ROWS)],
                                acc.at[pl.ds(TAIL_BASE, TAIL_ROWS)])

        @pl.when(c != 0)
        def _():
            for j in range(ROWS_PER_TILE // CHUNK):
                pltpu.sync_copy(zeros,
                                acc.at[pl.ds(base + j * CHUNK, CHUNK)])
            rem = ROWS_PER_TILE % CHUNK
            pltpu.sync_copy(zeros.at[pl.ds(0, rem)],
                            acc.at[pl.ds(base + ROWS_PER_TILE - rem, rem)])

            @pl.when(s == N_SUB - 1)
            def _():
                pltpu.sync_copy(zeros.at[pl.ds(0, TAIL_ROWS)],
                                acc.at[pl.ds(TAIL_BASE, TAIL_ROWS)])

        plsc.subcore_barrier()

        rows = (rows0, rows1)
        idx_d = (idx_d0, idx_d1)
        gsem = (gsem0, gsem1)
        ssem = (ssem0, ssem1)
        dsem = (dsem0, dsem1)

        def run(cbase, csize, kmax):
            off, cnt = cdims(cbase, csize)
            pltpu.make_async_copy(ei.at[0, pl.ds(0, kmax * CHUNK)],
                                  idx_s.at[pl.ds(0, kmax * CHUNK)], stg).wait()

            def issue_gather(k, b):
                kof = pl.multiple_of(k * CHUNK, CHUNK)
                pltpu.async_copy(feats.at[idx_s.at[pl.ds(kof, CHUNK)]],
                                 rows[b], gsem[b])
                pltpu.async_copy(ei.at[1, pl.ds(off + kof, CHUNK)],
                                 idx_d[b], dsem[b])

            def issue_scatter(b):
                pltpu.async_copy(rows[b], acc.at[idx_d[b]], ssem[b], add=True)

            def wait_gather(b):
                pltpu.make_async_copy(feats.at[idx_s.at[pl.ds(0, CHUNK)]],
                                      rows[b], gsem[b]).wait()
                pltpu.make_async_copy(ei.at[1, pl.ds(0, CHUNK)],
                                      idx_d[b], dsem[b]).wait()

            def wait_scatter(b):
                pltpu.make_async_copy(rows[b], acc.at[idx_d[b]], ssem[b]).wait()

            issue_gather(0, 0)

            def pair(g, carry):
                for b in (0, 1):
                    k = 2 * g + b
                    wait_gather(b)

                    @pl.when(k + 1 < cnt)
                    def _():
                        @pl.when(k >= 1)
                        def _():
                            wait_scatter(1 - b)

                        issue_gather(k + 1, 1 - b)

                    issue_scatter(b)
                return carry

            lax.fori_loop(0, cnt // 2, pair, 0)

            @pl.when(cnt % 2 == 1)
            def _():
                wait_gather(0)
                issue_scatter(0)

            wait_scatter(0)
            wait_scatter(1)

        @pl.when(c == 0)
        def _():
            run(0, c0, k0max)

        @pl.when(c != 0)
        def _():
            run(c0, c1, k1max)

        plsc.subcore_barrier()
        pltpu.sync_copy(acc.at[pl.ds(base, ROWS_PER_TILE)],
                        out.at[c, pl.ds(base, ROWS_PER_TILE)])

        @pl.when(s == N_SUB - 1)
        def _():
            pltpu.sync_copy(acc.at[pl.ds(TAIL_BASE, TAIL_ROWS)],
                            out.at[c, pl.ds(TAIL_BASE, TAIL_ROWS)])

    fn = pl.kernel(
        body,
        out_type=jax.ShapeDtypeStruct((N_CORES, N_NODES, D), jnp.float32),
        mesh=plsc.VectorSubcoreMesh(core_axis_name="c", subcore_axis_name="s",
                                    num_cores=N_CORES, num_subcores=N_SUB),
        scratch_types=[
            pltpu.VMEM((max(k0max, k1max) * CHUNK,), jnp.int32),
            pltpu.VMEM((CHUNK,), jnp.int32),
            pltpu.VMEM((CHUNK,), jnp.int32),
            pltpu.VMEM((CHUNK, D), jnp.float32),
            pltpu.VMEM((CHUNK, D), jnp.float32),
            pltpu.VMEM_SHARED((ACC_ROWS, D), jnp.float32),
            pltpu.SemaphoreType.DMA,
            pltpu.SemaphoreType.DMA,
            pltpu.SemaphoreType.DMA,
            pltpu.SemaphoreType.DMA,
            pltpu.SemaphoreType.DMA,
            pltpu.SemaphoreType.DMA,
            pltpu.SemaphoreType.DMA,
        ],
    )
    return fn(feats, ei, zeros)


ROW_BLK = 2000


def _mlp_body(p_ref, wa, ba, wb, bb, out_ref):
    h = p_ref[0] + p_ref[1]
    t = jnp.maximum(jnp.dot(h, wa[...], preferred_element_type=jnp.float32) + ba[...], 0.0)
    out_ref[...] = jnp.dot(t, wb[...], preferred_element_type=jnp.float32) + bb[...]


def _mlp(p, Wa, ba, Wb, bb):
    return pl.pallas_call(
        _mlp_body,
        grid=(N_NODES // ROW_BLK,),
        in_specs=[
            pl.BlockSpec((N_CORES, ROW_BLK, D), lambda i: (0, i, 0)),
            pl.BlockSpec((D, D), lambda i: (0, 0)),
            pl.BlockSpec((1, D), lambda i: (0, 0)),
            pl.BlockSpec((D, D), lambda i: (0, 0)),
            pl.BlockSpec((1, D), lambda i: (0, 0)),
        ],
        out_specs=pl.BlockSpec((ROW_BLK, D), lambda i: (i, 0)),
        out_shape=jax.ShapeDtypeStruct((N_NODES, D), jnp.float32),
    )(p, Wa, ba.reshape(1, D), Wb, bb.reshape(1, D))


def _mlp_pool_body(p_ref, wa, ba, wb, bb, wc, bcp, out_ref, acc):
    i = pl.program_id(0)

    @pl.when(i == 0)
    def _():
        acc[...] = jnp.zeros_like(acc)

    h = p_ref[0] + p_ref[1]
    t = jnp.maximum(jnp.dot(h, wa[...], preferred_element_type=jnp.float32) + ba[...], 0.0)
    h2 = jnp.dot(t, wb[...], preferred_element_type=jnp.float32) + bb[...]
    acc[...] += jnp.sum(h2, axis=0, keepdims=True)

    @pl.when(i == pl.num_programs(0) - 1)
    def _():
        out_ref[...] = jnp.dot(acc[...] * (1.0 / N_NODES), wc[...],
                               preferred_element_type=jnp.float32) + bcp[...]


def _mlp_pool(p, Wa, ba, Wb, bb, Wcp, bcp):
    return pl.pallas_call(
        _mlp_pool_body,
        grid=(N_NODES // ROW_BLK,),
        in_specs=[
            pl.BlockSpec((N_CORES, ROW_BLK, D), lambda i: (0, i, 0)),
            pl.BlockSpec((D, D), lambda i: (0, 0)),
            pl.BlockSpec((1, D), lambda i: (0, 0)),
            pl.BlockSpec((D, D), lambda i: (0, 0)),
            pl.BlockSpec((1, D), lambda i: (0, 0)),
            pl.BlockSpec((D, D), lambda i: (0, 0)),
            pl.BlockSpec((1, D), lambda i: (0, 0)),
        ],
        out_specs=pl.BlockSpec((1, D), lambda i: (0, 0)),
        out_shape=jax.ShapeDtypeStruct((1, D), jnp.float32),
        scratch_shapes=[pltpu.VMEM((1, D), jnp.float32)],
    )(p, Wa, ba.reshape(1, D), Wb, bb.reshape(1, D), Wcp, bcp)


def kernel(x, edge_index, W1a, b1a, W1b, b1b, W2a, b2a, W2b, b2b, Wc, bc):
    ei = edge_index.astype(jnp.int32)
    assert ei.shape[1] % CHUNK == 0
    zeros = jnp.zeros((CHUNK, D), jnp.float32)

    p1 = _sc_agg(x, ei, zeros)
    h1 = _mlp(p1, W1a, b1a, W1b, b1b)
    p2 = _sc_agg(h1, ei, zeros)

    n_cls = Wc.shape[1]
    Wcp = jnp.pad(Wc, ((0, 0), (0, D - n_cls)))
    bcp = jnp.pad(bc, (0, D - n_cls)).reshape(1, D)
    out = _mlp_pool(p2, W2a, b2a, W2b, b2b, Wcp, bcp)
    return out[:, :n_cls]

# --- scband reference (transcript-rebuilt; emitter-appended) ---
"""Pipeline reference for scband-basic-graph-classifier-395136991531 (READ-ONLY COPY).

The authoritative reference and input builder live on the scoring server;
editing this copy changes nothing except your own understanding.
"""

import jax, jax.numpy as jnp
import numpy as np

N_NODES = 10000
N_EDGES = 320000
D_IN = 128
D_HID = 128
N_CLASSES = 10

def setup_inputs(seed: int = 0) -> dict:
    key = jax.random.key(seed)
    ks = jax.random.split(key, 12)
    x = jax.random.normal(ks[0], (N_NODES, D_IN), dtype=jnp.float32)
    edge_index = jax.random.randint(ks[1], (2, N_EDGES), 0, N_NODES, dtype=jnp.int64)
    def lin(k, fan_in, fan_out):
        bound = 1.0 / np.sqrt(fan_in)
        kw, kb = jax.random.split(k)
        W = jax.random.uniform(kw, (fan_in, fan_out), minval=-bound, maxval=bound, dtype=jnp.float32)
        b = jax.random.uniform(kb, (fan_out,), minval=-bound, maxval=bound, dtype=jnp.float32)
        return W, b
    W1a, b1a = lin(ks[2], D_IN, D_HID)
    W1b, b1b = lin(ks[3], D_HID, D_HID)
    W2a, b2a = lin(ks[4], D_HID, D_HID)
    W2b, b2b = lin(ks[5], D_HID, D_HID)
    Wc, bc = lin(ks[6], D_HID, N_CLASSES)
    return {"x": x, "edge_index": edge_index, "W1a": W1a, "b1a": b1a, "W1b": W1b, "b1b": b1b, "W2a": W2a, "b2a": b2a, "W2b": W2b, "b2b": b2b, "Wc": Wc, "bc": bc}

def _gin_conv(x, edge_index, Wa, ba, Wb, bb):
    # GINConv with eps=0: MLP((1+eps)*x + sum_{j in N(i)} x_j)
    src = edge_index[0]
    dst = edge_index[1]
    msgs = jnp.take(x, src, axis=0)
    agg = jax.ops.segment_sum(msgs, dst, num_segments=x.shape[0])
    h = x + agg
    h = jnp.maximum(h @ Wa + ba, 0.0)
    h = h @ Wb + bb
    return h

def reference(x, edge_index, W1a, b1a, W1b, b1b, W2a, b2a, W2b, b2b, Wc, bc):
    h1 = _gin_conv(x, edge_index, W1a, b1a, W1b, b1b)
    h2 = _gin_conv(h1, edge_index, W2a, b2a, W2b, b2b)
    # batch is None -> mean over all nodes, keepdim
    graph_repr = jnp.mean(h2, axis=0, keepdims=True)
    return graph_repr @ Wc + bc

if __name__ == "__main__":
    import jax
    _d = setup_inputs()
    print(jax.jit(kernel)(*tuple(_d.values())))

</pallas_src>

<mosaic_0001>
#map = affine_map<(d0, d1) -> (0, 0)>
#map1 = affine_map<(d0, d1) -> (0, 0, 0)>
module attributes {stable_mosaic.version = 14 : i64} {
  func.func @body(%arg0: i32, %arg1: i32, %arg2: memref<10000x128xf32, #tpu.memory_space<hbm>>, %arg3: memref<2x320000xi32, #tpu.memory_space<hbm>>, %arg4: memref<128x128xf32, #tpu.memory_space<hbm>>, %arg5: memref<2x10000x128xf32, #tpu.memory_space<hbm>>, %arg6: memref<10112xi32, #tpu.memory_space<vmem>>, %arg7: memref<128xi32, #tpu.memory_space<vmem>>, %arg8: memref<128xi32, #tpu.memory_space<vmem>>, %arg9: memref<128x128xf32, #tpu.memory_space<vmem>>, %arg10: memref<128x128xf32, #tpu.memory_space<vmem>>, %arg11: memref<10000x128xf32, #tpu.memory_space<vmem_shared>>, %arg12: memref<!tpu.dma_semaphore, #tpu.memory_space<semaphore_mem>>, %arg13: memref<!tpu.dma_semaphore, #tpu.memory_space<semaphore_mem>>, %arg14: memref<!tpu.dma_semaphore, #tpu.memory_space<semaphore_mem>>, %arg15: memref<!tpu.dma_semaphore, #tpu.memory_space<semaphore_mem>>, %arg16: memref<!tpu.dma_semaphore, #tpu.memory_space<semaphore_mem>>, %arg17: memref<!tpu.dma_semaphore, #tpu.memory_space<semaphore_mem>>, %arg18: memref<!tpu.dma_semaphore, #tpu.memory_space<semaphore_mem>>) attributes {dimension_semantics = [#tpu.dimension_semantics<core_parallel>, #tpu.dimension_semantics<subcore_parallel>], iteration_bounds = array<i64: 2, 16>, scalar_prefetch = 0 : i64, scratch_operands = 13 : i64, tpu.core_type = #tpu.core_type<sc_vector_subcore>, window_params = [{transform_indices = #map}, {transform_indices = #map}, {transform_indices = #map}, {transform_indices = #map1}]} {
    %eq3A = arith.constant 0 : i32
    %eq3A_0 = arith.cmpi eq, %arg0, %eq3A : i32
    %convert_element_type3A = arith.extui %eq3A_0 : i1 to i32
    %cond3A = arith.constant 0 : i32
    %cond3A_1 = arith.cmpi ne, %convert_element_type3A, %cond3A : i32
    scf.if %cond3A_1 {
      %mul3A_33 = arith.constant 1262 : i32
      %mul3A_34 = arith.muli %arg1, %mul3A_33 : i32
      %jit3A = arith.constant 16 : i32
      %div3A = arith.divsi %mul3A_34, %jit3A : i32
      %sign3A = arith.constant 0 : i32
      %sign3A_35 = arith.cmpi sgt, %mul3A_34, %sign3A : i32
      %sign3A_36 = arith.extui %sign3A_35 : i1 to i32
      %sign3A_37 = arith.constant 0 : i32
      %sign3A_38 = arith.cmpi slt, %mul3A_34, %sign3A_37 : i32
      %sign3A_39 = arith.extui %sign3A_38 : i1 to i32
      %sign3A_40 = arith.subi %sign3A_36, %sign3A_39 : i32
      %sign3A_41 = arith.constant 0 : i32
      %sign3A_42 = arith.cmpi sgt, %jit3A, %sign3A_41 : i32
      %sign3A_43 = arith.extui %sign3A_42 : i1 to i32
      %sign3A_44 = arith.constant 0 : i32
      %sign3A_45 = arith.cmpi slt, %jit3A, %sign3A_44 : i32
      %sign3A_46 = arith.extui %sign3A_45 : i1 to i32
      %sign3A_47 = arith.subi %sign3A_43, %sign3A_46 : i32
      %ne3A_48 = arith.cmpi ne, %sign3A_40, %sign3A_47 : i32
      %rem3A = arith.remsi %mul3A_34, %jit3A : i32
      %ne3A_49 = arith.constant 0 : i32
      %ne3A_50 = arith.cmpi ne, %rem3A, %ne3A_49 : i32
      %and3A = arith.andi %ne3A_48, %ne3A_50 : i1
      %sub3A = arith.constant 1 : i32
      %sub3A_51 = arith.subi %div3A, %sub3A : i32
      %select_n3A = arith.select %and3A, %sub3A_51, %div3A : i32
      %add3A = arith.constant 1 : i32
      %add3A_52 = arith.addi %arg1, %add3A : i32
      %mul3A_53 = arith.constant 1262 : i32
      %mul3A_54 = arith.muli %add3A_52, %mul3A_53 : i32
      %jit3A_55 = arith.constant 16 : i32
      %div3A_56 = arith.divsi %mul3A_54, %jit3A_55 : i32
      %sign3A_57 = arith.constant 0 : i32
      %sign3A_58 = arith.cmpi sgt, %mul3A_54, %sign3A_57 : i32
      %sign3A_59 = arith.extui %sign3A_58 : i1 to i32
      %sign3A_60 = arith.constant 0 : i32
      %sign3A_61 = arith.cmpi slt, %mul3A_54, %sign3A_60 : i32
      %sign3A_62 = arith.extui %sign3A_61 : i1 to i32
      %sign3A_63 = arith.subi %sign3A_59, %sign3A_62 : i32
      %sign3A_64 = arith.constant 0 : i32
      %sign3A_65 = arith.cmpi sgt, %jit3A_55, %sign3A_64 : i32
      %sign3A_66 = arith.extui %sign3A_65 : i1 to i32
      %sign3A_67 = arith.constant 0 : i32
      %sign3A_68 = arith.cmpi slt, %jit3A_55, %sign3A_67 : i32
      %sign3A_69 = arith.extui %sign3A_68 : i1 to i32
      %sign3A_70 = arith.subi %sign3A_66, %sign3A_69 : i32
      %ne3A_71 = arith.cmpi ne, %sign3A_63, %sign3A_70 : i32
      %rem3A_72 = arith.remsi %mul3A_54, %jit3A_55 : i32
      %ne3A_73 = arith.constant 0 : i32
      %ne3A_74 = arith.cmpi ne, %rem3A_72, %ne3A_73 : i32
      %and3A_75 = arith.andi %ne3A_71, %ne3A_74 : i1
      %sub3A_76 = arith.constant 1 : i32
      %sub3A_77 = arith.subi %div3A_56, %sub3A_76 : i32
      %select_n3A_78 = arith.select %and3A_75, %sub3A_77, %div3A_56 : i32
      %sub3A_79 = arith.subi %select_n3A_78, %select_n3A : i32
      %add3A_80 = arith.constant 0 : i32
      %add3A_81 = arith.addi %add3A_80, %select_n3A : i32
      %mul3A_82 = arith.constant 128 : i32
      %mul3A_83 = arith.muli %add3A_81, %mul3A_82 : i32
      %multiple_of3A = tpu.assume_multiple %mul3A_83, 128 : i32
      %dma_start3A = arith.constant 0 : i32
      %dma_start3A_84 = arith.constant 0 : i32
      %dma_start3A_85 = tpu.memref_slice %arg6[%dma_start3A_84] : memref<10112xi32, #tpu.memory_space<vmem>> -> memref<10112xi32, #tpu.memory_space<vmem>>
      %dma_start3A_86 = tpu.memref_slice %arg3[%dma_start3A, %multiple_of3A] : memref<2x320000xi32, #tpu.memory_space<hbm>> -> memref<1x10112xi32, #tpu.memory_space<hbm>>
      %dma_start3A_87 = tpu.memref_squeeze %dma_start3A_86 : memref<1x10112xi32, #tpu.memory_space<hbm>> -> memref<10112xi32, #tpu.memory_space<hbm>>
      %dma_start3A_88 = arith.constant 0 : i32
      %dma_start3A_89 = tpu.memref_slice %arg6[%dma_start3A_88] : memref<10112xi32, #tpu.memory_space<vmem>> -> memref<10112xi32, #tpu.memory_space<vmem>>
      %dma_start3A_90 = tpu.memref_slice %arg3[%dma_start3A, %multiple_of3A] : memref<2x320000xi32, #tpu.memory_space<hbm>> -> memref<1x10112xi32, #tpu.memory_space<hbm>>
      %dma_start3A_91 = tpu.memref_squeeze %dma_start3A_90 : memref<1x10112xi32, #tpu.memory_space<hbm>> -> memref<10112xi32, #tpu.memory_space<hbm>>
      tpu.enqueue_dma source(%dma_start3A_91 : memref<10112xi32, #tpu.memory_space<hbm>>) target(%dma_start3A_89 : memref<10112xi32, #tpu.memory_space<vmem>>) target_semaphore(%arg18 : memref<!tpu.dma_semaphore, #tpu.memory_space<semaphore_mem>>)
    } else {
    }
    %ne3A = arith.constant 0 : i32
    %ne3A_2 = arith.cmpi ne, %arg0, %ne3A : i32
    %convert_element_type3A_3 = arith.extui %ne3A_2 : i1 to i32
    %cond3A_4 = arith.constant 0 : i32
    %cond3A_5 = arith.cmpi ne, %convert_element_type3A_3, %cond3A_4 : i32
    scf.if %cond3A_5 {
      %mul3A_33 = arith.constant 1238 : i32
      %mul3A_34 = arith.muli %arg1, %mul3A_33 : i32
      %jit3A = arith.constant 16 : i32
      %div3A = arith.divsi %mul3A_34, %jit3A : i32
      %sign3A = arith.constant 0 : i32
      %sign3A_35 = arith.cmpi sgt, %mul3A_34, %sign3A : i32
      %sign3A_36 = arith.extui %sign3A_35 : i1 to i32
      %sign3A_37 = arith.constant 0 : i32
      %sign3A_38 = arith.cmpi slt, %mul3A_34, %sign3A_37 : i32
      %sign3A_39 = arith.extui %sign3A_38 : i1 to i32
      %sign3A_40 = arith.subi %sign3A_36, %sign3A_39 : i32
      %sign3A_41 = arith.constant 0 : i32
      %sign3A_42 = arith.cmpi sgt, %jit3A, %sign3A_41 : i32
      %sign3A_43 = arith.extui %sign3A_42 : i1 to i32
      %sign3A_44 = arith.constant 0 : i32
      %sign3A_45 = arith.cmpi slt, %jit3A, %sign3A_44 : i32
      %sign3A_46 = arith.extui %sign3A_45 : i1 to i32
      %sign3A_47 = arith.subi %sign3A_43, %sign3A_46 : i32
      %ne3A_48 = arith.cmpi ne, %sign3A_40, %sign3A_47 : i32
      %rem3A = arith.remsi %mul3A_34, %jit3A : i32
      %ne3A_49 = arith.constant 0 : i32
      %ne3A_50 = arith.cmpi ne, %rem3A, %ne3A_49 : i32
      %and3A = arith.andi %ne3A_48, %ne3A_50 : i1
      %sub3A = arith.constant 1 : i32
      %sub3A_51 = arith.subi %div3A, %sub3A : i32
      %select_n3A = arith.select %and3A, %sub3A_51, %div3A : i32
      %add3A = arith.constant 1 : i32
      %add3A_52 = arith.addi %arg1, %add3A : i32
      %mul3A_53 = arith.constant 1238 : i32
      %mul3A_54 = arith.muli %add3A_52, %mul3A_53 : i32
      %jit3A_55 = arith.constant 16 : i32
      %div3A_56 = arith.divsi %mul3A_54, %jit3A_55 : i32
      %sign3A_57 = arith.constant 0 : i32
      %sign3A_58 = arith.cmpi sgt, %mul3A_54, %sign3A_57 : i32
      %sign3A_59 = arith.extui %sign3A_58 : i1 to i32
      %sign3A_60 = arith.constant 0 : i32
      %sign3A_61 = arith.cmpi slt, %mul3A_54, %sign3A_60 : i32
      %sign3A_62 = arith.extui %sign3A_61 : i1 to i32
      %sign3A_63 = arith.subi %sign3A_59, %sign3A_62 : i32
      %sign3A_64 = arith.constant 0 : i32
      %sign3A_65 = arith.cmpi sgt, %jit3A_55, %sign3A_64 : i32
      %sign3A_66 = arith.extui %sign3A_65 : i1 to i32
      %sign3A_67 = arith.constant 0 : i32
      %sign3A_68 = arith.cmpi slt, %jit3A_55, %sign3A_67 : i32
      %sign3A_69 = arith.extui %sign3A_68 : i1 to i32
      %sign3A_70 = arith.subi %sign3A_66, %sign3A_69 : i32
      %ne3A_71 = arith.cmpi ne, %sign3A_63, %sign3A_70 : i32
      %rem3A_72 = arith.remsi %mul3A_54, %jit3A_55 : i32
      %ne3A_73 = arith.constant 0 : i32
      %ne3A_74 = arith.cmpi ne, %rem3A_72, %ne3A_73 : i32
      %and3A_75 = arith.andi %ne3A_71, %ne3A_74 : i1
      %sub3A_76 = arith.constant 1 : i32
      %sub3A_77 = arith.subi %div3A_56, %sub3A_76 : i32
      %select_n3A_78 = arith.select %and3A_75, %sub3A_77, %div3A_56 : i32
      %sub3A_79 = arith.subi %select_n3A_78, %select_n3A : i32
      %add3A_80 = arith.constant 1262 : i32
      %add3A_81 = arith.addi %add3A_80, %select_n3A : i32
      %mul3A_82 = arith.constant 128 : i32
      %mul3A_83 = arith.muli %add3A_81, %mul3A_82 : i32
      %multiple_of3A = tpu.assume_multiple %mul3A_83, 128 : i32
      %dma_start3A = arith.constant 0 : i32
      %dma_start3A_84 = arith.constant 0 : i32
      %dma_start3A_85 = tpu.memref_slice %arg6[%dma_start3A_84] : memref<10112xi32, #tpu.memory_space<vmem>> -> memref<9984xi32, #tpu.memory_space<vmem>>
      %dma_start3A_86 = tpu.memref_slice %arg3[%dma_start3A, %multiple_of3A] : memref<2x320000xi32, #tpu.memory_space<hbm>> -> memref<1x9984xi32, #tpu.memory_space<hbm>>
      %dma_start3A_87 = tpu.memref_squeeze %dma_start3A_86 : memref<1x9984xi32, #tpu.memory_space<hbm>> -> memref<9984xi32, #tpu.memory_space<hbm>>
      %dma_start3A_88 = arith.constant 0 : i32
      %dma_start3A_89 = tpu.memref_slice %arg6[%dma_start3A_88] : memref<10112xi32, #tpu.memory_space<vmem>> -> memref<9984xi32, #tpu.memory_space<vmem>>
      %dma_start3A_90 = tpu.memref_slice %arg3[%dma_start3A, %multiple_of3A] : memref<2x320000xi32, #tpu.memory_space<hbm>> -> memref<1x9984xi32, #tpu.memory_space<hbm>>
      %dma_start3A_91 = tpu.memref_squeeze %dma_start3A_90 : memref<1x9984xi32, #tpu.memory_space<hbm>> -> memref<9984xi32, #tpu.memory_space<hbm>>
      tpu.enqueue_dma source(%dma_start3A_91 : memref<9984xi32, #tpu.memory_space<hbm>>) target(%dma_start3A_89 : memref<9984xi32, #tpu.memory_space<vmem>>) target_semaphore(%arg18 : memref<!tpu.dma_semaphore, #tpu.memory_space<semaphore_mem>>)
    } else {
    }
    %mul3A = arith.constant 624 : i32
    %mul3A_6 = arith.muli %arg1, %mul3A : i32
    %eq3A_7 = arith.constant 0 : i32
    %eq3A_8 = arith.cmpi eq, %arg0, %eq3A_7 : i32
    %convert_element_type3A_9 = arith.extui %eq3A_8 : i1 to i32
    %cond3A_10 = arith.constant 0 : i32
    %cond3A_11 = arith.cmpi ne, %convert_element_type3A_9, %cond3A_10 : i32
    scf.if %cond3A_11 {
      "tpu.region"() ({
        %run_scoped3A = tpu.sem_alloc : memref<!tpu.dma_semaphore, #tpu.memory_space<semaphore_mem>>
        %dma_start3A = arith.constant 0 : i32
        %dma_start3A_38 = tpu.memref_slice %arg11[%mul3A_6, %dma_start3A] : memref<10000x128xf32, #tpu.memory_space<vmem_shared>> -> memref<624x128xf32, #tpu.memory_space<vmem_shared>>
        %dma_start3A_39 = arith.constant 0 : i32
        %dma_start3A_40 = tpu.memref_slice %arg2[%mul3A_6, %dma_start3A_39] : memref<10000x128xf32, #tpu.memory_space<hbm>> -> memref<624x128xf32, #tpu.memory_space<hbm>>
        tpu.enqueue_dma source(%dma_start3A_40 : memref<624x128xf32, #tpu.memory_space<hbm>>) target(%dma_start3A_38 : memref<624x128xf32, #tpu.memory_space<vmem_shared>>) target_semaphore(%run_scoped3A : memref<!tpu.dma_semaphore, #tpu.memory_space<semaphore_mem>>)
        %dma_wait3A = arith.constant 0 : i32
        %dma_wait3A_41 = tpu.memref_slice %arg11[%mul3A_6, %dma_wait3A] : memref<10000x128xf32, #tpu.memory_space<vmem_shared>> -> memref<624x128xf32, #tpu.memory_space<vmem_shared>>
        %dma_wait3A_42 = arith.constant 0 : i32
        %dma_wait3A_43 = tpu.memref_slice %arg2[%mul3A_6, %dma_wait3A_42] : memref<10000x128xf32, #tpu.memory_space<hbm>> -> memref<624x128xf32, #tpu.memory_space<hbm>>
        tpu.wait_dma2 semaphore(%run_scoped3A : memref<!tpu.dma_semaphore, #tpu.memory_space<semaphore_mem>>) src(%dma_wait3A_43 : memref<624x128xf32, #tpu.memory_space<hbm>>) dst(%dma_wait3A_41 : memref<624x128xf32, #tpu.memory_space<vmem_shared>>)
        tpu.yield
      }) : () -> ()
      %eq3A_33 = arith.constant 15 : i32
      %eq3A_34 = arith.cmpi eq, %arg1, %eq3A_33 : i32
      %convert_element_type3A_35 = arith.extui %eq3A_34 : i1 to i32
      %cond3A_36 = arith.constant 0 : i32
      %cond3A_37 = arith.cmpi ne, %convert_element_type3A_35, %cond3A_36 : i32
      scf.if %cond3A_37 {
        "tpu.region"() ({
          %run_scoped3A = tpu.sem_alloc : memref<!tpu.dma_semaphore, #tpu.memory_space<semaphore_mem>>
          %dma_start3A = arith.constant 9984 : i32
          %dma_start3A_38 = arith.constant 0 : i32
          %dma_start3A_39 = tpu.memref_slice %arg11[%dma_start3A, %dma_start3A_38] : memref<10000x128xf32, #tpu.memory_space<vmem_shared>> -> memref<16x128xf32, #tpu.memory_space<vmem_shared>>
          %dma_start3A_40 = arith.constant 9984 : i32
          %dma_start3A_41 = arith.constant 0 : i32
          %dma_start3A_42 = tpu.memref_slice %arg2[%dma_start3A_40, %dma_start3A_41] : memref<10000x128xf32, #tpu.memory_space<hbm>> -> memref<16x128xf32, #tpu.memory_space<hbm>>
          tpu.enqueue_dma source(%dma_start3A_42 : memref<16x128xf32, #tpu.memory_space<hbm>>) target(%dma_start3A_39 : memref<16x128xf32, #tpu.memory_space<vmem_shared>>) target_semaphore(%run_scoped3A : memref<!tpu.dma_semaphore, #tpu.memory_space<semaphore_mem>>)
          %dma_wait3A = arith.constant 9984 : i32
          %dma_wait3A_43 = arith.constant 0 : i32
          %dma_wait3A_44 = tpu.memref_slice %arg11[%dma_wait3A, %dma_wait3A_43] : memref<10000x128xf32, #tpu.memory_space<vmem_shared>> -> memref<16x128xf32, #tpu.memory_space<vmem_shared>>
          %dma_wait3A_45 = arith.constant 9984 : i32
          %dma_wait3A_46 = arith.constant 0 : i32
          %dma_wait3A_47 = tpu.memref_slice %arg2[%dma_wait3A_45, %dma_wait3A_46] : memref<10000x128xf32, #tpu.memory_space<hbm>> -> memref<16x128xf32, #tpu.memory_space<hbm>>
          tpu.wait_dma2 semaphore(%run_scoped3A : memref<!tpu.dma_semaphore, #tpu.memory_space<semaphore_mem>>) src(%dma_wait3A_47 : memref<16x128xf32, #tpu.memory_space<hbm>>) dst(%dma_wait3A_44 : memref<16x128xf32, #tpu.memory_space<vmem_shared>>)
          tpu.yield
        }) : () -> ()
      } else {
      }
    } else {
    }
    %ne3A_12 = arith.constant 0 : i32
    %ne3A_13 = arith.cmpi ne, %arg0, %ne3A_12 : i32
    %convert_element_type3A_14 = arith.extui %ne3A_13 : i1 to i32
    %cond3A_15 = arith.constant 0 : i32
    %cond3A_16 = arith.cmpi ne, %convert_element_type3A_14, %cond3A_15 : i32
    scf.if %cond3A_16 {
      %add3A = arith.constant 0 : i32
      %add3A_33 = arith.addi %mul3A_6, %add3A : i32
      "tpu.region"() ({
        %run_scoped3A = tpu.sem_alloc : memref<!tpu.dma_semaphore, #tpu.memory_space<semaphore_mem>>
        %dma_start3A = arith.constant 0 : i32
        %dma_start3A_48 = tpu.memref_slice %arg11[%add3A_33, %dma_start3A] : memref<10000x128xf32, #tpu.memory_space<vmem_shared>> -> memref<128x128xf32, #tpu.memory_space<vmem_shared>>
        tpu.enqueue_dma source(%arg4 : memref<128x128xf32, #tpu.memory_space<hbm>>) target(%dma_start3A_48 : memref<128x128xf32, #tpu.memory_space<vmem_shared>>) target_semaphore(%run_scoped3A : memref<!tpu.dma_semaphore, #tpu.memory_space<semaphore_mem>>)
        %dma_wait3A = arith.constant 0 : i32
        %dma_wait3A_49 = tpu.memref_slice %arg11[%add3A_33, %dma_wait3A] : memref<10000x128xf32, #tpu.memory_space<vmem_shared>> -> memref<128x128xf32, #tpu.memory_space<vmem_shared>>
        tpu.wait_dma2 semaphore(%run_scoped3A : memref<!tpu.dma_semaphore, #tpu.memory_space<semaphore_mem>>) src(%arg4 : memref<128x128xf32, #tpu.memory_space<hbm>>) dst(%dma_wait3A_49 : memref<128x128xf32, #tpu.memory_space<vmem_shared>>)
        tpu.yield
      }) : () -> ()
      %add3A_34 = arith.constant 128 : i32
      %add3A_35 = arith.addi %mul3A_6, %add3A_34 : i32
      "tpu.region"() ({
        %run_scoped3A = tpu.sem_alloc : memref<!tpu.dma_semaphore, #tpu.memory_space<semaphore_mem>>
        %dma_start3A = arith.constant 0 : i32
        %dma_start3A_48 = tpu.memref_slice %arg11[%add3A_35, %dma_start3A] : memref<10000x128xf32, #tpu.memory_space<vmem_shared>> -> memref<128x128xf32, #tpu.memory_space<vmem_shared>>
        tpu.enqueue_dma source(%arg4 : memref<128x128xf32, #tpu.memory_space<hbm>>) target(%dma_start3A_48 : memref<128x128xf32, #tpu.memory_space<vmem_shared>>) target_semaphore(%run_scoped3A : memref<!tpu.dma_semaphore, #tpu.memory_space<semaphore_mem>>)
        %dma_wait3A = arith.constant 0 : i32
        %dma_wait3A_49 = tpu.memref_slice %arg11[%add3A_35, %dma_wait3A] : memref<10000x128xf32, #tpu.memory_space<vmem_shared>> -> memref<128x128xf32, #tpu.memory_space<vmem_shared>>
        tpu.wait_dma2 semaphore(%run_scoped3A : memref<!tpu.dma_semaphore, #tpu.memory_space<semaphore_mem>>) src(%arg4 : memref<128x128xf32, #tpu.memory_space<hbm>>) dst(%dma_wait3A_49 : memref<128x128xf32, #tpu.memory_space<vmem_shared>>)
        tpu.yield
      }) : () -> ()
      %add3A_36 = arith.constant 256 : i32
      %add3A_37 = arith.addi %mul3A_6, %add3A_36 : i32
      "tpu.region"() ({
        %run_scoped3A = tpu.sem_alloc : memref<!tpu.dma_semaphore, #tpu.memory_space<semaphore_mem>>
        %dma_start3A = arith.constant 0 : i32
        %dma_start3A_48 = tpu.memref_slice %arg11[%add3A_37, %dma_start3A] : memref<10000x128xf32, #tpu.memory_space<vmem_shared>> -> memref<128x128xf32, #tpu.memory_space<vmem_shared>>
        tpu.enqueue_dma source(%arg4 : memref<128x128xf32, #tpu.memory_space<hbm>>) target(%dma_start3A_48 : memref<128x128xf32, #tpu.memory_space<vmem_shared>>) target_semaphore(%run_scoped3A : memref<!tpu.dma_semaphore, #tpu.memory_space<semaphore_mem>>)
        %dma_wait3A = arith.constant 0 : i32
        %dma_wait3A_49 = tpu.memref_slice %arg11[%add3A_37, %dma_wait3A] : memref<10000x128xf32, #tpu.memory_space<vmem_shared>> -> memref<128x128xf32, #tpu.memory_space<vmem_shared>>
        tpu.wait_dma2 semaphore(%run_scoped3A : memref<!tpu.dma_semaphore, #tpu.memory_space<semaphore_mem>>) src(%arg4 : memref<128x128xf32, #tpu.memory_space<hbm>>) dst(%dma_wait3A_49 : memref<128x128xf32, #tpu.memory_space<vmem_shared>>)
        tpu.yield
      }) : () -> ()
      %add3A_38 = arith.constant 384 : i32
      %add3A_39 = arith.addi %mul3A_6, %add3A_38 : i32
      "tpu.region"() ({
        %run_scoped3A = tpu.sem_alloc : memref<!tpu.dma_semaphore, #tpu.memory_space<semaphore_mem>>
        %dma_start3A = arith.constant 0 : i32
        %dma_start3A_48 = tpu.memref_slice %arg11[%add3A_39, %dma_start3A] : memref<10000x128xf32, #tpu.memory_space<vmem_shared>> -> memref<128x128xf32, #tpu.memory_space<vmem_shared>>
        tpu.enqueue_dma source(%arg4 : memref<128x128xf32, #tpu.memory_space<hbm>>) target(%dma_start3A_48 : memref<128x128xf32, #tpu.memory_space<vmem_shared>>) target_semaphore(%run_scoped3A : memref<!tpu.dma_semaphore, #tpu.memory_space<semaphore_mem>>)
        %dma_wait3A = arith.constant 0 : i32
        %dma_wait3A_49 = tpu.memref_slice %arg11[%add3A_39, %dma_wait3A] : memref<10000x128xf32, #tpu.memory_space<vmem_shared>> -> memref<128x128xf32, #tpu.memory_space<vmem_shared>>
        tpu.wait_dma2 semaphore(%run_scoped3A : memref<!tpu.dma_semaphore, #tpu.memory_space<semaphore_mem>>) src(%arg4 : memref<128x128xf32, #tpu.memory_space<hbm>>) dst(%dma_wait3A_49 : memref<128x128xf32, #tpu.memory_space<vmem_shared>>)
        tpu.yield
      }) : () -> ()
      %add3A_40 = arith.constant 624 : i32
      %add3A_41 = arith.addi %mul3A_6, %add3A_40 : i32
      %sub3A = arith.constant 112 : i32
      %sub3A_42 = arith.subi %add3A_41, %sub3A : i32
      "tpu.region"() ({
        %run_scoped3A = tpu.sem_alloc : memref<!tpu.dma_semaphore, #tpu.memory_space<semaphore_mem>>
        %dma_start3A = arith.constant 0 : i32
        %dma_start3A_48 = tpu.memref_slice %arg11[%sub3A_42, %dma_start3A] : memref<10000x128xf32, #tpu.memory_space<vmem_shared>> -> memref<112x128xf32, #tpu.memory_space<vmem_shared>>
        %dma_start3A_49 = arith.constant 0 : i32
        %dma_start3A_50 = arith.constant 0 : i32
        %dma_start3A_51 = tpu.memref_slice %arg4[%dma_start3A_49, %dma_start3A_50] : memref<128x128xf32, #tpu.memory_space<hbm>> -> memref<112x128xf32, #tpu.memory_space<hbm>>
        tpu.enqueue_dma source(%dma_start3A_51 : memref<112x128xf32, #tpu.memory_space<hbm>>) target(%dma_start3A_48 : memref<112x128xf32, #tpu.memory_space<vmem_shared>>) target_semaphore(%run_scoped3A : memref<!tpu.dma_semaphore, #tpu.memory_space<semaphore_mem>>)
        %dma_wait3A = arith.constant 0 : i32
        %dma_wait3A_52 = tpu.memref_slice %arg11[%sub3A_42, %dma_wait3A] : memref<10000x128xf32, #tpu.memory_space<vmem_shared>> -> memref<112x128xf32, #tpu.memory_space<vmem_shared>>
        %dma_wait3A_53 = arith.constant 0 : i32
        %dma_wait3A_54 = arith.constant 0 : i32
        %dma_wait3A_55 = tpu.memref_slice %arg4[%dma_wait3A_53, %dma_wait3A_54] : memref<128x128xf32, #tpu.memory_space<hbm>> -> memref<112x128xf32, #tpu.memory_space<hbm>>
        tpu.wait_dma2 semaphore(%run_scoped3A : memref<!tpu.dma_semaphore, #tpu.memory_space<semaphore_mem>>) src(%dma_wait3A_55 : memref<112x128xf32, #tpu.memory_space<hbm>>) dst(%dma_wait3A_52 : memref<112x128xf32, #tpu.memory_space<vmem_shared>>)
        tpu.yield
      }) : () -> ()
      %eq3A_43 = arith.constant 15 : i32
      %eq3A_44 = arith.cmpi eq, %arg1, %eq3A_43 : i32
      %convert_element_type3A_45 = arith.extui %eq3A_44 : i1 to i32
      %cond3A_46 = arith.constant 0 : i32
      %cond3A_47 = arith.cmpi ne, %convert_element_type3A_45, %cond3A_46 : i32
      scf.if %cond3A_47 {
        "tpu.region"() ({
          %run_scoped3A = tpu.sem_alloc : memref<!tpu.dma_semaphore, #tpu.memory_space<semaphore_mem>>
          %dma_start3A = arith.constant 9984 : i32
          %dma_start3A_48 = arith.constant 0 : i32
          %dma_start3A_49 = tpu.memref_slice %arg11[%dma_start3A, %dma_start3A_48] : memref<10000x128xf32, #tpu.memory_space<vmem_shared>> -> memref<16x128xf32, #tpu.memory_space<vmem_shared>>
          %dma_start3A_50 = arith.constant 0 : i32
          %dma_start3A_51 = arith.constant 0 : i32
          %dma_start3A_52 = tpu.memref_slice %arg4[%dma_start3A_50, %dma_start3A_51] : memref<128x128xf32, #tpu.memory_space<hbm>> -> memref<16x128xf32, #tpu.memory_space<hbm>>
          tpu.enqueue_dma source(%dma_start3A_52 : memref<16x128xf32, #tpu.memory_space<hbm>>) target(%dma_start3A_49 : memref<16x128xf32, #tpu.memory_space<vmem_shared>>) target_semaphore(%run_scoped3A : memref<!tpu.dma_semaphore, #tpu.memory_space<semaphore_mem>>)
          %dma_wait3A = arith.constant 9984 : i32
          %dma_wait3A_53 = arith.constant 0 : i32
          %dma_wait3A_54 = tpu.memref_slice %arg11[%dma_wait3A, %dma_wait3A_53] : memref<10000x128xf32, #tpu.memory_space<vmem_shared>> -> memref<16x128xf32, #tpu.memory_space<vmem_shared>>
          %dma_wait3A_55 = arith.constant 0 : i32
          %dma_wait3A_56 = arith.constant 0 : i32
          %dma_wait3A_57 = tpu.memref_slice %arg4[%dma_wait3A_55, %dma_wait3A_56] : memref<128x128xf32, #tpu.memory_space<hbm>> -> memref<16x128xf32, #tpu.memory_space<hbm>>
          tpu.wait_dma2 semaphore(%run_scoped3A : memref<!tpu.dma_semaphore, #tpu.memory_space<semaphore_mem>>) src(%dma_wait3A_57 : memref<16x128xf32, #tpu.memory_space<hbm>>) dst(%dma_wait3A_54 : memref<16x128xf32, #tpu.memory_space<vmem_shared>>)
          tpu.yield
        }) : () -> ()
      } else {
      }
    } else {
    }
    %barrier3A = arith.constant 0 : index
    tpu.barrier barrier_id(%barrier3A)
    %eq3A_17 = arith.constant 0 : i32
    %eq3A_18 = arith.cmpi eq, %arg0, %eq3A_17 : i32
    %convert_element_type3A_19 = arith.extui %eq3A_18 : i1 to i32
    %cond3A_20 = arith.constant 0 : i32
    %cond3A_21 = arith.cmpi ne, %convert_element_type3A_19, %cond3A_20 : i32
    scf.if %cond3A_21 {
      %mul3A_33 = arith.constant 1262 : i32
      %mul3A_34 = arith.muli %arg1, %mul3A_33 : i32
      %jit3A = arith.constant 16 : i32
      %div3A = arith.divsi %mul3A_34, %jit3A : i32
      %sign3A = arith.constant 0 : i32
      %sign3A_35 = arith.cmpi sgt, %mul3A_34, %sign3A : i32
      %sign3A_36 = arith.extui %sign3A_35 : i1 to i32
      %sign3A_37 = arith.constant 0 : i32
      %sign3A_38 = arith.cmpi slt, %mul3A_34, %sign3A_37 : i32
      %sign3A_39 = arith.extui %sign3A_38 : i1 to i32
      %sign3A_40 = arith.subi %sign3A_36, %sign3A_39 : i32
      %sign3A_41 = arith.constant 0 : i32
      %sign3A_42 = arith.cmpi sgt, %jit3A, %sign3A_41 : i32
      %sign3A_43 = arith.extui %sign3A_42 : i1 to i32
      %sign3A_44 = arith.constant 0 : i32
      %sign3A_45 = arith.cmpi slt, %jit3A, %sign3A_44 : i32
      %sign3A_46 = arith.extui %sign3A_45 : i1 to i32
      %sign3A_47 = arith.subi %sign3A_43, %sign3A_46 : i32
      %ne3A_48 = arith.cmpi ne, %sign3A_40, %sign3A_47 : i32
      %rem3A = arith.remsi %mul3A_34, %jit3A : i32
      %ne3A_49 = arith.constant 0 : i32
      %ne3A_50 = arith.cmpi ne, %rem3A, %ne3A_49 : i32
      %and3A = arith.andi %ne3A_48, %ne3A_50 : i1
      %sub3A = arith.constant 1 : i32
      %sub3A_51 = arith.subi %div3A, %sub3A : i32
      %select_n3A = arith.select %and3A, %sub3A_51, %div3A : i32
      %add3A = arith.constant 1 : i32
      %add3A_52 = arith.addi %arg1, %add3A : i32
      %mul3A_53 = arith.constant 1262 : i32
      %mul3A_54 = arith.muli %add3A_52, %mul3A_53 : i32
      %jit3A_55 = arith.constant 16 : i32
      %div3A_56 = arith.divsi %mul3A_54, %jit3A_55 : i32
      %sign3A_57 = arith.constant 0 : i32
      %sign3A_58 = arith.cmpi sgt, %mul3A_54, %sign3A_57 : i32
      %sign3A_59 = arith.extui %sign3A_58 : i1 to i32
      %sign3A_60 = arith.constant 0 : i32
      %sign3A_61 = arith.cmpi slt, %mul3A_54, %sign3A_60 : i32
      %sign3A_62 = arith.extui %sign3A_61 : i1 to i32
      %sign3A_63 = arith.subi %sign3A_59, %sign3A_62 : i32
      %sign3A_64 = arith.constant 0 : i32
      %sign3A_65 = arith.cmpi sgt, %jit3A_55, %sign3A_64 : i32
      %sign3A_66 = arith.extui %sign3A_65 : i1 to i32
      %sign3A_67 = arith.constant 0 : i32
      %sign3A_68 = arith.cmpi slt, %jit3A_55, %sign3A_67 : i32
      %sign3A_69 = arith.extui %sign3A_68 : i1 to i32
      %sign3A_70 = arith.subi %sign3A_66, %sign3A_69 : i32
      %ne3A_71 = arith.cmpi ne, %sign3A_63, %sign3A_70 : i32
      %rem3A_72 = arith.remsi %mul3A_54, %jit3A_55 : i32
      %ne3A_73 = arith.constant 0 : i32
      %ne3A_74 = arith.cmpi ne, %rem3A_72, %ne3A_73 : i32
      %and3A_75 = arith.andi %ne3A_71, %ne3A_74 : i1
      %sub3A_76 = arith.constant 1 : i32
      %sub3A_77 = arith.subi %div3A_56, %sub3A_76 : i32
      %select_n3A_78 = arith.select %and3A_75, %sub3A_77, %div3A_56 : i32
      %sub3A_79 = arith.subi %select_n3A_78, %select_n3A : i32
      %add3A_80 = arith.constant 0 : i32
      %add3A_81 = arith.addi %add3A_80, %select_n3A : i32
      %mul3A_82 = arith.constant 128 : i32
      %mul3A_83 = arith.muli %add3A_81, %mul3A_82 : i32
      %multiple_of3A = tpu.assume_multiple %mul3A_83, 128 : i32
      %dma_wait3A = arith.constant 0 : i32
      %dma_wait3A_84 = arith.constant 0 : i32
      %dma_wait3A_85 = tpu.memref_slice %arg6[%dma_wait3A_84] : memref<10112xi32, #tpu.memory_space<vmem>> -> memref<10112xi32, #tpu.memory_space<vmem>>
      %dma_wait3A_86 = arith.constant 0 : i32
      %dma_wait3A_87 = tpu.memref_slice %arg3[%dma_wait3A, %dma_wait3A_86] : memref<2x320000xi32, #tpu.memory_space<hbm>> -> memref<1x10112xi32, #tpu.memory_space<hbm>>
      %dma_wait3A_88 = tpu.memref_squeeze %dma_wait3A_87 : memref<1x10112xi32, #tpu.memory_space<hbm>> -> memref<10112xi32, #tpu.memory_space<hbm>>
      %dma_wait3A_89 = arith.constant 0 : i32
      %dma_wait3A_90 = tpu.memref_slice %arg6[%dma_wait3A_89] : memref<10112xi32, #tpu.memory_space<vmem>> -> memref<10112xi32, #tpu.memory_space<vmem>>
      %dma_wait3A_91 = arith.constant 0 : i32
      %dma_wait3A_92 = tpu.memref_slice %arg3[%dma_wait3A, %dma_wait3A_91] : memref<2x320000xi32, #tpu.memory_space<hbm>> -> memref<1x10112xi32, #tpu.memory_space<hbm>>
      %dma_wait3A_93 = tpu.memref_squeeze %dma_wait3A_92 : memref<1x10112xi32, #tpu.memory_space<hbm>> -> memref<10112xi32, #tpu.memory_space<hbm>>
      tpu.wait_dma2 semaphore(%arg18 : memref<!tpu.dma_semaphore, #tpu.memory_space<semaphore_mem>>) src(%dma_wait3A_93 : memref<10112xi32, #tpu.memory_space<hbm>>) dst(%dma_wait3A_90 : memref<10112xi32, #tpu.memory_space<vmem>>)
      %multiple_of3A_94 = arith.constant 0 : i32
      %multiple_of3A_95 = tpu.assume_multiple %multiple_of3A_94, 128 : i32
      %dma_start3A = tpu.memref_slice %arg6[%multiple_of3A_95] : memref<10112xi32, #tpu.memory_space<vmem>> -> memref<128xi32, #tpu.memory_space<vmem>>
      %dma_start3A_96 = arith.constant 0 : i32
      %dma_start3A_97 = arith.constant 0 : i32
      %dma_start3A_98 = tpu.memref_slice %arg2[%dma_start3A_96, %dma_start3A_97] : memref<10000x128xf32, #tpu.memory_space<hbm>> -> memref<10000x128xf32, #tpu.memory_space<hbm>>
      tpu.enqueue_indirect_dma source(%dma_start3A_98 : memref<10000x128xf32, #tpu.memory_space<hbm>>) target(%arg9 : memref<128x128xf32, #tpu.memory_space<vmem>>) offsets(%dma_start3A : memref<128xi32, #tpu.memory_space<vmem>>) semaphore(%arg12 : memref<!tpu.dma_semaphore, #tpu.memory_space<semaphore_mem>>)
      %add3A_99 = arith.addi %multiple_of3A, %multiple_of3A_95 : i32
      %dma_start3A_100 = arith.constant 1 : i32
      %dma_start3A_101 = tpu.memref_slice %arg3[%dma_start3A_100, %add3A_99] : memref<2x320000xi32, #tpu.memory_space<hbm>> -> memref<1x128xi32, #tpu.memory_space<hbm>>
      %dma_start3A_102 = tpu.memref_squeeze %dma_start3A_101 : memref<1x128xi32, #tpu.memory_space<hbm>> -> memref<128xi32, #tpu.memory_space<hbm>>
      %dma_start3A_103 = tpu.memref_slice %arg3[%dma_start3A_100, %add3A_99] : memref<2x320000xi32, #tpu.memory_space<hbm>> -> memref<1x128xi32, #tpu.memory_space<hbm>>
      %dma_start3A_104 = tpu.memref_squeeze %dma_start3A_103 : memref<1x128xi32, #tpu.memory_space<hbm>> -> memref<128xi32, #tpu.memory_space<hbm>>
      tpu.enqueue_dma source(%dma_start3A_104 : memref<128xi32, #tpu.memory_space<hbm>>) target(%arg7 : memref<128xi32, #tpu.memory_space<vmem>>) target_semaphore(%arg16 : memref<!tpu.dma_semaphore, #tpu.memory_space<semaphore_mem>>)
      %jit3A_105 = arith.constant 2 : i32
      %div3A_106 = arith.divsi %sub3A_79, %jit3A_105 : i32
      %sign3A_107 = arith.constant 0 : i32
      %sign3A_108 = arith.cmpi sgt, %sub3A_79, %sign3A_107 : i32
      %sign3A_109 = arith.extui %sign3A_108 : i1 to i32
      %sign3A_110 = arith.constant 0 : i32
      %sign3A_111 = arith.cmpi slt, %sub3A_79, %sign3A_110 : i32
      %sign3A_112 = arith.extui %sign3A_111 : i1 to i32
      %sign3A_113 = arith.subi %sign3A_109, %sign3A_112 : i32
      %sign3A_114 = arith.constant 0 : i32
      %sign3A_115 = arith.cmpi sgt, %jit3A_105, %sign3A_114 : i32
      %sign3A_116 = arith.extui %sign3A_115 : i1 to i32
      %sign3A_117 = arith.constant 0 : i32
      %sign3A_118 = arith.cmpi slt, %jit3A_105, %sign3A_117 : i32
      %sign3A_119 = arith.extui %sign3A_118 : i1 to i32
      %sign3A_120 = arith.subi %sign3A_116, %sign3A_119 : i32
      %ne3A_121 = arith.cmpi ne, %sign3A_113, %sign3A_120 : i32
      %rem3A_122 = arith.remsi %sub3A_79, %jit3A_105 : i32
      %ne3A_123 = arith.constant 0 : i32
      %ne3A_124 = arith.cmpi ne, %rem3A_122, %ne3A_123 : i32
      %and3A_125 = arith.andi %ne3A_121, %ne3A_124 : i1
      %sub3A_126 = arith.constant 1 : i32
      %sub3A_127 = arith.subi %div3A_106, %sub3A_126 : i32
      %select_n3A_128 = arith.select %and3A_125, %sub3A_127, %div3A_106 : i32
      %while3A = arith.constant 0 : i32
      %while3A_129 = arith.constant 0 : i32
      %while3A_130 = arith.subi %select_n3A_128, %while3A_129 : i32
      %while3A_131 = arith.addi %while3A_129, %while3A_130 : i32
      %while3A_132 = arith.constant 1 : i32
      %while3A_133 = arith.divsi %while3A_130, %while3A_132 : i32
      %while3A_134 = arith.muli %while3A_133, %while3A_132 : i32
      %while3A_135 = arith.addi %while3A_129, %while3A_134 : i32
      %while3A_136 = arith.constant 1 : i32
      scf.for %while3A_164 = %while3A_129 to %while3A_135 step %while3A_136  : i32 {
        %mul3A_165 = arith.constant 2 : i32
        %mul3A_166 = arith.muli %mul3A_165, %while3A_164 : i32
        %add3A_167 = arith.constant 0 : i32
        %add3A_168 = arith.addi %mul3A_166, %add3A_167 : i32
        %dma_wait3A_169 = arith.constant 0 : i32
        %dma_wait3A_170 = tpu.memref_slice %arg6[%dma_wait3A_169] : memref<10112xi32, #tpu.memory_space<vmem>> -> memref<128xi32, #tpu.memory_space<vmem>>
        %dma_wait3A_171 = arith.constant 0 : i32
        %dma_wait3A_172 = arith.constant 0 : i32
        %dma_wait3A_173 = tpu.memref_slice %arg2[%dma_wait3A_171, %dma_wait3A_172] : memref<10000x128xf32, #tpu.memory_space<hbm>> -> memref<10000x128xf32, #tpu.memory_space<hbm>>
        tpu.wait_indirect_dma semaphore(%arg12 : memref<!tpu.dma_semaphore, #tpu.memory_space<semaphore_mem>>) src(%dma_wait3A_173 : memref<10000x128xf32, #tpu.memory_space<hbm>>) dst(%arg9 : memref<128x128xf32, #tpu.memory_space<vmem>>)
        %dma_wait3A_174 = arith.constant 1 : i32
        %dma_wait3A_175 = arith.constant 0 : i32
        %dma_wait3A_176 = tpu.memref_slice %arg3[%dma_wait3A_174, %dma_wait3A_175] : memref<2x320000xi32, #tpu.memory_space<hbm>> -> memref<1x128xi32, #tpu.memory_space<hbm>>
        %dma_wait3A_177 = tpu.memref_squeeze %dma_wait3A_176 : memref<1x128xi32, #tpu.memory_space<hbm>> -> memref<128xi32, #tpu.memory_space<hbm>>
        %dma_wait3A_178 = arith.constant 0 : i32
        %dma_wait3A_179 = tpu.memref_slice %arg3[%dma_wait3A_174, %dma_wait3A_178] : memref<2x320000xi32, #tpu.memory_space<hbm>> -> memref<1x128xi32, #tpu.memory_space<hbm>>
        %dma_wait3A_180 = tpu.memref_squeeze %dma_wait3A_179 : memref<1x128xi32, #tpu.memory_space<hbm>> -> memref<128xi32, #tpu.memory_space<hbm>>
        tpu.wait_dma2 semaphore(%arg16 : memref<!tpu.dma_semaphore, #tpu.memory_space<semaphore_mem>>) src(%dma_wait3A_180 : memref<128xi32, #tpu.memory_space<hbm>>) dst(%arg7 : memref<128xi32, #tpu.memory_space<vmem>>)
        %add3A_181 = arith.constant 1 : i32
        %add3A_182 = arith.addi %add3A_168, %add3A_181 : i32
        %lt3A_183 = arith.cmpi slt, %add3A_182, %sub3A_79 : i32
        %convert_element_type3A_184 = arith.extui %lt3A_183 : i1 to i32
        %cond3A_185 = arith.constant 0 : i32
        %cond3A_186 = arith.cmpi ne, %convert_element_type3A_184, %cond3A_185 : i32
        scf.if %cond3A_186 {
          %ge3A = arith.constant 1 : i32
          %ge3A_215 = arith.cmpi sge, %add3A_168, %ge3A : i32
          %convert_element_type3A_216 = arith.extui %ge3A_215 : i1 to i32
          %cond3A_217 = arith.constant 0 : i32
          %cond3A_218 = arith.cmpi ne, %convert_element_type3A_216, %cond3A_217 : i32
          scf.if %cond3A_218 {
            %dma_wait3A_234 = arith.constant 0 : i32
            %dma_wait3A_235 = arith.constant 0 : i32
            %dma_wait3A_236 = tpu.memref_slice %arg11[%dma_wait3A_234, %dma_wait3A_235] : memref<10000x128xf32, #tpu.memory_space<vmem_shared>> -> memref<10000x128xf32, #tpu.memory_space<vmem_shared>>
            tpu.wait_indirect_dma semaphore(%arg15 : memref<!tpu.dma_semaphore, #tpu.memory_space<semaphore_mem>>) src(%arg10 : memref<128x128xf32, #tpu.memory_space<vmem>>) dst(%dma_wait3A_236 : memref<10000x128xf32, #tpu.memory_space<vmem_shared>>)
          } else {
          }
          %add3A_219 = arith.constant 1 : i32
          %add3A_220 = arith.addi %add3A_168, %add3A_219 : i32
          %mul3A_221 = arith.constant 128 : i32
          %mul3A_222 = arith.muli %add3A_220, %mul3A_221 : i32
          %multiple_of3A_223 = tpu.assume_multiple %mul3A_222, 128 : i32
          %dma_start3A_224 = tpu.memref_slice %arg6[%multiple_of3A_223] : memref<10112xi32, #tpu.memory_space<vmem>> -> memref<128xi32, #tpu.memory_space<vmem>>
          %dma_start3A_225 = arith.constant 0 : i32
          %dma_start3A_226 = arith.constant 0 : i32
          %dma_start3A_227 = tpu.memref_slice %arg2[%dma_start3A_225, %dma_start3A_226] : memref<10000x128xf32, #tpu.memory_space<hbm>> -> memref<10000x128xf32, #tpu.memory_space<hbm>>
          tpu.enqueue_indirect_dma source(%dma_start3A_227 : memref<10000x128xf32, #tpu.memory_space<hbm>>) target(%arg10 : memref<128x128xf32, #tpu.memory_space<vmem>>) offsets(%dma_start3A_224 : memref<128xi32, #tpu.memory_space<vmem>>) semaphore(%arg13 : memref<!tpu.dma_semaphore, #tpu.memory_space<semaphore_mem>>)
          %add3A_228 = arith.addi %multiple_of3A, %multiple_of3A_223 : i32
          %dma_start3A_229 = arith.constant 1 : i32
          %dma_start3A_230 = tpu.memref_slice %arg3[%dma_start3A_229, %add3A_228] : memref<2x320000xi32, #tpu.memory_space<hbm>> -> memref<1x128xi32, #tpu.memory_space<hbm>>
          %dma_start3A_231 = tpu.memref_squeeze %dma_start3A_230 : memref<1x128xi32, #tpu.memory_space<hbm>> -> memref<128xi32, #tpu.memory_space<hbm>>
          %dma_start3A_232 = tpu.memref_slice %arg3[%dma_start3A_229, %add3A_228] : memref<2x320000xi32, #tpu.memory_space<hbm>> -> memref<1x128xi32, #tpu.memory_space<hbm>>
          %dma_start3A_233 = tpu.memref_squeeze %dma_start3A_232 : memref<1x128xi32, #tpu.memory_space<hbm>> -> memref<128xi32, #tpu.memory_space<hbm>>
          tpu.enqueue_dma source(%dma_start3A_233 : memref<128xi32, #tpu.memory_space<hbm>>) target(%arg8 : memref<128xi32, #tpu.memory_space<vmem>>) target_semaphore(%arg17 : memref<!tpu.dma_semaphore, #tpu.memory_space<semaphore_mem>>)
        } else {
        }
        %dma_start3A_187 = arith.constant 0 : i32
        %dma_start3A_188 = arith.constant 0 : i32
        %dma_start3A_189 = tpu.memref_slice %arg11[%dma_start3A_187, %dma_start3A_188] : memref<10000x128xf32, #tpu.memory_space<vmem_shared>> -> memref<10000x128xf32, #tpu.memory_space<vmem_shared>>
        tpu.enqueue_indirect_dma source(%arg9 : memref<128x128xf32, #tpu.memory_space<vmem>>) target(%dma_start3A_189 : memref<10000x128xf32, #tpu.memory_space<vmem_shared>>) offsets(%arg7 : memref<128xi32, #tpu.memory_space<vmem>>) semaphore(%arg14 : memref<!tpu.dma_semaphore, #tpu.memory_space<semaphore_mem>>) {add = true}
        %mul3A_190 = arith.constant 2 : i32
        %mul3A_191 = arith.muli %mul3A_190, %while3A_164 : i32
        %add3A_192 = arith.constant 1 : i32
        %add3A_193 = arith.addi %mul3A_191, %add3A_192 : i32
        %dma_wait3A_194 = arith.constant 0 : i32
        %dma_wait3A_195 = tpu.memref_slice %arg6[%dma_wait3A_194] : memref<10112xi32, #tpu.memory_space<vmem>> -> memref<128xi32, #tpu.memory_space<vmem>>
        %dma_wait3A_196 = arith.constant 0 : i32
        %dma_wait3A_197 = arith.constant 0 : i32
        %dma_wait3A_198 = tpu.memref_slice %arg2[%dma_wait3A_196, %dma_wait3A_197] : memref<10000x128xf32, #tpu.memory_space<hbm>> -> memref<10000x128xf32, #tpu.memory_space<hbm>>
        tpu.wait_indirect_dma semaphore(%arg13 : memref<!tpu.dma_semaphore, #tpu.memory_space<semaphore_mem>>) src(%dma_wait3A_198 : memref<10000x128xf32, #tpu.memory_space<hbm>>) dst(%arg10 : memref<128x128xf32, #tpu.memory_space<vmem>>)
        %dma_wait3A_199 = arith.constant 1 : i32
        %dma_wait3A_200 = arith.constant 0 : i32
        %dma_wait3A_201 = tpu.memref_slice %arg3[%dma_wait3A_199, %dma_wait3A_200] : memref<2x320000xi32, #tpu.memory_space<hbm>> -> memref<1x128xi32, #tpu.memory_space<hbm>>
        %dma_wait3A_202 = tpu.memref_squeeze %dma_wait3A_201 : memref<1x128xi32, #tpu.memory_space<hbm>> -> memref<128xi32, #tpu.memory_space<hbm>>
        %dma_wait3A_203 = arith.constant 0 : i32
        %dma_wait3A_204 = tpu.memref_slice %arg3[%dma_wait3A_199, %dma_wait3A_203] : memref<2x320000xi32, #tpu.memory_space<hbm>> -> memref<1x128xi32, #tpu.memory_space<hbm>>
        %dma_wait3A_205 = tpu.memref_squeeze %dma_wait3A_204 : memref<1x128xi32, #tpu.memory_space<hbm>> -> memref<128xi32, #tpu.memory_space<hbm>>
        tpu.wait_dma2 semaphore(%arg17 : memref<!tpu.dma_semaphore, #tpu.memory_space<semaphore_mem>>) src(%dma_wait3A_205 : memref<128xi32, #tpu.memory_space<hbm>>) dst(%arg8 : memref<128xi32, #tpu.memory_space<vmem>>)
        %add3A_206 = arith.constant 1 : i32
        %add3A_207 = arith.addi %add3A_193, %add3A_206 : i32
        %lt3A_208 = arith.cmpi slt, %add3A_207, %sub3A_79 : i32
        %convert_element_type3A_209 = arith.extui %lt3A_208 : i1 to i32
        %cond3A_210 = arith.constant 0 : i32
        %cond3A_211 = arith.cmpi ne, %convert_element_type3A_209, %cond3A_210 : i32
        scf.if %cond3A_211 {
          %ge3A = arith.constant 1 : i32
          %ge3A_215 = arith.cmpi sge, %add3A_193, %ge3A : i32
          %convert_element_type3A_216 = arith.extui %ge3A_215 : i1 to i32
          %cond3A_217 = arith.constant 0 : i32
          %cond3A_218 = arith.cmpi ne, %convert_element_type3A_216, %cond3A_217 : i32
          scf.if %cond3A_218 {
            %dma_wait3A_234 = arith.constant 0 : i32
            %dma_wait3A_235 = arith.constant 0 : i32
            %dma_wait3A_236 = tpu.memref_slice %arg11[%dma_wait3A_234, %dma_wait3A_235] : memref<10000x128xf32, #tpu.memory_space<vmem_shared>> -> memref<10000x128xf32, #tpu.memory_space<vmem_shared>>
            tpu.wait_indirect_dma semaphore(%arg14 : memref<!tpu.dma_semaphore, #tpu.memory_space<semaphore_mem>>) src(%arg9 : memref<128x128xf32, #tpu.memory_space<vmem>>) dst(%dma_wait3A_236 : memref<10000x128xf32, #tpu.memory_space<vmem_shared>>)
          } else {
          }
          %add3A_219 = arith.constant 1 : i32
          %add3A_220 = arith.addi %add3A_193, %add3A_219 : i32
          %mul3A_221 = arith.constant 128 : i32
          %mul3A_222 = arith.muli %add3A_220, %mul3A_221 : i32
          %multiple_of3A_223 = tpu.assume_multiple %mul3A_222, 128 : i32
          %dma_start3A_224 = tpu.memref_slice %arg6[%multiple_of3A_223] : memref<10112xi32, #tpu.memory_space<vmem>> -> memref<128xi32, #tpu.memory_space<vmem>>
          %dma_start3A_225 = arith.constant 0 : i32
          %dma_start3A_226 = arith.constant 0 : i32
          %dma_start3A_227 = tpu.memref_slice %arg2[%dma_start3A_225, %dma_start3A_226] : memref<10000x128xf32, #tpu.memory_space<hbm>> -> memref<10000x128xf32, #tpu.memory_space<hbm>>
          tpu.enqueue_indirect_dma source(%dma_start3A_227 : memref<10000x128xf32, #tpu.memory_space<hbm>>) target(%arg9 : memref<128x128xf32, #tpu.memory_space<vmem>>) offsets(%dma_start3A_224 : memref<128xi32, #tpu.memory_space<vmem>>) semaphore(%arg12 : memref<!tpu.dma_semaphore, #tpu.memory_space<semaphore_mem>>)
          %add3A_228 = arith.addi %multiple_of3A, %multiple_of3A_223 : i32
          %dma_start3A_229 = arith.constant 1 : i32
          %dma_start3A_230 = tpu.memref_slice %arg3[%dma_start3A_229, %add3A_228] : memref<2x320000xi32, #tpu.memory_space<hbm>> -> memref<1x128xi32, #tpu.memory_space<hbm>>
          %dma_start3A_231 = tpu.memref_squeeze %dma_start3A_230 : memref<1x128xi32, #tpu.memory_space<hbm>> -> memref<128xi32, #tpu.memory_space<hbm>>
          %dma_start3A_232 = tpu.memref_slice %arg3[%dma_start3A_229, %add3A_228] : memref<2x320000xi32, #tpu.memory_space<hbm>> -> memref<1x128xi32, #tpu.memory_space<hbm>>
          %dma_start3A_233 = tpu.memref_squeeze %dma_start3A_232 : memref<1x128xi32, #tpu.memory_space<hbm>> -> memref<128xi32, #tpu.memory_space<hbm>>
          tpu.enqueue_dma source(%dma_start3A_233 : memref<128xi32, #tpu.memory_space<hbm>>) target(%arg7 : memref<128xi32, #tpu.memory_space<vmem>>) target_semaphore(%arg16 : memref<!tpu.dma_semaphore, #tpu.memory_space<semaphore_mem>>)
        } else {
        }
        %dma_start3A_212 = arith.constant 0 : i32
        %dma_start3A_213 = arith.constant 0 : i32
        %dma_start3A_214 = tpu.memref_slice %arg11[%dma_start3A_212, %dma_start3A_213] : memref<10000x128xf32, #tpu.memory_space<vmem_shared>> -> memref<10000x128xf32, #tpu.memory_space<vmem_shared>>
        tpu.enqueue_indirect_dma source(%arg10 : memref<128x128xf32, #tpu.memory_space<vmem>>) target(%dma_start3A_214 : memref<10000x128xf32, #tpu.memory_space<vmem_shared>>) offsets(%arg8 : memref<128xi32, #tpu.memory_space<vmem>>) semaphore(%arg15 : memref<!tpu.dma_semaphore, #tpu.memory_space<semaphore_mem>>) {add = true}
      }
      %while3A_137 = arith.constant 1 : i32
      scf.for %while3A_164 = %while3A_135 to %while3A_131 step %while3A_137  : i32 {
        %mul3A_165 = arith.constant 2 : i32
        %mul3A_166 = arith.muli %mul3A_165, %while3A_164 : i32
        %add3A_167 = arith.constant 0 : i32
        %add3A_168 = arith.addi %mul3A_166, %add3A_167 : i32
        %dma_wait3A_169 = arith.constant 0 : i32
        %dma_wait3A_170 = tpu.memref_slice %arg6[%dma_wait3A_169] : memref<10112xi32, #tpu.memory_space<vmem>> -> memref<128xi32, #tpu.memory_space<vmem>>
        %dma_wait3A_171 = arith.constant 0 : i32
        %dma_wait3A_172 = arith.constant 0 : i32
        %dma_wait3A_173 = tpu.memref_slice %arg2[%dma_wait3A_171, %dma_wait3A_172] : memref<10000x128xf32, #tpu.memory_space<hbm>> -> memref<10000x128xf32, #tpu.memory_space<hbm>>
        tpu.wait_indirect_dma semaphore(%arg12 : memref<!tpu.dma_semaphore, #tpu.memory_space<semaphore_mem>>) src(%dma_wait3A_173 : memref<10000x128xf32, #tpu.memory_space<hbm>>) dst(%arg9 : memref<128x128xf32, #tpu.memory_space<vmem>>)
        %dma_wait3A_174 = arith.constant 1 : i32
        %dma_wait3A_175 = arith.constant 0 : i32
        %dma_wait3A_176 = tpu.memref_slice %arg3[%dma_wait3A_174, %dma_wait3A_175] : memref<2x320000xi32, #tpu.memory_space<hbm>> -> memref<1x128xi32, #tpu.memory_space<hbm>>
        %dma_wait3A_177 = tpu.memref_squeeze %dma_wait3A_176 : memref<1x128xi32, #tpu.memory_space<hbm>> -> memref<128xi32, #tpu.memory_space<hbm>>
        %dma_wait3A_178 = arith.constant 0 : i32
        %dma_wait3A_179 = tpu.memref_slice %arg3[%dma_wait3A_174, %dma_wait3A_178] : memref<2x320000xi32, #tpu.memory_space<hbm>> -> memref<1x128xi32, #tpu.memory_space<hbm>>
        %dma_wait3A_180 = tpu.memref_squeeze %dma_wait3A_179 : memref<1x128xi32, #tpu.memory_space<hbm>> -> memref<128xi32, #tpu.memory_space<hbm>>
        tpu.wait_dma2 semaphore(%arg16 : memref<!tpu.dma_semaphore, #tpu.memory_space<semaphore_mem>>) src(%dma_wait3A_180 : memref<128xi32, #tpu.memory_space<hbm>>) dst(%arg7 : memref<128xi32, #tpu.memory_space<vmem>>)
        %add3A_181 = arith.constant 1 : i32
        %add3A_182 = arith.addi %add3A_168, %add3A_181 : i32
        %lt3A_183 = arith.cmpi slt, %add3A_182, %sub3A_79 : i32
        %convert_element_type3A_184 = arith.extui %lt3A_183 : i1 to i32
        %cond3A_185 = arith.constant 0 : i32
        %cond3A_186 = arith.cmpi ne, %convert_element_type3A_184, %cond3A_185 : i32
        scf.if %cond3A_186 {
          %ge3A = arith.constant 1 : i32
          %ge3A_215 = arith.cmpi sge, %add3A_168, %ge3A : i32
          %convert_element_type3A_216 = arith.extui %ge3A_215 : i1 to i32
          %cond3A_217 = arith.constant 0 : i32
          %cond3A_218 = arith.cmpi ne, %convert_element_type3A_216, %cond3A_217 : i32
          scf.if %cond3A_218 {
            %dma_wait3A_234 = arith.constant 0 : i32
            %dma_wait3A_235 = arith.constant 0 : i32
            %dma_wait3A_236 = tpu.memref_slice %arg11[%dma_wait3A_234, %dma_wait3A_235] : memref<10000x128xf32, #tpu.memory_space<vmem_shared>> -> memref<10000x128xf32, #tpu.memory_space<vmem_shared>>
            tpu.wait_indirect_dma semaphore(%arg15 : memref<!tpu.dma_semaphore, #tpu.memory_space<semaphore_mem>>) src(%arg10 : memref<128x128xf32, #tpu.memory_space<vmem>>) dst(%dma_wait3A_236 : memref<10000x128xf32, #tpu.memory_space<vmem_shared>>)
          } else {
          }
          %add3A_219 = arith.constant 1 : i32
          %add3A_220 = arith.addi %add3A_168, %add3A_219 : i32
          %mul3A_221 = arith.constant 128 : i32
          %mul3A_222 = arith.muli %add3A_220, %mul3A_221 : i32
          %multiple_of3A_223 = tpu.assume_multiple %mul3A_222, 128 : i32
          %dma_start3A_224 = tpu.memref_slice %arg6[%multiple_of3A_223] : memref<10112xi32, #tpu.memory_space<vmem>> -> memref<128xi32, #tpu.memory_space<vmem>>
          %dma_start3A_225 = arith.constant 0 : i32
          %dma_start3A_226 = arith.constant 0 : i32
          %dma_start3A_227 = tpu.memref_slice %arg2[%dma_start3A_225, %dma_start3A_226] : memref<10000x128xf32, #tpu.memory_space<hbm>> -> memref<10000x128xf32, #tpu.memory_space<hbm>>
          tpu.enqueue_indirect_dma source(%dma_start3A_227 : memref<10000x128xf32, #tpu.memory_space<hbm>>) target(%arg10 : memref<128x128xf32, #tpu.memory_space<vmem>>) offsets(%dma_start3A_224 : memref<128xi32, #tpu.memory_space<vmem>>) semaphore(%arg13 : memref<!tpu.dma_semaphore, #tpu.memory_space<semaphore_mem>>)
          %add3A_228 = arith.addi %multiple_of3A, %multiple_of3A_223 : i32
          %dma_start3A_229 = arith.constant 1 : i32
          %dma_start3A_230 = tpu.memref_slice %arg3[%dma_start3A_229, %add3A_228] : memref<2x320000xi32, #tpu.memory_space<hbm>> -> memref<1x128xi32, #tpu.memory_space<hbm>>
          %dma_start3A_231 = tpu.memref_squeeze %dma_start3A_230 : memref<1x128xi32, #tpu.memory_space<hbm>> -> memref<128xi32, #tpu.memory_space<hbm>>
          %dma_start3A_232 = tpu.memref_slice %arg3[%dma_start3A_229, %add3A_228] : memref<2x320000xi32, #tpu.memory_space<hbm>> -> memref<1x128xi32, #tpu.memory_space<hbm>>
          %dma_start3A_233 = tpu.memref_squeeze %dma_start3A_232 : memref<1x128xi32, #tpu.memory_space<hbm>> -> memref<128xi32, #tpu.memory_space<hbm>>
          tpu.enqueue_dma source(%dma_start3A_233 : memref<128xi32, #tpu.memory_space<hbm>>) target(%arg8 : memref<128xi32, #tpu.memory_space<vmem>>) target_semaphore(%arg17 : memref<!tpu.dma_semaphore, #tpu.memory_space<semaphore_mem>>)
        } else {
        }
        %dma_start3A_187 = arith.constant 0 : i32
        %dma_start3A_188 = arith.constant 0 : i32
        %dma_start3A_189 = tpu.memref_slice %arg11[%dma_start3A_187, %dma_start3A_188] : memref<10000x128xf32, #tpu.memory_space<vmem_shared>> -> memref<10000x128xf32, #tpu.memory_space<vmem_shared>>
        tpu.enqueue_indirect_dma source(%arg9 : memref<128x128xf32, #tpu.memory_space<vmem>>) target(%dma_start3A_189 : memref<10000x128xf32, #tpu.memory_space<vmem_shared>>) offsets(%arg7 : memref<128xi32, #tpu.memory_space<vmem>>) semaphore(%arg14 : memref<!tpu.dma_semaphore, #tpu.memory_space<semaphore_mem>>) {add = true}
        %mul3A_190 = arith.constant 2 : i32
        %mul3A_191 = arith.muli %mul3A_190, %while3A_164 : i32
        %add3A_192 = arith.constant 1 : i32
        %add3A_193 = arith.addi %mul3A_191, %add3A_192 : i32
        %dma_wait3A_194 = arith.constant 0 : i32
        %dma_wait3A_195 = tpu.memref_slice %arg6[%dma_wait3A_194] : memref<10112xi32, #tpu.memory_space<vmem>> -> memref<128xi32, #tpu.memory_space<vmem>>
        %dma_wait3A_196 = arith.constant 0 : i32
        %dma_wait3A_197 = arith.constant 0 : i32
        %dma_wait3A_198 = tpu.memref_slice %arg2[%dma_wait3A_196, %dma_wait3A_197] : memref<10000x128xf32, #tpu.memory_space<hbm>> -> memref<10000x128xf32, #tpu.memory_space<hbm>>
        tpu.wait_indirect_dma semaphore(%arg13 : memref<!tpu.dma_semaphore, #tpu.memory_space<semaphore_mem>>) src(%dma_wait3A_198 : memref<10000x128xf32, #tpu.memory_space<hbm>>) dst(%arg10 : memref<128x128xf32, #tpu.memory_space<vmem>>)
        %dma_wait3A_199 = arith.constant 1 : i32
        %dma_wait3A_200 = arith.constant 0 : i32
        %dma_wait3A_201 = tpu.memref_slice %arg3[%dma_wait3A_199, %dma_wait3A_200] : memref<2x320000xi32, #tpu.memory_space<hbm>> -> memref<1x128xi32, #tpu.memory_space<hbm>>
        %dma_wait3A_202 = tpu.memref_squeeze %dma_wait3A_201 : memref<1x128xi32, #tpu.memory_space<hbm>> -> memref<128xi32, #tpu.memory_space<hbm>>
        %dma_wait3A_203 = arith.constant 0 : i32
        %dma_wait3A_204 = tpu.memref_slice %arg3[%dma_wait3A_199, %dma_wait3A_203] : memref<2x320000xi32, #tpu.memory_space<hbm>> -> memref<1x128xi32, #tpu.memory_space<hbm>>
        %dma_wait3A_205 = tpu.memref_squeeze %dma_wait3A_204 : memref<1x128xi32, #tpu.memory_space<hbm>> -> memref<128xi32, #tpu.memory_space<hbm>>
        tpu.wait_dma2 semaphore(%arg17 : memref<!tpu.dma_semaphore, #tpu.memory_space<semaphore_mem>>) src(%dma_wait3A_205 : memref<128xi32, #tpu.memory_space<hbm>>) dst(%arg8 : memref<128xi32, #tpu.memory_space<vmem>>)
        %add3A_206 = arith.constant 1 : i32
        %add3A_207 = arith.addi %add3A_193, %add3A_206 : i32
        %lt3A_208 = arith.cmpi slt, %add3A_207, %sub3A_79 : i32
        %convert_element_type3A_209 = arith.extui %lt3A_208 : i1 to i32
        %cond3A_210 = arith.constant 0 : i32
        %cond3A_211 = arith.cmpi ne, %convert_element_type3A_209, %cond3A_210 : i32
        scf.if %cond3A_211 {
          %ge3A = arith.constant 1 : i32
          %ge3A_215 = arith.cmpi sge, %add3A_193, %ge3A : i32
          %convert_element_type3A_216 = arith.extui %ge3A_215 : i1 to i32
          %cond3A_217 = arith.constant 0 : i32
          %cond3A_218 = arith.cmpi ne, %convert_element_type3A_216, %cond3A_217 : i32
          scf.if %cond3A_218 {
            %dma_wait3A_234 = arith.constant 0 : i32
            %dma_wait3A_235 = arith.constant 0 : i32
            %dma_wait3A_236 = tpu.memref_slice %arg11[%dma_wait3A_234, %dma_wait3A_235] : memref<10000x128xf32, #tpu.memory_space<vmem_shared>> -> memref<10000x128xf32, #tpu.memory_space<vmem_shared>>
            tpu.wait_indirect_dma semaphore(%arg14 : memref<!tpu.dma_semaphore, #tpu.memory_space<semaphore_mem>>) src(%arg9 : memref<128x128xf32, #tpu.memory_space<vmem>>) dst(%dma_wait3A_236 : memref<10000x128xf32, #tpu.memory_space<vmem_shared>>)
          } else {
          }
          %add3A_219 = arith.constant 1 : i32
          %add3A_220 = arith.addi %add3A_193, %add3A_219 : i32
          %mul3A_221 = arith.constant 128 : i32
          %mul3A_222 = arith.muli %add3A_220, %mul3A_221 : i32
          %multiple_of3A_223 = tpu.assume_multiple %mul3A_222, 128 : i32
          %dma_start3A_224 = tpu.memref_slice %arg6[%multiple_of3A_223] : memref<10112xi32, #tpu.memory_space<vmem>> -> memref<128xi32, #tpu.memory_space<vmem>>
          %dma_start3A_225 = arith.constant 0 : i32
          %dma_start3A_226 = arith.constant 0 : i32
          %dma_start3A_227 = tpu.memref_slice %arg2[%dma_start3A_225, %dma_start3A_226] : memref<10000x128xf32, #tpu.memory_space<hbm>> -> memref<10000x128xf32, #tpu.memory_space<hbm>>
          tpu.enqueue_indirect_dma source(%dma_start3A_227 : memref<10000x128xf32, #tpu.memory_space<hbm>>) target(%arg9 : memref<128x128xf32, #tpu.memory_space<vmem>>) offsets(%dma_start3A_224 : memref<128xi32, #tpu.memory_space<vmem>>) semaphore(%arg12 : memref<!tpu.dma_semaphore, #tpu.memory_space<semaphore_mem>>)
          %add3A_228 = arith.addi %multiple_of3A, %multiple_of3A_223 : i32
          %dma_start3A_229 = arith.constant 1 : i32
          %dma_start3A_230 = tpu.memref_slice %arg3[%dma_start3A_229, %add3A_228] : memref<2x320000xi32, #tpu.memory_space<hbm>> -> memref<1x128xi32, #tpu.memory_space<hbm>>
          %dma_start3A_231 = tpu.memref_squeeze %dma_start3A_230 : memref<1x128xi32, #tpu.memory_space<hbm>> -> memref<128xi32, #tpu.memory_space<hbm>>
          %dma_start3A_232 = tpu.memref_slice %arg3[%dma_start3A_229, %add3A_228] : memref<2x320000xi32, #tpu.memory_space<hbm>> -> memref<1x128xi32, #tpu.memory_space<hbm>>
          %dma_start3A_233 = tpu.memref_squeeze %dma_start3A_232 : memref<1x128xi32, #tpu.memory_space<hbm>> -> memref<128xi32, #tpu.memory_space<hbm>>
          tpu.enqueue_dma source(%dma_start3A_233 : memref<128xi32, #tpu.memory_space<hbm>>) target(%arg7 : memref<128xi32, #tpu.memory_space<vmem>>) target_semaphore(%arg16 : memref<!tpu.dma_semaphore, #tpu.memory_space<semaphore_mem>>)
        } else {
        }
        %dma_start3A_212 = arith.constant 0 : i32
        %dma_start3A_213 = arith.constant 0 : i32
        %dma_start3A_214 = tpu.memref_slice %arg11[%dma_start3A_212, %dma_start3A_213] : memref<10000x128xf32, #tpu.memory_space<vmem_shared>> -> memref<10000x128xf32, #tpu.memory_space<vmem_shared>>
        tpu.enqueue_indirect_dma source(%arg10 : memref<128x128xf32, #tpu.memory_space<vmem>>) target(%dma_start3A_214 : memref<10000x128xf32, #tpu.memory_space<vmem_shared>>) offsets(%arg8 : memref<128xi32, #tpu.memory_space<vmem>>) semaphore(%arg15 : memref<!tpu.dma_semaphore, #tpu.memory_space<semaphore_mem>>) {add = true}
      }
      %jit3A_138 = arith.constant 2 : i32
      %eq3A_139 = arith.constant 0 : i32
      %eq3A_140 = arith.cmpi eq, %jit3A_138, %eq3A_139 : i32
      %jit3A_141 = arith.constant 1 : i32
      %select_n3A_142 = arith.select %eq3A_140, %jit3A_141, %jit3A_138 : i32
      %rem3A_143 = arith.remsi %sub3A_79, %select_n3A_142 : i32
      %ne3A_144 = arith.constant 0 : i32
      %ne3A_145 = arith.cmpi ne, %rem3A_143, %ne3A_144 : i32
      %lt3A = arith.constant 0 : i32
      %lt3A_146 = arith.cmpi slt, %rem3A_143, %lt3A : i32
      %lt3A_147 = arith.constant 0 : i32
      %lt3A_148 = arith.cmpi slt, %select_n3A_142, %lt3A_147 : i32
      %ne3A_149 = arith.xori %lt3A_146, %lt3A_148 : i1
      %and3A_150 = arith.andi %ne3A_149, %ne3A_145 : i1
      %add3A_151 = arith.addi %rem3A_143, %select_n3A_142 : i32
      %select_n3A_152 = arith.select %and3A_150, %add3A_151, %rem3A_143 : i32
      %eq3A_153 = arith.constant 1 : i32
      %eq3A_154 = arith.cmpi eq, %select_n3A_152, %eq3A_153 : i32
      %convert_element_type3A_155 = arith.extui %eq3A_154 : i1 to i32
      %cond3A_156 = arith.constant 0 : i32
      %cond3A_157 = arith.cmpi ne, %convert_element_type3A_155, %cond3A_156 : i32
      scf.if %cond3A_157 {
        %dma_wait3A_164 = arith.constant 0 : i32
        %dma_wait3A_165 = tpu.memref_slice %arg6[%dma_wait3A_164] : memref<10112xi32, #tpu.memory_space<vmem>> -> memref<128xi32, #tpu.memory_space<vmem>>
        %dma_wait3A_166 = arith.constant 0 : i32
        %dma_wait3A_167 = arith.constant 0 : i32
        %dma_wait3A_168 = tpu.memref_slice %arg2[%dma_wait3A_166, %dma_wait3A_167] : memref<10000x128xf32, #tpu.memory_space<hbm>> -> memref<10000x128xf32, #tpu.memory_space<hbm>>
        tpu.wait_indirect_dma semaphore(%arg12 : memref<!tpu.dma_semaphore, #tpu.memory_space<semaphore_mem>>) src(%dma_wait3A_168 : memref<10000x128xf32, #tpu.memory_space<hbm>>) dst(%arg9 : memref<128x128xf32, #tpu.memory_space<vmem>>)
        %dma_wait3A_169 = arith.constant 1 : i32
        %dma_wait3A_170 = arith.constant 0 : i32
        %dma_wait3A_171 = tpu.memref_slice %arg3[%dma_wait3A_169, %dma_wait3A_170] : memref<2x320000xi32, #tpu.memory_space<hbm>> -> memref<1x128xi32, #tpu.memory_space<hbm>>
        %dma_wait3A_172 = tpu.memref_squeeze %dma_wait3A_171 : memref<1x128xi32, #tpu.memory_space<hbm>> -> memref<128xi32, #tpu.memory_space<hbm>>
        %dma_wait3A_173 = arith.constant 0 : i32
        %dma_wait3A_174 = tpu.memref_slice %arg3[%dma_wait3A_169, %dma_wait3A_173] : memref<2x320000xi32, #tpu.memory_space<hbm>> -> memref<1x128xi32, #tpu.memory_space<hbm>>
        %dma_wait3A_175 = tpu.memref_squeeze %dma_wait3A_174 : memref<1x128xi32, #tpu.memory_space<hbm>> -> memref<128xi32, #tpu.memory_space<hbm>>
        tpu.wait_dma2 semaphore(%arg16 : memref<!tpu.dma_semaphore, #tpu.memory_space<semaphore_mem>>) src(%dma_wait3A_175 : memref<128xi32, #tpu.memory_space<hbm>>) dst(%arg7 : memref<128xi32, #tpu.memory_space<vmem>>)
        %dma_start3A_176 = arith.constant 0 : i32
        %dma_start3A_177 = arith.constant 0 : i32
        %dma_start3A_178 = tpu.memref_slice %arg11[%dma_start3A_176, %dma_start3A_177] : memref<10000x128xf32, #tpu.memory_space<vmem_shared>> -> memref<10000x128xf32, #tpu.memory_space<vmem_shared>>
        tpu.enqueue_indirect_dma source(%arg9 : memref<128x128xf32, #tpu.memory_space<vmem>>) target(%dma_start3A_178 : memref<10000x128xf32, #tpu.memory_space<vmem_shared>>) offsets(%arg7 : memref<128xi32, #tpu.memory_space<vmem>>) semaphore(%arg14 : memref<!tpu.dma_semaphore, #tpu.memory_space<semaphore_mem>>) {add = true}
      } else {
      }
      %dma_wait3A_158 = arith.constant 0 : i32
      %dma_wait3A_159 = arith.constant 0 : i32
      %dma_wait3A_160 = tpu.memref_slice %arg11[%dma_wait3A_158, %dma_wait3A_159] : memref<10000x128xf32, #tpu.memory_space<vmem_shared>> -> memref<10000x128xf32, #tpu.memory_space<vmem_shared>>
      tpu.wait_indirect_dma semaphore(%arg14 : memref<!tpu.dma_semaphore, #tpu.memory_space<semaphore_mem>>) src(%arg9 : memref<128x128xf32, #tpu.memory_space<vmem>>) dst(%dma_wait3A_160 : memref<10000x128xf32, #tpu.memory_space<vmem_shared>>)
      %dma_wait3A_161 = arith.constant 0 : i32
      %dma_wait3A_162 = arith.constant 0 : i32
      %dma_wait3A_163 = tpu.memref_slice %arg11[%dma_wait3A_161, %dma_wait3A_162] : memref<10000x128xf32, #tpu.memory_space<vmem_shared>> -> memref<10000x128xf32, #tpu.memory_space<vmem_shared>>
      tpu.wait_indirect_dma semaphore(%arg15 : memref<!tpu.dma_semaphore, #tpu.memory_space<semaphore_mem>>) src(%arg10 : memref<128x128xf32, #tpu.memory_space<vmem>>) dst(%dma_wait3A_163 : memref<10000x128xf32, #tpu.memory_space<vmem_shared>>)
    } else {
    }
    %ne3A_22 = arith.constant 0 : i32
    %ne3A_23 = arith.cmpi ne, %arg0, %ne3A_22 : i32
    %convert_element_type3A_24 = arith.extui %ne3A_23 : i1 to i32
    %cond3A_25 = arith.constant 0 : i32
    %cond3A_26 = arith.cmpi ne, %convert_element_type3A_24, %cond3A_25 : i32
    scf.if %cond3A_26 {
      %mul3A_33 = arith.constant 1238 : i32
      %mul3A_34 = arith.muli %arg1, %mul3A_33 : i32
      %jit3A = arith.constant 16 : i32
      %div3A = arith.divsi %mul3A_34, %jit3A : i32
      %sign3A = arith.constant 0 : i32
      %sign3A_35 = arith.cmpi sgt, %mul3A_34, %sign3A : i32
      %sign3A_36 = arith.extui %sign3A_35 : i1 to i32
      %sign3A_37 = arith.constant 0 : i32
      %sign3A_38 = arith.cmpi slt, %mul3A_34, %sign3A_37 : i32
      %sign3A_39 = arith.extui %sign3A_38 : i1 to i32
      %sign3A_40 = arith.subi %sign3A_36, %sign3A_39 : i32
      %sign3A_41 = arith.constant 0 : i32
      %sign3A_42 = arith.cmpi sgt, %jit3A, %sign3A_41 : i32
      %sign3A_43 = arith.extui %sign3A_42 : i1 to i32
      %sign3A_44 = arith.constant 0 : i32
      %sign3A_45 = arith.cmpi slt, %jit3A, %sign3A_44 : i32
      %sign3A_46 = arith.extui %sign3A_45 : i1 to i32
      %sign3A_47 = arith.subi %sign3A_43, %sign3A_46 : i32
      %ne3A_48 = arith.cmpi ne, %sign3A_40, %sign3A_47 : i32
      %rem3A = arith.remsi %mul3A_34, %jit3A : i32
      %ne3A_49 = arith.constant 0 : i32
      %ne3A_50 = arith.cmpi ne, %rem3A, %ne3A_49 : i32
      %and3A = arith.andi %ne3A_48, %ne3A_50 : i1
      %sub3A = arith.constant 1 : i32
      %sub3A_51 = arith.subi %div3A, %sub3A : i32
      %select_n3A = arith.select %and3A, %sub3A_51, %div3A : i32
      %add3A = arith.constant 1 : i32
      %add3A_52 = arith.addi %arg1, %add3A : i32
      %mul3A_53 = arith.constant 1238 : i32
      %mul3A_54 = arith.muli %add3A_52, %mul3A_53 : i32
      %jit3A_55 = arith.constant 16 : i32
      %div3A_56 = arith.divsi %mul3A_54, %jit3A_55 : i32
      %sign3A_57 = arith.constant 0 : i32
      %sign3A_58 = arith.cmpi sgt, %mul3A_54, %sign3A_57 : i32
      %sign3A_59 = arith.extui %sign3A_58 : i1 to i32
      %sign3A_60 = arith.constant 0 : i32
      %sign3A_61 = arith.cmpi slt, %mul3A_54, %sign3A_60 : i32
      %sign3A_62 = arith.extui %sign3A_61 : i1 to i32
      %sign3A_63 = arith.subi %sign3A_59, %sign3A_62 : i32
      %sign3A_64 = arith.constant 0 : i32
      %sign3A_65 = arith.cmpi sgt, %jit3A_55, %sign3A_64 : i32
      %sign3A_66 = arith.extui %sign3A_65 : i1 to i32
      %sign3A_67 = arith.constant 0 : i32
      %sign3A_68 = arith.cmpi slt, %jit3A_55, %sign3A_67 : i32
      %sign3A_69 = arith.extui %sign3A_68 : i1 to i32
      %sign3A_70 = arith.subi %sign3A_66, %sign3A_69 : i32
      %ne3A_71 = arith.cmpi ne, %sign3A_63, %sign3A_70 : i32
      %rem3A_72 = arith.remsi %mul3A_54, %jit3A_55 : i32
      %ne3A_73 = arith.constant 0 : i32
      %ne3A_74 = arith.cmpi ne, %rem3A_72, %ne3A_73 : i32
      %and3A_75 = arith.andi %ne3A_71, %ne3A_74 : i1
      %sub3A_76 = arith.constant 1 : i32
      %sub3A_77 = arith.subi %div3A_56, %sub3A_76 : i32
      %select_n3A_78 = arith.select %and3A_75, %sub3A_77, %div3A_56 : i32
      %sub3A_79 = arith.subi %select_n3A_78, %select_n3A : i32
      %add3A_80 = arith.constant 1262 : i32
      %add3A_81 = arith.addi %add3A_80, %select_n3A : i32
      %mul3A_82 = arith.constant 128 : i32
      %mul3A_83 = arith.muli %add3A_81, %mul3A_82 : i32
      %multiple_of3A = tpu.assume_multiple %mul3A_83, 128 : i32
      %dma_wait3A = arith.constant 0 : i32
      %dma_wait3A_84 = arith.constant 0 : i32
      %dma_wait3A_85 = tpu.memref_slice %arg6[%dma_wait3A_84] : memref<10112xi32, #tpu.memory_space<vmem>> -> memref<9984xi32, #tpu.memory_space<vmem>>
      %dma_wait3A_86 = arith.constant 0 : i32
      %dma_wait3A_87 = tpu.memref_slice %arg3[%dma_wait3A, %dma_wait3A_86] : memref<2x320000xi32, #tpu.memory_space<hbm>> -> memref<1x9984xi32, #tpu.memory_space<hbm>>
      %dma_wait3A_88 = tpu.memref_squeeze %dma_wait3A_87 : memref<1x9984xi32, #tpu.memory_space<hbm>> -> memref<9984xi32, #tpu.memory_space<hbm>>
      %dma_wait3A_89 = arith.constant 0 : i32
      %dma_wait3A_90 = tpu.memref_slice %arg6[%dma_wait3A_89] : memref<10112xi32, #tpu.memory_space<vmem>> -> memref<9984xi32, #tpu.memory_space<vmem>>
      %dma_wait3A_91 = arith.constant 0 : i32
      %dma_wait3A_92 = tpu.memref_slice %arg3[%dma_wait3A, %dma_wait3A_91] : memref<2x320000xi32, #tpu.memory_space<hbm>> -> memref<1x9984xi32, #tpu.memory_space<hbm>>
      %dma_wait3A_93 = tpu.memref_squeeze %dma_wait3A_92 : memref<1x9984xi32, #tpu.memory_space<hbm>> -> memref<9984xi32, #tpu.memory_space<hbm>>
      tpu.wait_dma2 semaphore(%arg18 : memref<!tpu.dma_semaphore, #tpu.memory_space<semaphore_mem>>) src(%dma_wait3A_93 : memref<9984xi32, #tpu.memory_space<hbm>>) dst(%dma_wait3A_90 : memref<9984xi32, #tpu.memory_space<vmem>>)
      %multiple_of3A_94 = arith.constant 0 : i32
      %multiple_of3A_95 = tpu.assume_multiple %multiple_of3A_94, 128 : i32
      %dma_start3A = tpu.memref_slice %arg6[%multiple_of3A_95] : memref<10112xi32, #tpu.memory_space<vmem>> -> memref<128xi32, #tpu.memory_space<vmem>>
      %dma_start3A_96 = arith.constant 0 : i32
      %dma_start3A_97 = arith.constant 0 : i32
      %dma_start3A_98 = tpu.memref_slice %arg2[%dma_start3A_96, %dma_start3A_97] : memref<10000x128xf32, #tpu.memory_space<hbm>> -> memref<10000x128xf32, #tpu.memory_space<hbm>>
      tpu.enqueue_indirect_dma source(%dma_start3A_98 : memref<10000x128xf32, #tpu.memory_space<hbm>>) target(%arg9 : memref<128x128xf32, #tpu.memory_space<vmem>>) offsets(%dma_start3A : memref<128xi32, #tpu.memory_space<vmem>>) semaphore(%arg12 : memref<!tpu.dma_semaphore, #tpu.memory_space<semaphore_mem>>)
      %add3A_99 = arith.addi %multiple_of3A, %multiple_of3A_95 : i32
      %dma_start3A_100 = arith.constant 1 : i32
      %dma_start3A_101 = tpu.memref_slice %arg3[%dma_start3A_100, %add3A_99] : memref<2x320000xi32, #tpu.memory_space<hbm>> -> memref<1x128xi32, #tpu.memory_space<hbm>>
      %dma_start3A_102 = tpu.memref_squeeze %dma_start3A_101 : memref<1x128xi32, #tpu.memory_space<hbm>> -> memref<128xi32, #tpu.memory_space<hbm>>
      %dma_start3A_103 = tpu.memref_slice %arg3[%dma_start3A_100, %add3A_99] : memref<2x320000xi32, #tpu.memory_space<hbm>> -> memref<1x128xi32, #tpu.memory_space<hbm>>
      %dma_start3A_104 = tpu.memref_squeeze %dma_start3A_103 : memref<1x128xi32, #tpu.memory_space<hbm>> -> memref<128xi32, #tpu.memory_space<hbm>>
      tpu.enqueue_dma source(%dma_start3A_104 : memref<128xi32, #tpu.memory_space<hbm>>) target(%arg7 : memref<128xi32, #tpu.memory_space<vmem>>) target_semaphore(%arg16 : memref<!tpu.dma_semaphore, #tpu.memory_space<semaphore_mem>>)
      %jit3A_105 = arith.constant 2 : i32
      %div3A_106 = arith.divsi %sub3A_79, %jit3A_105 : i32
      %sign3A_107 = arith.constant 0 : i32
      %sign3A_108 = arith.cmpi sgt, %sub3A_79, %sign3A_107 : i32
      %sign3A_109 = arith.extui %sign3A_108 : i1 to i32
      %sign3A_110 = arith.constant 0 : i32
      %sign3A_111 = arith.cmpi slt, %sub3A_79, %sign3A_110 : i32
      %sign3A_112 = arith.extui %sign3A_111 : i1 to i32
      %sign3A_113 = arith.subi %sign3A_109, %sign3A_112 : i32
      %sign3A_114 = arith.constant 0 : i32
      %sign3A_115 = arith.cmpi sgt, %jit3A_105, %sign3A_114 : i32
      %sign3A_116 = arith.extui %sign3A_115 : i1 to i32
      %sign3A_117 = arith.constant 0 : i32
      %sign3A_118 = arith.cmpi slt, %jit3A_105, %sign3A_117 : i32
      %sign3A_119 = arith.extui %sign3A_118 : i1 to i32
      %sign3A_120 = arith.subi %sign3A_116, %sign3A_119 : i32
      %ne3A_121 = arith.cmpi ne, %sign3A_113, %sign3A_120 : i32
      %rem3A_122 = arith.remsi %sub3A_79, %jit3A_105 : i32
      %ne3A_123 = arith.constant 0 : i32
      %ne3A_124 = arith.cmpi ne, %rem3A_122, %ne3A_123 : i32
      %and3A_125 = arith.andi %ne3A_121, %ne3A_124 : i1
      %sub3A_126 = arith.constant 1 : i32
      %sub3A_127 = arith.subi %div3A_106, %sub3A_126 : i32
      %select_n3A_128 = arith.select %and3A_125, %sub3A_127, %div3A_106 : i32
      %while3A = arith.constant 0 : i32
      %while3A_129 = arith.constant 0 : i32
      %while3A_130 = arith.subi %select_n3A_128, %while3A_129 : i32
      %while3A_131 = arith.addi %while3A_129, %while3A_130 : i32
      %while3A_132 = arith.constant 1 : i32
      %while3A_133 = arith.divsi %while3A_130, %while3A_132 : i32
      %while3A_134 = arith.muli %while3A_133, %while3A_132 : i32
      %while3A_135 = arith.addi %while3A_129, %while3A_134 : i32
      %while3A_136 = arith.constant 1 : i32
      scf.for %while3A_164 = %while3A_129 to %while3A_135 step %while3A_136  : i32 {
        %mul3A_165 = arith.constant 2 : i32
        %mul3A_166 = arith.muli %mul3A_165, %while3A_164 : i32
        %add3A_167 = arith.constant 0 : i32
        %add3A_168 = arith.addi %mul3A_166, %add3A_167 : i32
        %dma_wait3A_169 = arith.constant 0 : i32
        %dma_wait3A_170 = tpu.memref_slice %arg6[%dma_wait3A_169] : memref<10112xi32, #tpu.memory_space<vmem>> -> memref<128xi32, #tpu.memory_space<vmem>>
        %dma_wait3A_171 = arith.constant 0 : i32
        %dma_wait3A_172 = arith.constant 0 : i32
        %dma_wait3A_173 = tpu.memref_slice %arg2[%dma_wait3A_171, %dma_wait3A_172] : memref<10000x128xf32, #tpu.memory_space<hbm>> -> memref<10000x128xf32, #tpu.memory_space<hbm>>
        tpu.wait_indirect_dma semaphore(%arg12 : memref<!tpu.dma_semaphore, #tpu.memory_space<semaphore_mem>>) src(%dma_wait3A_173 : memref<10000x128xf32, #tpu.memory_space<hbm>>) dst(%arg9 : memref<128x128xf32, #tpu.memory_space<vmem>>)
        %dma_wait3A_174 = arith.constant 1 : i32
        %dma_wait3A_175 = arith.constant 0 : i32
        %dma_wait3A_176 = tpu.memref_slice %arg3[%dma_wait3A_174, %dma_wait3A_175] : memref<2x320000xi32, #tpu.memory_space<hbm>> -> memref<1x128xi32, #tpu.memory_space<hbm>>
        %dma_wait3A_177 = tpu.memref_squeeze %dma_wait3A_176 : memref<1x128xi32, #tpu.memory_space<hbm>> -> memref<128xi32, #tpu.memory_space<hbm>>
        %dma_wait3A_178 = arith.constant 0 : i32
        %dma_wait3A_179 = tpu.memref_slice %arg3[%dma_wait3A_174, %dma_wait3A_178] : memref<2x320000xi32, #tpu.memory_space<hbm>> -> memref<1x128xi32, #tpu.memory_space<hbm>>
        %dma_wait3A_180 = tpu.memref_squeeze %dma_wait3A_179 : memref<1x128xi32, #tpu.memory_space<hbm>> -> memref<128xi32, #tpu.memory_space<hbm>>
        tpu.wait_dma2 semaphore(%arg16 : memref<!tpu.dma_semaphore, #tpu.memory_space<semaphore_mem>>) src(%dma_wait3A_180 : memref<128xi32, #tpu.memory_space<hbm>>) dst(%arg7 : memref<128xi32, #tpu.memory_space<vmem>>)
        %add3A_181 = arith.constant 1 : i32
        %add3A_182 = arith.addi %add3A_168, %add3A_181 : i32
        %lt3A_183 = arith.cmpi slt, %add3A_182, %sub3A_79 : i32
        %convert_element_type3A_184 = arith.extui %lt3A_183 : i1 to i32
        %cond3A_185 = arith.constant 0 : i32
        %cond3A_186 = arith.cmpi ne, %convert_element_type3A_184, %cond3A_185 : i32
        scf.if %cond3A_186 {
          %ge3A = arith.constant 1 : i32
          %ge3A_215 = arith.cmpi sge, %add3A_168, %ge3A : i32
          %convert_element_type3A_216 = arith.extui %ge3A_215 : i1 to i32
          %cond3A_217 = arith.constant 0 : i32
          %cond3A_218 = arith.cmpi ne, %convert_element_type3A_216, %cond3A_217 : i32
          scf.if %cond3A_218 {
            %dma_wait3A_234 = arith.constant 0 : i32
            %dma_wait3A_235 = arith.constant 0 : i32
            %dma_wait3A_236 = tpu.memref_slice %arg11[%dma_wait3A_234, %dma_wait3A_235] : memref<10000x128xf32, #tpu.memory_space<vmem_shared>> -> memref<10000x128xf32, #tpu.memory_space<vmem_shared>>
            tpu.wait_indirect_dma semaphore(%arg15 : memref<!tpu.dma_semaphore, #tpu.memory_space<semaphore_mem>>) src(%arg10 : memref<128x128xf32, #tpu.memory_space<vmem>>) dst(%dma_wait3A_236 : memref<10000x128xf32, #tpu.memory_space<vmem_shared>>)
          } else {
          }
          %add3A_219 = arith.constant 1 : i32
          %add3A_220 = arith.addi %add3A_168, %add3A_219 : i32
          %mul3A_221 = arith.constant 128 : i32
          %mul3A_222 = arith.muli %add3A_220, %mul3A_221 : i32
          %multiple_of3A_223 = tpu.assume_multiple %mul3A_222, 128 : i32
          %dma_start3A_224 = tpu.memref_slice %arg6[%multiple_of3A_223] : memref<10112xi32, #tpu.memory_space<vmem>> -> memref<128xi32, #tpu.memory_space<vmem>>
          %dma_start3A_225 = arith.constant 0 : i32
          %dma_start3A_226 = arith.constant 0 : i32
          %dma_start3A_227 = tpu.memref_slice %arg2[%dma_start3A_225, %dma_start3A_226] : memref<10000x128xf32, #tpu.memory_space<hbm>> -> memref<10000x128xf32, #tpu.memory_space<hbm>>
          tpu.enqueue_indirect_dma source(%dma_start3A_227 : memref<10000x128xf32, #tpu.memory_space<hbm>>) target(%arg10 : memref<128x128xf32, #tpu.memory_space<vmem>>) offsets(%dma_start3A_224 : memref<128xi32, #tpu.memory_space<vmem>>) semaphore(%arg13 : memref<!tpu.dma_semaphore, #tpu.memory_space<semaphore_mem>>)
          %add3A_228 = arith.addi %multiple_of3A, %multiple_of3A_223 : i32
          %dma_start3A_229 = arith.constant 1 : i32
          %dma_start3A_230 = tpu.memref_slice %arg3[%dma_start3A_229, %add3A_228] : memref<2x320000xi32, #tpu.memory_space<hbm>> -> memref<1x128xi32, #tpu.memory_space<hbm>>
          %dma_start3A_231 = tpu.memref_squeeze %dma_start3A_230 : memref<1x128xi32, #tpu.memory_space<hbm>> -> memref<128xi32, #tpu.memory_space<hbm>>
          %dma_start3A_232 = tpu.memref_slice %arg3[%dma_start3A_229, %add3A_228] : memref<2x320000xi32, #tpu.memory_space<hbm>> -> memref<1x128xi32, #tpu.memory_space<hbm>>
          %dma_start3A_233 = tpu.memref_squeeze %dma_start3A_232 : memref<1x128xi32, #tpu.memory_space<hbm>> -> memref<128xi32, #tpu.memory_space<hbm>>
          tpu.enqueue_dma source(%dma_start3A_233 : memref<128xi32, #tpu.memory_space<hbm>>) target(%arg8 : memref<128xi32, #tpu.memory_space<vmem>>) target_semaphore(%arg17 : memref<!tpu.dma_semaphore, #tpu.memory_space<semaphore_mem>>)
        } else {
        }
        %dma_start3A_187 = arith.constant 0 : i32
        %dma_start3A_188 = arith.constant 0 : i32
        %dma_start3A_189 = tpu.memref_slice %arg11[%dma_start3A_187, %dma_start3A_188] : memref<10000x128xf32, #tpu.memory_space<vmem_shared>> -> memref<10000x128xf32, #tpu.memory_space<vmem_shared>>
        tpu.enqueue_indirect_dma source(%arg9 : memref<128x128xf32, #tpu.memory_space<vmem>>) target(%dma_start3A_189 : memref<10000x128xf32, #tpu.memory_space<vmem_shared>>) offsets(%arg7 : memref<128xi32, #tpu.memory_space<vmem>>) semaphore(%arg14 : memref<!tpu.dma_semaphore, #tpu.memory_space<semaphore_mem>>) {add = true}
        %mul3A_190 = arith.constant 2 : i32
        %mul3A_191 = arith.muli %mul3A_190, %while3A_164 : i32
        %add3A_192 = arith.constant 1 : i32
        %add3A_193 = arith.addi %mul3A_191, %add3A_192 : i32
        %dma_wait3A_194 = arith.constant 0 : i32
        %dma_wait3A_195 = tpu.memref_slice %arg6[%dma_wait3A_194] : memref<10112xi32, #tpu.memory_space<vmem>> -> memref<128xi32, #tpu.memory_space<vmem>>
        %dma_wait3A_196 = arith.constant 0 : i32
        %dma_wait3A_197 = arith.constant 0 : i32
        %dma_wait3A_198 = tpu.memref_slice %arg2[%dma_wait3A_196, %dma_wait3A_197] : memref<10000x128xf32, #tpu.memory_space<hbm>> -> memref<10000x128xf32, #tpu.memory_space<hbm>>
        tpu.wait_indirect_dma semaphore(%arg13 : memref<!tpu.dma_semaphore, #tpu.memory_space<semaphore_mem>>) src(%dma_wait3A_198 : memref<10000x128xf32, #tpu.memory_space<hbm>>) dst(%arg10 : memref<128x128xf32, #tpu.memory_space<vmem>>)
        %dma_wait3A_199 = arith.constant 1 : i32
        %dma_wait3A_200 = arith.constant 0 : i32
        %dma_wait3A_201 = tpu.memref_slice %arg3[%dma_wait3A_199, %dma_wait3A_200] : memref<2x320000xi32, #tpu.memory_space<hbm>> -> memref<1x128xi32, #tpu.memory_space<hbm>>
        %dma_wait3A_202 = tpu.memref_squeeze %dma_wait3A_201 : memref<1x128xi32, #tpu.memory_space<hbm>> -> memref<128xi32, #tpu.memory_space<hbm>>
        %dma_wait3A_203 = arith.constant 0 : i32
        %dma_wait3A_204 = tpu.memref_slice %arg3[%dma_wait3A_199, %dma_wait3A_203] : memref<2x320000xi32, #tpu.memory_space<hbm>> -> memref<1x128xi32, #tpu.memory_space<hbm>>
        %dma_wait3A_205 = tpu.memref_squeeze %dma_wait3A_204 : memref<1x128xi32, #tpu.memory_space<hbm>> -> memref<128xi32, #tpu.memory_space<hbm>>
        tpu.wait_dma2 semaphore(%arg17 : memref<!tpu.dma_semaphore, #tpu.memory_space<semaphore_mem>>) src(%dma_wait3A_205 : memref<128xi32, #tpu.memory_space<hbm>>) dst(%arg8 : memref<128xi32, #tpu.memory_space<vmem>>)
        %add3A_206 = arith.constant 1 : i32
        %add3A_207 = arith.addi %add3A_193, %add3A_206 : i32
        %lt3A_208 = arith.cmpi slt, %add3A_207, %sub3A_79 : i32
        %convert_element_type3A_209 = arith.extui %lt3A_208 : i1 to i32
        %cond3A_210 = arith.constant 0 : i32
        %cond3A_211 = arith.cmpi ne, %convert_element_type3A_209, %cond3A_210 : i32
        scf.if %cond3A_211 {
          %ge3A = arith.constant 1 : i32
          %ge3A_215 = arith.cmpi sge, %add3A_193, %ge3A : i32
          %convert_element_type3A_216 = arith.extui %ge3A_215 : i1 to i32
          %cond3A_217 = arith.constant 0 : i32
          %cond3A_218 = arith.cmpi ne, %convert_element_type3A_216, %cond3A_217 : i32
          scf.if %cond3A_218 {
            %dma_wait3A_234 = arith.constant 0 : i32
            %dma_wait3A_235 = arith.constant 0 : i32
            %dma_wait3A_236 = tpu.memref_slice %arg11[%dma_wait3A_234, %dma_wait3A_235] : memref<10000x128xf32, #tpu.memory_space<vmem_shared>> -> memref<10000x128xf32, #tpu.memory_space<vmem_shared>>
            tpu.wait_indirect_dma semaphore(%arg14 : memref<!tpu.dma_semaphore, #tpu.memory_space<semaphore_mem>>) src(%arg9 : memref<128x128xf32, #tpu.memory_space<vmem>>) dst(%dma_wait3A_236 : memref<10000x128xf32, #tpu.memory_space<vmem_shared>>)
          } else {
          }
          %add3A_219 = arith.constant 1 : i32
          %add3A_220 = arith.addi %add3A_193, %add3A_219 : i32
          %mul3A_221 = arith.constant 128 : i32
          %mul3A_222 = arith.muli %add3A_220, %mul3A_221 : i32
          %multiple_of3A_223 = tpu.assume_multiple %mul3A_222, 128 : i32
          %dma_start3A_224 = tpu.memref_slice %arg6[%multiple_of3A_223] : memref<10112xi32, #tpu.memory_space<vmem>> -> memref<128xi32, #tpu.memory_space<vmem>>
          %dma_start3A_225 = arith.constant 0 : i32
          %dma_start3A_226 = arith.constant 0 : i32
          %dma_start3A_227 = tpu.memref_slice %arg2[%dma_start3A_225, %dma_start3A_226] : memref<10000x128xf32, #tpu.memory_space<hbm>> -> memref<10000x128xf32, #tpu.memory_space<hbm>>
          tpu.enqueue_indirect_dma source(%dma_start3A_227 : memref<10000x128xf32, #tpu.memory_space<hbm>>) target(%arg9 : memref<128x128xf32, #tpu.memory_space<vmem>>) offsets(%dma_start3A_224 : memref<128xi32, #tpu.memory_space<vmem>>) semaphore(%arg12 : memref<!tpu.dma_semaphore, #tpu.memory_space<semaphore_mem>>)
          %add3A_228 = arith.addi %multiple_of3A, %multiple_of3A_223 : i32
          %dma_start3A_229 = arith.constant 1 : i32
          %dma_start3A_230 = tpu.memref_slice %arg3[%dma_start3A_229, %add3A_228] : memref<2x320000xi32, #tpu.memory_space<hbm>> -> memref<1x128xi32, #tpu.memory_space<hbm>>
          %dma_start3A_231 = tpu.memref_squeeze %dma_start3A_230 : memref<1x128xi32, #tpu.memory_space<hbm>> -> memref<128xi32, #tpu.memory_space<hbm>>
          %dma_start3A_232 = tpu.memref_slice %arg3[%dma_start3A_229, %add3A_228] : memref<2x320000xi32, #tpu.memory_space<hbm>> -> memref<1x128xi32, #tpu.memory_space<hbm>>
          %dma_start3A_233 = tpu.memref_squeeze %dma_start3A_232 : memref<1x128xi32, #tpu.memory_space<hbm>> -> memref<128xi32, #tpu.memory_space<hbm>>
          tpu.enqueue_dma source(%dma_start3A_233 : memref<128xi32, #tpu.memory_space<hbm>>) target(%arg7 : memref<128xi32, #tpu.memory_space<vmem>>) target_semaphore(%arg16 : memref<!tpu.dma_semaphore, #tpu.memory_space<semaphore_mem>>)
        } else {
        }
        %dma_start3A_212 = arith.constant 0 : i32
        %dma_start3A_213 = arith.constant 0 : i32
        %dma_start3A_214 = tpu.memref_slice %arg11[%dma_start3A_212, %dma_start3A_213] : memref<10000x128xf32, #tpu.memory_space<vmem_shared>> -> memref<10000x128xf32, #tpu.memory_space<vmem_shared>>
        tpu.enqueue_indirect_dma source(%arg10 : memref<128x128xf32, #tpu.memory_space<vmem>>) target(%dma_start3A_214 : memref<10000x128xf32, #tpu.memory_space<vmem_shared>>) offsets(%arg8 : memref<128xi32, #tpu.memory_space<vmem>>) semaphore(%arg15 : memref<!tpu.dma_semaphore, #tpu.memory_space<semaphore_mem>>) {add = true}
      }
      %while3A_137 = arith.constant 1 : i32
      scf.for %while3A_164 = %while3A_135 to %while3A_131 step %while3A_137  : i32 {
        %mul3A_165 = arith.constant 2 : i32
        %mul3A_166 = arith.muli %mul3A_165, %while3A_164 : i32
        %add3A_167 = arith.constant 0 : i32
        %add3A_168 = arith.addi %mul3A_166, %add3A_167 : i32
        %dma_wait3A_169 = arith.constant 0 : i32
        %dma_wait3A_170 = tpu.memref_slice %arg6[%dma_wait3A_169] : memref<10112xi32, #tpu.memory_space<vmem>> -> memref<128xi32, #tpu.memory_space<vmem>>
        %dma_wait3A_171 = arith.constant 0 : i32
        %dma_wait3A_172 = arith.constant 0 : i32
        %dma_wait3A_173 = tpu.memref_slice %arg2[%dma_wait3A_171, %dma_wait3A_172] : memref<10000x128xf32, #tpu.memory_space<hbm>> -> memref<10000x128xf32, #tpu.memory_space<hbm>>
        tpu.wait_indirect_dma semaphore(%arg12 : memref<!tpu.dma_semaphore, #tpu.memory_space<semaphore_mem>>) src(%dma_wait3A_173 : memref<10000x128xf32, #tpu.memory_space<hbm>>) dst(%arg9 : memref<128x128xf32, #tpu.memory_space<vmem>>)
        %dma_wait3A_174 = arith.constant 1 : i32
        %dma_wait3A_175 = arith.constant 0 : i32
        %dma_wait3A_176 = tpu.memref_slice %arg3[%dma_wait3A_174, %dma_wait3A_175] : memref<2x320000xi32, #tpu.memory_space<hbm>> -> memref<1x128xi32, #tpu.memory_space<hbm>>
        %dma_wait3A_177 = tpu.memref_squeeze %dma_wait3A_176 : memref<1x128xi32, #tpu.memory_space<hbm>> -> memref<128xi32, #tpu.memory_space<hbm>>
        %dma_wait3A_178 = arith.constant 0 : i32
        %dma_wait3A_179 = tpu.memref_slice %arg3[%dma_wait3A_174, %dma_wait3A_178] : memref<2x320000xi32, #tpu.memory_space<hbm>> -> memref<1x128xi32, #tpu.memory_space<hbm>>
        %dma_wait3A_180 = tpu.memref_squeeze %dma_wait3A_179 : memref<1x128xi32, #tpu.memory_space<hbm>> -> memref<128xi32, #tpu.memory_space<hbm>>
        tpu.wait_dma2 semaphore(%arg16 : memref<!tpu.dma_semaphore, #tpu.memory_space<semaphore_mem>>) src(%dma_wait3A_180 : memref<128xi32, #tpu.memory_space<hbm>>) dst(%arg7 : memref<128xi32, #tpu.memory_space<vmem>>)
        %add3A_181 = arith.constant 1 : i32
        %add3A_182 = arith.addi %add3A_168, %add3A_181 : i32
        %lt3A_183 = arith.cmpi slt, %add3A_182, %sub3A_79 : i32
        %convert_element_type3A_184 = arith.extui %lt3A_183 : i1 to i32
        %cond3A_185 = arith.constant 0 : i32
        %cond3A_186 = arith.cmpi ne, %convert_element_type3A_184, %cond3A_185 : i32
        scf.if %cond3A_186 {
          %ge3A = arith.constant 1 : i32
          %ge3A_215 = arith.cmpi sge, %add3A_168, %ge3A : i32
          %convert_element_type3A_216 = arith.extui %ge3A_215 : i1 to i32
          %cond3A_217 = arith.constant 0 : i32
          %cond3A_218 = arith.cmpi ne, %convert_element_type3A_216, %cond3A_217 : i32
          scf.if %cond3A_218 {
            %dma_wait3A_234 = arith.constant 0 : i32
            %dma_wait3A_235 = arith.constant 0 : i32
            %dma_wait3A_236 = tpu.memref_slice %arg11[%dma_wait3A_234, %dma_wait3A_235] : memref<10000x128xf32, #tpu.memory_space<vmem_shared>> -> memref<10000x128xf32, #tpu.memory_space<vmem_shared>>
            tpu.wait_indirect_dma semaphore(%arg15 : memref<!tpu.dma_semaphore, #tpu.memory_space<semaphore_mem>>) src(%arg10 : memref<128x128xf32, #tpu.memory_space<vmem>>) dst(%dma_wait3A_236 : memref<10000x128xf32, #tpu.memory_space<vmem_shared>>)
          } else {
          }
          %add3A_219 = arith.constant 1 : i32
          %add3A_220 = arith.addi %add3A_168, %add3A_219 : i32
          %mul3A_221 = arith.constant 128 : i32
          %mul3A_222 = arith.muli %add3A_220, %mul3A_221 : i32
          %multiple_of3A_223 = tpu.assume_multiple %mul3A_222, 128 : i32
          %dma_start3A_224 = tpu.memref_slice %arg6[%multiple_of3A_223] : memref<10112xi32, #tpu.memory_space<vmem>> -> memref<128xi32, #tpu.memory_space<vmem>>
          %dma_start3A_225 = arith.constant 0 : i32
          %dma_start3A_226 = arith.constant 0 : i32
          %dma_start3A_227 = tpu.memref_slice %arg2[%dma_start3A_225, %dma_start3A_226] : memref<10000x128xf32, #tpu.memory_space<hbm>> -> memref<10000x128xf32, #tpu.memory_space<hbm>>
          tpu.enqueue_indirect_dma source(%dma_start3A_227 : memref<10000x128xf32, #tpu.memory_space<hbm>>) target(%arg10 : memref<128x128xf32, #tpu.memory_space<vmem>>) offsets(%dma_start3A_224 : memref<128xi32, #tpu.memory_space<vmem>>) semaphore(%arg13 : memref<!tpu.dma_semaphore, #tpu.memory_space<semaphore_mem>>)
          %add3A_228 = arith.addi %multiple_of3A, %multiple_of3A_223 : i32
          %dma_start3A_229 = arith.constant 1 : i32
          %dma_start3A_230 = tpu.memref_slice %arg3[%dma_start3A_229, %add3A_228] : memref<2x320000xi32, #tpu.memory_space<hbm>> -> memref<1x128xi32, #tpu.memory_space<hbm>>
          %dma_start3A_231 = tpu.memref_squeeze %dma_start3A_230 : memref<1x128xi32, #tpu.memory_space<hbm>> -> memref<128xi32, #tpu.memory_space<hbm>>
          %dma_start3A_232 = tpu.memref_slice %arg3[%dma_start3A_229, %add3A_228] : memref<2x320000xi32, #tpu.memory_space<hbm>> -> memref<1x128xi32, #tpu.memory_space<hbm>>
          %dma_start3A_233 = tpu.memref_squeeze %dma_start3A_232 : memref<1x128xi32, #tpu.memory_space<hbm>> -> memref<128xi32, #tpu.memory_space<hbm>>
          tpu.enqueue_dma source(%dma_start3A_233 : memref<128xi32, #tpu.memory_space<hbm>>) target(%arg8 : memref<128xi32, #tpu.memory_space<vmem>>) target_semaphore(%arg17 : memref<!tpu.dma_semaphore, #tpu.memory_space<semaphore_mem>>)
        } else {
        }
        %dma_start3A_187 = arith.constant 0 : i32
        %dma_start3A_188 = arith.constant 0 : i32
        %dma_start3A_189 = tpu.memref_slice %arg11[%dma_start3A_187, %dma_start3A_188] : memref<10000x128xf32, #tpu.memory_space<vmem_shared>> -> memref<10000x128xf32, #tpu.memory_space<vmem_shared>>
        tpu.enqueue_indirect_dma source(%arg9 : memref<128x128xf32, #tpu.memory_space<vmem>>) target(%dma_start3A_189 : memref<10000x128xf32, #tpu.memory_space<vmem_shared>>) offsets(%arg7 : memref<128xi32, #tpu.memory_space<vmem>>) semaphore(%arg14 : memref<!tpu.dma_semaphore, #tpu.memory_space<semaphore_mem>>) {add = true}
        %mul3A_190 = arith.constant 2 : i32
        %mul3A_191 = arith.muli %mul3A_190, %while3A_164 : i32
        %add3A_192 = arith.constant 1 : i32
        %add3A_193 = arith.addi %mul3A_191, %add3A_192 : i32
        %dma_wait3A_194 = arith.constant 0 : i32
        %dma_wait3A_195 = tpu.memref_slice %arg6[%dma_wait3A_194] : memref<10112xi32, #tpu.memory_space<vmem>> -> memref<128xi32, #tpu.memory_space<vmem>>
        %dma_wait3A_196 = arith.constant 0 : i32
        %dma_wait3A_197 = arith.constant 0 : i32
        %dma_wait3A_198 = tpu.memref_slice %arg2[%dma_wait3A_196, %dma_wait3A_197] : memref<10000x128xf32, #tpu.memory_space<hbm>> -> memref<10000x128xf32, #tpu.memory_space<hbm>>
        tpu.wait_indirect_dma semaphore(%arg13 : memref<!tpu.dma_semaphore, #tpu.memory_space<semaphore_mem>>) src(%dma_wait3A_198 : memref<10000x128xf32, #tpu.memory_space<hbm>>) dst(%arg10 : memref<128x128xf32, #tpu.memory_space<vmem>>)
        %dma_wait3A_199 = arith.constant 1 : i32
        %dma_wait3A_200 = arith.constant 0 : i32
        %dma_wait3A_201 = tpu.memref_slice %arg3[%dma_wait3A_199, %dma_wait3A_200] : memref<2x320000xi32, #tpu.memory_space<hbm>> -> memref<1x128xi32, #tpu.memory_space<hbm>>
        %dma_wait3A_202 = tpu.memref_squeeze %dma_wait3A_201 : memref<1x128xi32, #tpu.memory_space<hbm>> -> memref<128xi32, #tpu.memory_space<hbm>>
        %dma_wait3A_203 = arith.constant 0 : i32
        %dma_wait3A_204 = tpu.memref_slice %arg3[%dma_wait3A_199, %dma_wait3A_203] : memref<2x320000xi32, #tpu.memory_space<hbm>> -> memref<1x128xi32, #tpu.memory_space<hbm>>
        %dma_wait3A_205 = tpu.memref_squeeze %dma_wait3A_204 : memref<1x128xi32, #tpu.memory_space<hbm>> -> memref<128xi32, #tpu.memory_space<hbm>>
        tpu.wait_dma2 semaphore(%arg17 : memref<!tpu.dma_semaphore, #tpu.memory_space<semaphore_mem>>) src(%dma_wait3A_205 : memref<128xi32, #tpu.memory_space<hbm>>) dst(%arg8 : memref<128xi32, #tpu.memory_space<vmem>>)
        %add3A_206 = arith.constant 1 : i32
        %add3A_207 = arith.addi %add3A_193, %add3A_206 : i32
        %lt3A_208 = arith.cmpi slt, %add3A_207, %sub3A_79 : i32
        %convert_element_type3A_209 = arith.extui %lt3A_208 : i1 to i32
        %cond3A_210 = arith.constant 0 : i32
        %cond3A_211 = arith.cmpi ne, %convert_element_type3A_209, %cond3A_210 : i32
        scf.if %cond3A_211 {
          %ge3A = arith.constant 1 : i32
          %ge3A_215 = arith.cmpi sge, %add3A_193, %ge3A : i32
          %convert_element_type3A_216 = arith.extui %ge3A_215 : i1 to i32
          %cond3A_217 = arith.constant 0 : i32
          %cond3A_218 = arith.cmpi ne, %convert_element_type3A_216, %cond3A_217 : i32
          scf.if %cond3A_218 {
            %dma_wait3A_234 = arith.constant 0 : i32
            %dma_wait3A_235 = arith.constant 0 : i32
            %dma_wait3A_236 = tpu.memref_slice %arg11[%dma_wait3A_234, %dma_wait3A_235] : memref<10000x128xf32, #tpu.memory_space<vmem_shared>> -> memref<10000x128xf32, #tpu.memory_space<vmem_shared>>
            tpu.wait_indirect_dma semaphore(%arg14 : memref<!tpu.dma_semaphore, #tpu.memory_space<semaphore_mem>>) src(%arg9 : memref<128x128xf32, #tpu.memory_space<vmem>>) dst(%dma_wait3A_236 : memref<10000x128xf32, #tpu.memory_space<vmem_shared>>)
          } else {
          }
          %add3A_219 = arith.constant 1 : i32
          %add3A_220 = arith.addi %add3A_193, %add3A_219 : i32
          %mul3A_221 = arith.constant 128 : i32
          %mul3A_222 = arith.muli %add3A_220, %mul3A_221 : i32
          %multiple_of3A_223 = tpu.assume_multiple %mul3A_222, 128 : i32
          %dma_start3A_224 = tpu.memref_slice %arg6[%multiple_of3A_223] : memref<10112xi32, #tpu.memory_space<vmem>> -> memref<128xi32, #tpu.memory_space<vmem>>
          %dma_start3A_225 = arith.constant 0 : i32
          %dma_start3A_226 = arith.constant 0 : i32
          %dma_start3A_227 = tpu.memref_slice %arg2[%dma_start3A_225, %dma_start3A_226] : memref<10000x128xf32, #tpu.memory_space<hbm>> -> memref<10000x128xf32, #tpu.memory_space<hbm>>
          tpu.enqueue_indirect_dma source(%dma_start3A_227 : memref<10000x128xf32, #tpu.memory_space<hbm>>) target(%arg9 : memref<128x128xf32, #tpu.memory_space<vmem>>) offsets(%dma_start3A_224 : memref<128xi32, #tpu.memory_space<vmem>>) semaphore(%arg12 : memref<!tpu.dma_semaphore, #tpu.memory_space<semaphore_mem>>)
          %add3A_228 = arith.addi %multiple_of3A, %multiple_of3A_223 : i32
          %dma_start3A_229 = arith.constant 1 : i32
          %dma_start3A_230 = tpu.memref_slice %arg3[%dma_start3A_229, %add3A_228] : memref<2x320000xi32, #tpu.memory_space<hbm>> -> memref<1x128xi32, #tpu.memory_space<hbm>>
          %dma_start3A_231 = tpu.memref_squeeze %dma_start3A_230 : memref<1x128xi32, #tpu.memory_space<hbm>> -> memref<128xi32, #tpu.memory_space<hbm>>
          %dma_start3A_232 = tpu.memref_slice %arg3[%dma_start3A_229, %add3A_228] : memref<2x320000xi32, #tpu.memory_space<hbm>> -> memref<1x128xi32, #tpu.memory_space<hbm>>
          %dma_start3A_233 = tpu.memref_squeeze %dma_start3A_232 : memref<1x128xi32, #tpu.memory_space<hbm>> -> memref<128xi32, #tpu.memory_space<hbm>>
          tpu.enqueue_dma source(%dma_start3A_233 : memref<128xi32, #tpu.memory_space<hbm>>) target(%arg7 : memref<128xi32, #tpu.memory_space<vmem>>) target_semaphore(%arg16 : memref<!tpu.dma_semaphore, #tpu.memory_space<semaphore_mem>>)
        } else {
        }
        %dma_start3A_212 = arith.constant 0 : i32
        %dma_start3A_213 = arith.constant 0 : i32
        %dma_start3A_214 = tpu.memref_slice %arg11[%dma_start3A_212, %dma_start3A_213] : memref<10000x128xf32, #tpu.memory_space<vmem_shared>> -> memref<10000x128xf32, #tpu.memory_space<vmem_shared>>
        tpu.enqueue_indirect_dma source(%arg10 : memref<128x128xf32, #tpu.memory_space<vmem>>) target(%dma_start3A_214 : memref<10000x128xf32, #tpu.memory_space<vmem_shared>>) offsets(%arg8 : memref<128xi32, #tpu.memory_space<vmem>>) semaphore(%arg15 : memref<!tpu.dma_semaphore, #tpu.memory_space<semaphore_mem>>) {add = true}
      }
      %jit3A_138 = arith.constant 2 : i32
      %eq3A_139 = arith.constant 0 : i32
      %eq3A_140 = arith.cmpi eq, %jit3A_138, %eq3A_139 : i32
      %jit3A_141 = arith.constant 1 : i32
      %select_n3A_142 = arith.select %eq3A_140, %jit3A_141, %jit3A_138 : i32
      %rem3A_143 = arith.remsi %sub3A_79, %select_n3A_142 : i32
      %ne3A_144 = arith.constant 0 : i32
      %ne3A_145 = arith.cmpi ne, %rem3A_143, %ne3A_144 : i32
      %lt3A = arith.constant 0 : i32
      %lt3A_146 = arith.cmpi slt, %rem3A_143, %lt3A : i32
      %lt3A_147 = arith.constant 0 : i32
      %lt3A_148 = arith.cmpi slt, %select_n3A_142, %lt3A_147 : i32
      %ne3A_149 = arith.xori %lt3A_146, %lt3A_148 : i1
      %and3A_150 = arith.andi %ne3A_149, %ne3A_145 : i1
      %add3A_151 = arith.addi %rem3A_143, %select_n3A_142 : i32
      %select_n3A_152 = arith.select %and3A_150, %add3A_151, %rem3A_143 : i32
      %eq3A_153 = arith.constant 1 : i32
      %eq3A_154 = arith.cmpi eq, %select_n3A_152, %eq3A_153 : i32
      %convert_element_type3A_155 = arith.extui %eq3A_154 : i1 to i32
      %cond3A_156 = arith.constant 0 : i32
      %cond3A_157 = arith.cmpi ne, %convert_element_type3A_155, %cond3A_156 : i32
      scf.if %cond3A_157 {
        %dma_wait3A_164 = arith.constant 0 : i32
        %dma_wait3A_165 = tpu.memref_slice %arg6[%dma_wait3A_164] : memref<10112xi32, #tpu.memory_space<vmem>> -> memref<128xi32, #tpu.memory_space<vmem>>
        %dma_wait3A_166 = arith.constant 0 : i32
        %dma_wait3A_167 = arith.constant 0 : i32
        %dma_wait3A_168 = tpu.memref_slice %arg2[%dma_wait3A_166, %dma_wait3A_167] : memref<10000x128xf32, #tpu.memory_space<hbm>> -> memref<10000x128xf32, #tpu.memory_space<hbm>>
        tpu.wait_indirect_dma semaphore(%arg12 : memref<!tpu.dma_semaphore, #tpu.memory_space<semaphore_mem>>) src(%dma_wait3A_168 : memref<10000x128xf32, #tpu.memory_space<hbm>>) dst(%arg9 : memref<128x128xf32, #tpu.memory_space<vmem>>)
        %dma_wait3A_169 = arith.constant 1 : i32
        %dma_wait3A_170 = arith.constant 0 : i32
        %dma_wait3A_171 = tpu.memref_slice %arg3[%dma_wait3A_169, %dma_wait3A_170] : memref<2x320000xi32, #tpu.memory_space<hbm>> -> memref<1x128xi32, #tpu.memory_space<hbm>>
        %dma_wait3A_172 = tpu.memref_squeeze %dma_wait3A_171 : memref<1x128xi32, #tpu.memory_space<hbm>> -> memref<128xi32, #tpu.memory_space<hbm>>
        %dma_wait3A_173 = arith.constant 0 : i32
        %dma_wait3A_174 = tpu.memref_slice %arg3[%dma_wait3A_169, %dma_wait3A_173] : memref<2x320000xi32, #tpu.memory_space<hbm>> -> memref<1x128xi32, #tpu.memory_space<hbm>>
        %dma_wait3A_175 = tpu.memref_squeeze %dma_wait3A_174 : memref<1x128xi32, #tpu.memory_space<hbm>> -> memref<128xi32, #tpu.memory_space<hbm>>
        tpu.wait_dma2 semaphore(%arg16 : memref<!tpu.dma_semaphore, #tpu.memory_space<semaphore_mem>>) src(%dma_wait3A_175 : memref<128xi32, #tpu.memory_space<hbm>>) dst(%arg7 : memref<128xi32, #tpu.memory_space<vmem>>)
        %dma_start3A_176 = arith.constant 0 : i32
        %dma_start3A_177 = arith.constant 0 : i32
        %dma_start3A_178 = tpu.memref_slice %arg11[%dma_start3A_176, %dma_start3A_177] : memref<10000x128xf32, #tpu.memory_space<vmem_shared>> -> memref<10000x128xf32, #tpu.memory_space<vmem_shared>>
        tpu.enqueue_indirect_dma source(%arg9 : memref<128x128xf32, #tpu.memory_space<vmem>>) target(%dma_start3A_178 : memref<10000x128xf32, #tpu.memory_space<vmem_shared>>) offsets(%arg7 : memref<128xi32, #tpu.memory_space<vmem>>) semaphore(%arg14 : memref<!tpu.dma_semaphore, #tpu.memory_space<semaphore_mem>>) {add = true}
      } else {
      }
      %dma_wait3A_158 = arith.constant 0 : i32
      %dma_wait3A_159 = arith.constant 0 : i32
      %dma_wait3A_160 = tpu.memref_slice %arg11[%dma_wait3A_158, %dma_wait3A_159] : memref<10000x128xf32, #tpu.memory_space<vmem_shared>> -> memref<10000x128xf32, #tpu.memory_space<vmem_shared>>
      tpu.wait_indirect_dma semaphore(%arg14 : memref<!tpu.dma_semaphore, #tpu.memory_space<semaphore_mem>>) src(%arg9 : memref<128x128xf32, #tpu.memory_space<vmem>>) dst(%dma_wait3A_160 : memref<10000x128xf32, #tpu.memory_space<vmem_shared>>)
      %dma_wait3A_161 = arith.constant 0 : i32
      %dma_wait3A_162 = arith.constant 0 : i32
      %dma_wait3A_163 = tpu.memref_slice %arg11[%dma_wait3A_161, %dma_wait3A_162] : memref<10000x128xf32, #tpu.memory_space<vmem_shared>> -> memref<10000x128xf32, #tpu.memory_space<vmem_shared>>
      tpu.wait_indirect_dma semaphore(%arg15 : memref<!tpu.dma_semaphore, #tpu.memory_space<semaphore_mem>>) src(%arg10 : memref<128x128xf32, #tpu.memory_space<vmem>>) dst(%dma_wait3A_163 : memref<10000x128xf32, #tpu.memory_space<vmem_shared>>)
    } else {
    }
    %barrier3A_27 = arith.constant 0 : index
    tpu.barrier barrier_id(%barrier3A_27)
    "tpu.region"() ({
      %run_scoped3A = tpu.sem_alloc : memref<!tpu.dma_semaphore, #tpu.memory_space<semaphore_mem>>
      %dma_start3A = arith.constant 0 : i32
      %dma_start3A_33 = tpu.memref_slice %arg5[%arg0, %mul3A_6, %dma_start3A] : memref<2x10000x128xf32, #tpu.memory_space<hbm>> -> memref<1x624x128xf32, #tpu.memory_space<hbm>>
      %dma_start3A_34 = tpu.memref_squeeze %dma_start3A_33 : memref<1x624x128xf32, #tpu.memory_space<hbm>> -> memref<624x128xf32, #tpu.memory_space<hbm>>
      %dma_start3A_35 = arith.constant 0 : i32
      %dma_start3A_36 = tpu.memref_slice %arg11[%mul3A_6, %dma_start3A_35] : memref<10000x128xf32, #tpu.memory_space<vmem_shared>> -> memref<624x128xf32, #tpu.memory_space<vmem_shared>>
      tpu.enqueue_dma source(%dma_start3A_36 : memref<624x128xf32, #tpu.memory_space<vmem_shared>>) target(%dma_start3A_34 : memref<624x128xf32, #tpu.memory_space<hbm>>) target_semaphore(%run_scoped3A : memref<!tpu.dma_semaphore, #tpu.memory_space<semaphore_mem>>)
      %dma_wait3A = arith.constant 0 : i32
      %dma_wait3A_37 = tpu.memref_slice %arg5[%arg0, %mul3A_6, %dma_wait3A] : memref<2x10000x128xf32, #tpu.memory_space<hbm>> -> memref<1x624x128xf32, #tpu.memory_space<hbm>>
      %dma_wait3A_38 = tpu.memref_squeeze %dma_wait3A_37 : memref<1x624x128xf32, #tpu.memory_space<hbm>> -> memref<624x128xf32, #tpu.memory_space<hbm>>
      %dma_wait3A_39 = arith.constant 0 : i32
      %dma_wait3A_40 = tpu.memref_slice %arg11[%mul3A_6, %dma_wait3A_39] : memref<10000x128xf32, #tpu.memory_space<vmem_shared>> -> memref<624x128xf32, #tpu.memory_space<vmem_shared>>
      tpu.wait_dma2 semaphore(%run_scoped3A : memref<!tpu.dma_semaphore, #tpu.memory_space<semaphore_mem>>) src(%dma_wait3A_40 : memref<624x128xf32, #tpu.memory_space<vmem_shared>>) dst(%dma_wait3A_38 : memref<624x128xf32, #tpu.memory_space<hbm>>)
      tpu.yield
    }) : () -> ()
    %eq3A_28 = arith.constant 15 : i32
    %eq3A_29 = arith.cmpi eq, %arg1, %eq3A_28 : i32
    %convert_element_type3A_30 = arith.extui %eq3A_29 : i1 to i32
    %cond3A_31 = arith.constant 0 : i32
    %cond3A_32 = arith.cmpi ne, %convert_element_type3A_30, %cond3A_31 : i32
    scf.if %cond3A_32 {
      "tpu.region"() ({
        %run_scoped3A = tpu.sem_alloc : memref<!tpu.dma_semaphore, #tpu.memory_space<semaphore_mem>>
        %dma_start3A = arith.constant 9984 : i32
        %dma_start3A_33 = arith.constant 0 : i32
        %dma_start3A_34 = tpu.memref_slice %arg5[%arg0, %dma_start3A, %dma_start3A_33] : memref<2x10000x128xf32, #tpu.memory_space<hbm>> -> memref<1x16x128xf32, #tpu.memory_space<hbm>>
        %dma_start3A_35 = tpu.memref_squeeze %dma_start3A_34 : memref<1x16x128xf32, #tpu.memory_space<hbm>> -> memref<16x128xf32, #tpu.memory_space<hbm>>
        %dma_start3A_36 = arith.constant 9984 : i32
        %dma_start3A_37 = arith.constant 0 : i32
        %dma_start3A_38 = tpu.memref_slice %arg11[%dma_start3A_36, %dma_start3A_37] : memref<10000x128xf32, #tpu.memory_space<vmem_shared>> -> memref<16x128xf32, #tpu.memory_space<vmem_shared>>
        tpu.enqueue_dma source(%dma_start3A_38 : memref<16x128xf32, #tpu.memory_space<vmem_shared>>) target(%dma_start3A_35 : memref<16x128xf32, #tpu.memory_space<hbm>>) target_semaphore(%run_scoped3A : memref<!tpu.dma_semaphore, #tpu.memory_space<semaphore_mem>>)
        %dma_wait3A = arith.constant 9984 : i32
        %dma_wait3A_39 = arith.constant 0 : i32
        %dma_wait3A_40 = tpu.memref_slice %arg5[%arg0, %dma_wait3A, %dma_wait3A_39] : memref<2x10000x128xf32, #tpu.memory_space<hbm>> -> memref<1x16x128xf32, #tpu.memory_space<hbm>>
        %dma_wait3A_41 = tpu.memref_squeeze %dma_wait3A_40 : memref<1x16x128xf32, #tpu.memory_space<hbm>> -> memref<16x128xf32, #tpu.memory_space<hbm>>
        %dma_wait3A_42 = arith.constant 9984 : i32
        %dma_wait3A_43 = arith.constant 0 : i32
        %dma_wait3A_44 = tpu.memref_slice %arg11[%dma_wait3A_42, %dma_wait3A_43] : memref<10000x128xf32, #tpu.memory_space<vmem_shared>> -> memref<16x128xf32, #tpu.memory_space<vmem_shared>>
        tpu.wait_dma2 semaphore(%run_scoped3A : memref<!tpu.dma_semaphore, #tpu.memory_space<semaphore_mem>>) src(%dma_wait3A_44 : memref<16x128xf32, #tpu.memory_space<vmem_shared>>) dst(%dma_wait3A_41 : memref<16x128xf32, #tpu.memory_space<hbm>>)
        tpu.yield
      }) : () -> ()
    } else {
    }
    return
  }
}

#map = affine_map<(d0, d1) -> (0, 0)>
#map1 = affine_map<(d0, d1) -> (0, 0, 0)>
module attributes {stable_mosaic.version = 14 : i64} {
  func.func @body(%arg0: i32, %arg1: i32, %arg2: memref<10000x128xf32, #tpu.memory_space<hbm>>, %arg3: memref<2x320000xi32, #tpu.memory_space<hbm>>, %arg4: memref<128x128xf32, #tpu.memory_space<hbm>>, %arg5: memref<2x10000x128xf32, #tpu.memory_space<hbm>>, %arg6: memref<10112xi32, #tpu.memory_space<vmem>>, %arg7: memref<128xi32, #tpu.memory_space<vmem>>, %arg8: memref<128xi32, #tpu.memory_space<vmem>>, %arg9: memref<128x128xf32, #tpu.memory_space<vmem>>, %arg10: memref<128x128xf32, #tpu.memory_space<vmem>>, %arg11: memref<10000x128xf32, #tpu.memory_space<vmem_shared>>, %arg12: memref<!tpu.dma_semaphore, #tpu.memory_space<semaphore_mem>>, %arg13: memref<!tpu.dma_semaphore, #tpu.memory_space<semaphore_mem>>, %arg14: memref<!tpu.dma_semaphore, #tpu.memory_space<semaphore_mem>>, %arg15: memref<!tpu.dma_semaphore, #tpu.memory_space<semaphore_mem>>, %arg16: memref<!tpu.dma_semaphore, #tpu.memory_space<semaphore_mem>>, %arg17: memref<!tpu.dma_semaphore, #tpu.memory_space<semaphore_mem>>, %arg18: memref<!tpu.dma_semaphore, #tpu.memory_space<semaphore_mem>>) attributes {dimension_semantics = [#tpu.dimension_semantics<core_parallel>, #tpu.dimension_semantics<subcore_parallel>], iteration_bounds = array<i64: 2, 16>, scalar_prefetch = 0 : i64, scratch_operands = 13 : i64, tpu.core_type = #tpu.core_type<sc_vector_subcore>, window_params = [{transform_indices = #map}, {transform_indices = #map}, {transform_indices = #map}, {transform_indices = #map1}]} {
    %eq3A = arith.constant 0 : i32
    %eq3A_0 = arith.cmpi eq, %arg0, %eq3A : i32
    %convert_element_type3A = arith.extui %eq3A_0 : i1 to i32
    %cond3A = arith.constant 0 : i32
    %cond3A_1 = arith.cmpi ne, %convert_element_type3A, %cond3A : i32
    scf.if %cond3A_1 {
      %mul3A_33 = arith.constant 1262 : i32
      %mul3A_34 = arith.muli %arg1, %mul3A_33 : i32
      %jit3A = arith.constant 16 : i32
      %div3A = arith.divsi %mul3A_34, %jit3A : i32
      %sign3A = arith.constant 0 : i32
      %sign3A_35 = arith.cmpi sgt, %mul3A_34, %sign3A : i32
      %sign3A_36 = arith.extui %sign3A_35 : i1 to i32
      %sign3A_37 = arith.constant 0 : i32
      %sign3A_38 = arith.cmpi slt, %mul3A_34, %sign3A_37 : i32
      %sign3A_39 = arith.extui %sign3A_38 : i1 to i32
      %sign3A_40 = arith.subi %sign3A_36, %sign3A_39 : i32
      %sign3A_41 = arith.constant 0 : i32
      %sign3A_42 = arith.cmpi sgt, %jit3A, %sign3A_41 : i32
      %sign3A_43 = arith.extui %sign3A_42 : i1 to i32
      %sign3A_44 = arith.constant 0 : i32
      %sign3A_45 = arith.cmpi slt, %jit3A, %sign3A_44 : i32
      %sign3A_46 = arith.extui %sign3A_45 : i1 to i32
      %sign3A_47 = arith.subi %sign3A_43, %sign3A_46 : i32
      %ne3A_48 = arith.cmpi ne, %sign3A_40, %sign3A_47 : i32
      %rem3A = arith.remsi %mul3A_34, %jit3A : i32
      %ne3A_49 = arith.constant 0 : i32
      %ne3A_50 = arith.cmpi ne, %rem3A, %ne3A_49 : i32
      %and3A = arith.andi %ne3A_48, %ne3A_50 : i1
      %sub3A = arith.constant 1 : i32
      %sub3A_51 = arith.subi %div3A, %sub3A : i32
      %select_n3A = arith.select %and3A, %sub3A_51, %div3A : i32
      %add3A = arith.constant 1 : i32
      %add3A_52 = arith.addi %arg1, %add3A : i32
      %mul3A_53 = arith.constant 1262 : i32
      %mul3A_54 = arith.muli %add3A_52, %mul3A_53 : i32
      %jit3A_55 = arith.constant 16 : i32
      %div3A_56 = arith.divsi %mul3A_54, %jit3A_55 : i32
      %sign3A_57 = arith.constant 0 : i32
      %sign3A_58 = arith.cmpi sgt, %mul3A_54, %sign3A_57 : i32
      %sign3A_59 = arith.extui %sign3A_58 : i1 to i32
      %sign3A_60 = arith.constant 0 : i32
      %sign3A_61 = arith.cmpi slt, %mul3A_54, %sign3A_60 : i32
      %sign3A_62 = arith.extui %sign3A_61 : i1 to i32
      %sign3A_63 = arith.subi %sign3A_59, %sign3A_62 : i32
      %sign3A_64 = arith.constant 0 : i32
      %sign3A_65 = arith.cmpi sgt, %jit3A_55, %sign3A_64 : i32
      %sign3A_66 = arith.extui %sign3A_65 : i1 to i32
      %sign3A_67 = arith.constant 0 : i32
      %sign3A_68 = arith.cmpi slt, %jit3A_55, %sign3A_67 : i32
      %sign3A_69 = arith.extui %sign3A_68 : i1 to i32
      %sign3A_70 = arith.subi %sign3A_66, %sign3A_69 : i32
      %ne3A_71 = arith.cmpi ne, %sign3A_63, %sign3A_70 : i32
      %rem3A_72 = arith.remsi %mul3A_54, %jit3A_55 : i32
      %ne3A_73 = arith.constant 0 : i32
      %ne3A_74 = arith.cmpi ne, %rem3A_72, %ne3A_73 : i32
      %and3A_75 = arith.andi %ne3A_71, %ne3A_74 : i1
      %sub3A_76 = arith.constant 1 : i32
      %sub3A_77 = arith.subi %div3A_56, %sub3A_76 : i32
      %select_n3A_78 = arith.select %and3A_75, %sub3A_77, %div3A_56 : i32
      %sub3A_79 = arith.subi %select_n3A_78, %select_n3A : i32
      %add3A_80 = arith.constant 0 : i32
      %add3A_81 = arith.addi %add3A_80, %select_n3A : i32
      %mul3A_82 = arith.constant 128 : i32
      %mul3A_83 = arith.muli %add3A_81, %mul3A_82 : i32
      %multiple_of3A = tpu.assume_multiple %mul3A_83, 128 : i32
      %dma_start3A = arith.constant 0 : i32
      %dma_start3A_84 = arith.constant 0 : i32
      %dma_start3A_85 = tpu.memref_slice %arg6[%dma_start3A_84] : memref<10112xi32, #tpu.memory_space<vmem>> -> memref<10112xi32, #tpu.memory_space<vmem>>
      %dma_start3A_86 = tpu.memref_slice %arg3[%dma_start3A, %multiple_of3A] : memref<2x320000xi32, #tpu.memory_space<hbm>> -> memref<1x10112xi32, #tpu.memory_space<hbm>>
      %dma_start3A_87 = tpu.memref_squeeze %dma_start3A_86 : memref<1x10112xi32, #tpu.memory_space<hbm>> -> memref<10112xi32, #tpu.memory_space<hbm>>
      %dma_start3A_88 = arith.constant 0 : i32
      %dma_start3A_89 = tpu.memref_slice %arg6[%dma_start3A_88] : memref<10112xi32, #tpu.memory_space<vmem>> -> memref<10112xi32, #tpu.memory_space<vmem>>
      %dma_start3A_90 = tpu.memref_slice %arg3[%dma_start3A, %multiple_of3A] : memref<2x320000xi32, #tpu.memory_space<hbm>> -> memref<1x10112xi32, #tpu.memory_space<hbm>>
      %dma_start3A_91 = tpu.memref_squeeze %dma_start3A_90 : memref<1x10112xi32, #tpu.memory_space<hbm>> -> memref<10112xi32, #tpu.memory_space<hbm>>
      tpu.enqueue_dma source(%dma_start3A_91 : memref<10112xi32, #tpu.memory_space<hbm>>) target(%dma_start3A_89 : memref<10112xi32, #tpu.memory_space<vmem>>) target_semaphore(%arg18 : memref<!tpu.dma_semaphore, #tpu.memory_space<semaphore_mem>>)
    } else {
    }
    %ne3A = arith.constant 0 : i32
    %ne3A_2 = arith.cmpi ne, %arg0, %ne3A : i32
    %convert_element_type3A_3 = arith.extui %ne3A_2 : i1 to i32
    %cond3A_4 = arith.constant 0 : i32
    %cond3A_5 = arith.cmpi ne, %convert_element_type3A_3, %cond3A_4 : i32
    scf.if %cond3A_5 {
      %mul3A_33 = arith.constant 1238 : i32
      %mul3A_34 = arith.muli %arg1, %mul3A_33 : i32
      %jit3A = arith.constant 16 : i32
      %div3A = arith.divsi %mul3A_34, %jit3A : i32
      %sign3A = arith.constant 0 : i32
      %sign3A_35 = arith.cmpi sgt, %mul3A_34, %sign3A : i32
      %sign3A_36 = arith.extui %sign3A_35 : i1 to i32
      %sign3A_37 = arith.constant 0 : i32
      %sign3A_38 = arith.cmpi slt, %mul3A_34, %sign3A_37 : i32
      %sign3A_39 = arith.extui %sign3A_38 : i1 to i32
      %sign3A_40 = arith.subi %sign3A_36, %sign3A_39 : i32
      %sign3A_41 = arith.constant 0 : i32
      %sign3A_42 = arith.cmpi sgt, %jit3A, %sign3A_41 : i32
      %sign3A_43 = arith.extui %sign3A_42 : i1 to i32
      %sign3A_44 = arith.constant 0 : i32
      %sign3A_45 = arith.cmpi slt, %jit3A, %sign3A_44 : i32
      %sign3A_46 = arith.extui %sign3A_45 : i1 to i32
      %sign3A_47 = arith.subi %sign3A_43, %sign3A_46 : i32
      %ne3A_48 = arith.cmpi ne, %sign3A_40, %sign3A_47 : i32
      %rem3A = arith.remsi %mul3A_34, %jit3A : i32
      %ne3A_49 = arith.constant 0 : i32
      %ne3A_50 = arith.cmpi ne, %rem3A, %ne3A_49 : i32
      %and3A = arith.andi %ne3A_48, %ne3A_50 : i1
      %sub3A = arith.constant 1 : i32
      %sub3A_51 = arith.subi %div3A, %sub3A : i32
      %select_n3A = arith.select %and3A, %sub3A_51, %div3A : i32
      %add3A = arith.constant 1 : i32
      %add3A_52 = arith.addi %arg1, %add3A : i32
      %mul3A_53 = arith.constant 1238 : i32
      %mul3A_54 = arith.muli %add3A_52, %mul3A_53 : i32
      %jit3A_55 = arith.constant 16 : i32
      %div3A_56 = arith.divsi %mul3A_54, %jit3A_55 : i32
      %sign3A_57 = arith.constant 0 : i32
      %sign3A_58 = arith.cmpi sgt, %mul3A_54, %sign3A_57 : i32
      %sign3A_59 = arith.extui %sign3A_58 : i1 to i32
      %sign3A_60 = arith.constant 0 : i32
      %sign3A_61 = arith.cmpi slt, %mul3A_54, %sign3A_60 : i32
      %sign3A_62 = arith.extui %sign3A_61 : i1 to i32
      %sign3A_63 = arith.subi %sign3A_59, %sign3A_62 : i32
      %sign3A_64 = arith.constant 0 : i32
      %sign3A_65 = arith.cmpi sgt, %jit3A_55, %sign3A_64 : i32
      %sign3A_66 = arith.extui %sign3A_65 : i1 to i32
      %sign3A_67 = arith.constant 0 : i32
      %sign3A_68 = arith.cmpi slt, %jit3A_55, %sign3A_67 : i32
      %sign3A_69 = arith.extui %sign3A_68 : i1 to i32
      %sign3A_70 = arith.subi %sign3A_66, %sign3A_69 : i32
      %ne3A_71 = arith.cmpi ne, %sign3A_63, %sign3A_70 : i32
      %rem3A_72 = arith.remsi %mul3A_54, %jit3A_55 : i32
      %ne3A_73 = arith.constant 0 : i32
      %ne3A_74 = arith.cmpi ne, %rem3A_72, %ne3A_73 : i32
      %and3A_75 = arith.andi %ne3A_71, %ne3A_74 : i1
      %sub3A_76 = arith.constant 1 : i32
      %sub3A_77 = arith.subi %div3A_56, %sub3A_76 : i32
      %select_n3A_78 = arith.select %and3A_75, %sub3A_77, %div3A_56 : i32
      %sub3A_79 = arith.subi %select_n3A_78, %select_n3A : i32
      %add3A_80 = arith.constant 1262 : i32
      %add3A_81 = arith.addi %add3A_80, %select_n3A : i32
      %mul3A_82 = arith.constant 128 : i32
      %mul3A_83 = arith.muli %add3A_81, %mul3A_82 : i32
      %multiple_of3A = tpu.assume_multiple %mul3A_83, 128 : i32
      %dma_start3A = arith.constant 0 : i32
      %dma_start3A_84 = arith.constant 0 : i32
      %dma_start3A_85 = tpu.memref_slice %arg6[%dma_start3A_84] : memref<10112xi32, #tpu.memory_space<vmem>> -> memref<9984xi32, #tpu.memory_space<vmem>>
      %dma_start3A_86 = tpu.memref_slice %arg3[%dma_start3A, %multiple_of3A] : memref<2x320000xi32, #tpu.memory_space<hbm>> -> memref<1x9984xi32, #tpu.memory_space<hbm>>
      %dma_start3A_87 = tpu.memref_squeeze %dma_start3A_86 : memref<1x9984xi32, #tpu.memory_space<hbm>> -> memref<9984xi32, #tpu.memory_space<hbm>>
      %dma_start3A_88 = arith.constant 0 : i32
      %dma_start3A_89 = tpu.memref_slice %arg6[%dma_start3A_88] : memref<10112xi32, #tpu.memory_space<vmem>> -> memref<9984xi32, #tpu.memory_space<vmem>>
      %dma_start3A_90 = tpu.memref_slice %arg3[%dma_start3A, %multiple_of3A] : memref<2x320000xi32, #tpu.memory_space<hbm>> -> memref<1x9984xi32, #tpu.memory_space<hbm>>
      %dma_start3A_91 = tpu.memref_squeeze %dma_start3A_90 : memref<1x9984xi32, #tpu.memory_space<hbm>> -> memref<9984xi32, #tpu.memory_space<hbm>>
      tpu.enqueue_dma source(%dma_start3A_91 : memref<9984xi32, #tpu.memory_space<hbm>>) target(%dma_start3A_89 : memref<9984xi32, #tpu.memory_space<vmem>>) target_semaphore(%arg18 : memref<!tpu.dma_semaphore, #tpu.memory_space<semaphore_mem>>)
    } else {
    }
    %mul3A = arith.constant 624 : i32
    %mul3A_6 = arith.muli %arg1, %mul3A : i32
    %eq3A_7 = arith.constant 0 : i32
    %eq3A_8 = arith.cmpi eq, %arg0, %eq3A_7 : i32
    %convert_element_type3A_9 = arith.extui %eq3A_8 : i1 to i32
    %cond3A_10 = arith.constant 0 : i32
    %cond3A_11 = arith.cmpi ne, %convert_element_type3A_9, %cond3A_10 : i32
    scf.if %cond3A_11 {
      "tpu.region"() ({
        %run_scoped3A = tpu.sem_alloc : memref<!tpu.dma_semaphore, #tpu.memory_space<semaphore_mem>>
        %dma_start3A = arith.constant 0 : i32
        %dma_start3A_38 = tpu.memref_slice %arg11[%mul3A_6, %dma_start3A] : memref<10000x128xf32, #tpu.memory_space<vmem_shared>> -> memref<624x128xf32, #tpu.memory_space<vmem_shared>>
        %dma_start3A_39 = arith.constant 0 : i32
        %dma_start3A_40 = tpu.memref_slice %arg2[%mul3A_6, %dma_start3A_39] : memref<10000x128xf32, #tpu.memory_space<hbm>> -> memref<624x128xf32, #tpu.memory_space<hbm>>
        tpu.enqueue_dma source(%dma_start3A_40 : memref<624x128xf32, #tpu.memory_space<hbm>>) target(%dma_start3A_38 : memref<624x128xf32, #tpu.memory_space<vmem_shared>>) target_semaphore(%run_scoped3A : memref<!tpu.dma_semaphore, #tpu.memory_space<semaphore_mem>>)
        %dma_wait3A = arith.constant 0 : i32
        %dma_wait3A_41 = tpu.memref_slice %arg11[%mul3A_6, %dma_wait3A] : memref<10000x128xf32, #tpu.memory_space<vmem_shared>> -> memref<624x128xf32, #tpu.memory_space<vmem_shared>>
        %dma_wait3A_42 = arith.constant 0 : i32
        %dma_wait3A_43 = tpu.memref_slice %arg2[%mul3A_6, %dma_wait3A_42] : memref<10000x128xf32, #tpu.memory_space<hbm>> -> memref<624x128xf32, #tpu.memory_space<hbm>>
        tpu.wait_dma2 semaphore(%run_scoped3A : memref<!tpu.dma_semaphore, #tpu.memory_space<semaphore_mem>>) src(%dma_wait3A_43 : memref<624x128xf32, #tpu.memory_space<hbm>>) dst(%dma_wait3A_41 : memref<624x128xf32, #tpu.memory_space<vmem_shared>>)
        tpu.yield
      }) : () -> ()
      %eq3A_33 = arith.constant 15 : i32
      %eq3A_34 = arith.cmpi eq, %arg1, %eq3A_33 : i32
      %convert_element_type3A_35 = arith.extui %eq3A_34 : i1 to i32
      %cond3A_36 = arith.constant 0 : i32
      %cond3A_37 = arith.cmpi ne, %convert_element_type3A_35, %cond3A_36 : i32
      scf.if %cond3A_37 {
        "tpu.region"() ({
          %run_scoped3A = tpu.sem_alloc : memref<!tpu.dma_semaphore, #tpu.memory_space<semaphore_mem>>
          %dma_start3A = arith.constant 9984 : i32
          %dma_start3A_38 = arith.constant 0 : i32
          %dma_start3A_39 = tpu.memref_slice %arg11[%dma_start3A, %dma_start3A_38] : memref<10000x128xf32, #tpu.memory_space<vmem_shared>> -> memref<16x128xf32, #tpu.memory_space<vmem_shared>>
          %dma_start3A_40 = arith.constant 9984 : i32
          %dma_start3A_41 = arith.constant 0 : i32
          %dma_start3A_42 = tpu.memref_slice %arg2[%dma_start3A_40, %dma_start3A_41] : memref<10000x128xf32, #tpu.memory_space<hbm>> -> memref<16x128xf32, #tpu.memory_space<hbm>>
          tpu.enqueue_dma source(%dma_start3A_42 : memref<16x128xf32, #tpu.memory_space<hbm>>) target(%dma_start3A_39 : memref<16x128xf32, #tpu.memory_space<vmem_shared>>) target_semaphore(%run_scoped3A : memref<!tpu.dma_semaphore, #tpu.memory_space<semaphore_mem>>)
          %dma_wait3A = arith.constant 9984 : i32
          %dma_wait3A_43 = arith.constant 0 : i32
          %dma_wait3A_44 = tpu.memref_slice %arg11[%dma_wait3A, %dma_wait3A_43] : memref<10000x128xf32, #tpu.memory_space<vmem_shared>> -> memref<16x128xf32, #tpu.memory_space<vmem_shared>>
          %dma_wait3A_45 = arith.constant 9984 : i32
          %dma_wait3A_46 = arith.constant 0 : i32
          %dma_wait3A_47 = tpu.memref_slice %arg2[%dma_wait3A_45, %dma_wait3A_46] : memref<10000x128xf32, #tpu.memory_space<hbm>> -> memref<16x128xf32, #tpu.memory_space<hbm>>
          tpu.wait_dma2 semaphore(%run_scoped3A : memref<!tpu.dma_semaphore, #tpu.memory_space<semaphore_mem>>) src(%dma_wait3A_47 : memref<16x128xf32, #tpu.memory_space<hbm>>) dst(%dma_wait3A_44 : memref<16x128xf32, #tpu.memory_space<vmem_shared>>)
          tpu.yield
        }) : () -> ()
      } else {
      }
    } else {
    }
    %ne3A_12 = arith.constant 0 : i32
    %ne3A_13 = arith.cmpi ne, %arg0, %ne3A_12 : i32
    %convert_element_type3A_14 = arith.extui %ne3A_13 : i1 to i32
    %cond3A_15 = arith.constant 0 : i32
    %cond3A_16 = arith.cmpi ne, %convert_element_type3A_14, %cond3A_15 : i32
    scf.if %cond3A_16 {
      %add3A = arith.constant 0 : i32
      %add3A_33 = arith.addi %mul3A_6, %add3A : i32
      "tpu.region"() ({
        %run_scoped3A = tpu.sem_alloc : memref<!tpu.dma_semaphore, #tpu.memory_space<semaphore_mem>>
        %dma_start3A = arith.constant 0 : i32
        %dma_start3A_48 = tpu.memref_slice %arg11[%add3A_33, %dma_start3A] : memref<10000x128xf32, #tpu.memory_space<vmem_shared>> -> memref<128x128xf32, #tpu.memory_space<vmem_shared>>
        tpu.enqueue_dma source(%arg4 : memref<128x128xf32, #tpu.memory_space<hbm>>) target(%dma_start3A_48 : memref<128x128xf32, #tpu.memory_space<vmem_shared>>) target_semaphore(%run_scoped3A : memref<!tpu.dma_semaphore, #tpu.memory_space<semaphore_mem>>)
        %dma_wait3A = arith.constant 0 : i32
        %dma_wait3A_49 = tpu.memref_slice %arg11[%add3A_33, %dma_wait3A] : memref<10000x128xf32, #tpu.memory_space<vmem_shared>> -> memref<128x128xf32, #tpu.memory_space<vmem_shared>>
        tpu.wait_dma2 semaphore(%run_scoped3A : memref<!tpu.dma_semaphore, #tpu.memory_space<semaphore_mem>>) src(%arg4 : memref<128x128xf32, #tpu.memory_space<hbm>>) dst(%dma_wait3A_49 : memref<128x128xf32, #tpu.memory_space<vmem_shared>>)
        tpu.yield
      }) : () -> ()
      %add3A_34 = arith.constant 128 : i32
      %add3A_35 = arith.addi %mul3A_6, %add3A_34 : i32
      "tpu.region"() ({
        %run_scoped3A = tpu.sem_alloc : memref<!tpu.dma_semaphore, #tpu.memory_space<semaphore_mem>>
        %dma_start3A = arith.constant 0 : i32
        %dma_start3A_48 = tpu.memref_slice %arg11[%add3A_35, %dma_start3A] : memref<10000x128xf32, #tpu.memory_space<vmem_shared>> -> memref<128x128xf32, #tpu.memory_space<vmem_shared>>
        tpu.enqueue_dma source(%arg4 : memref<128x128xf32, #tpu.memory_space<hbm>>) target(%dma_start3A_48 : memref<128x128xf32, #tpu.memory_space<vmem_shared>>) target_semaphore(%run_scoped3A : memref<!tpu.dma_semaphore, #tpu.memory_space<semaphore_mem>>)
        %dma_wait3A = arith.constant 0 : i32
        %dma_wait3A_49 = tpu.memref_slice %arg11[%add3A_35, %dma_wait3A] : memref<10000x128xf32, #tpu.memory_space<vmem_shared>> -> memref<128x128xf32, #tpu.memory_space<vmem_shared>>
        tpu.wait_dma2 semaphore(%run_scoped3A : memref<!tpu.dma_semaphore, #tpu.memory_space<semaphore_mem>>) src(%arg4 : memref<128x128xf32, #tpu.memory_space<hbm>>) dst(%dma_wait3A_49 : memref<128x128xf32, #tpu.memory_space<vmem_shared>>)
        tpu.yield
      }) : () -> ()
      %add3A_36 = arith.constant 256 : i32
      %add3A_37 = arith.addi %mul3A_6, %add3A_36 : i32
      "tpu.region"() ({
        %run_scoped3A = tpu.sem_alloc : memref<!tpu.dma_semaphore, #tpu.memory_space<semaphore_mem>>
        %dma_start3A = arith.constant 0 : i32
        %dma_start3A_48 = tpu.memref_slice %arg11[%add3A_37, %dma_start3A] : memref<10000x128xf32, #tpu.memory_space<vmem_shared>> -> memref<128x128xf32, #tpu.memory_space<vmem_shared>>
        tpu.enqueue_dma source(%arg4 : memref<128x128xf32, #tpu.memory_space<hbm>>) target(%dma_start3A_48 : memref<128x128xf32, #tpu.memory_space<vmem_shared>>) target_semaphore(%run_scoped3A : memref<!tpu.dma_semaphore, #tpu.memory_space<semaphore_mem>>)
        %dma_wait3A = arith.constant 0 : i32
        %dma_wait3A_49 = tpu.memref_slice %arg11[%add3A_37, %dma_wait3A] : memref<10000x128xf32, #tpu.memory_space<vmem_shared>> -> memref<128x128xf32, #tpu.memory_space<vmem_shared>>
        tpu.wait_dma2 semaphore(%run_scoped3A : memref<!tpu.dma_semaphore, #tpu.memory_space<semaphore_mem>>) src(%arg4 : memref<128x128xf32, #tpu.memory_space<hbm>>) dst(%dma_wait3A_49 : memref<128x128xf32, #tpu.memory_space<vmem_shared>>)
        tpu.yield
      }) : () -> ()
      %add3A_38 = arith.constant 384 : i32
      %add3A_39 = arith.addi %mul3A_6, %add3A_38 : i32
      "tpu.region"() ({
        %run_scoped3A = tpu.sem_alloc : memref<!tpu.dma_semaphore, #tpu.memory_space<semaphore_mem>>
        %dma_start3A = arith.constant 0 : i32
        %dma_start3A_48 = tpu.memref_slice %arg11[%add3A_39, %dma_start3A] : memref<10000x128xf32, #tpu.memory_space<vmem_shared>> -> memref<128x128xf32, #tpu.memory_space<vmem_shared>>
        tpu.enqueue_dma source(%arg4 : memref<128x128xf32, #tpu.memory_space<hbm>>) target(%dma_start3A_48 : memref<128x128xf32, #tpu.memory_space<vmem_shared>>) target_semaphore(%run_scoped3A : memref<!tpu.dma_semaphore, #tpu.memory_space<semaphore_mem>>)
        %dma_wait3A = arith.constant 0 : i32
        %dma_wait3A_49 = tpu.memref_slice %arg11[%add3A_39, %dma_wait3A] : memref<10000x128xf32, #tpu.memory_space<vmem_shared>> -> memref<128x128xf32, #tpu.memory_space<vmem_shared>>
        tpu.wait_dma2 semaphore(%run_scoped3A : memref<!tpu.dma_semaphore, #tpu.memory_space<semaphore_mem>>) src(%arg4 : memref<128x128xf32, #tpu.memory_space<hbm>>) dst(%dma_wait3A_49 : memref<128x128xf32, #tpu.memory_space<vmem_shared>>)
        tpu.yield
      }) : () -> ()
      %add3A_40 = arith.constant 624 : i32
      %add3A_41 = arith.addi %mul3A_6, %add3A_40 : i32
      %sub3A = arith.constant 112 : i32
      %sub3A_42 = arith.subi %add3A_41, %sub3A : i32
      "tpu.region"() ({
        %run_scoped3A = tpu.sem_alloc : memref<!tpu.dma_semaphore, #tpu.memory_space<semaphore_mem>>
        %dma_start3A = arith.constant 0 : i32
        %dma_start3A_48 = tpu.memref_slice %arg11[%sub3A_42, %dma_start3A] : memref<10000x128xf32, #tpu.memory_space<vmem_shared>> -> memref<112x128xf32, #tpu.memory_space<vmem_shared>>
        %dma_start3A_49 = arith.constant 0 : i32
        %dma_start3A_50 = arith.constant 0 : i32
        %dma_start3A_51 = tpu.memref_slice %arg4[%dma_start3A_49, %dma_start3A_50] : memref<128x128xf32, #tpu.memory_space<hbm>> -> memref<112x128xf32, #tpu.memory_space<hbm>>
        tpu.enqueue_dma source(%dma_start3A_51 : memref<112x128xf32, #tpu.memory_space<hbm>>) target(%dma_start3A_48 : memref<112x128xf32, #tpu.memory_space<vmem_shared>>) target_semaphore(%run_scoped3A : memref<!tpu.dma_semaphore, #tpu.memory_space<semaphore_mem>>)
        %dma_wait3A = arith.constant 0 : i32
        %dma_wait3A_52 = tpu.memref_slice %arg11[%sub3A_42, %dma_wait3A] : memref<10000x128xf32, #tpu.memory_space<vmem_shared>> -> memref<112x128xf32, #tpu.memory_space<vmem_shared>>
        %dma_wait3A_53 = arith.constant 0 : i32
        %dma_wait3A_54 = arith.constant 0 : i32
        %dma_wait3A_55 = tpu.memref_slice %arg4[%dma_wait3A_53, %dma_wait3A_54] : memref<128x128xf32, #tpu.memory_space<hbm>> -> memref<112x128xf32, #tpu.memory_space<hbm>>
        tpu.wait_dma2 semaphore(%run_scoped3A : memref<!tpu.dma_semaphore, #tpu.memory_space<semaphore_mem>>) src(%dma_wait3A_55 : memref<112x128xf32, #tpu.memory_space<hbm>>) dst(%dma_wait3A_52 : memref<112x128xf32, #tpu.memory_space<vmem_shared>>)
        tpu.yield
      }) : () -> ()
      %eq3A_43 = arith.constant 15 : i32
      %eq3A_44 = arith.cmpi eq, %arg1, %eq3A_43 : i32
      %convert_element_type3A_45 = arith.extui %eq3A_44 : i1 to i32
      %cond3A_46 = arith.constant 0 : i32
      %cond3A_47 = arith.cmpi ne, %convert_element_type3A_45, %cond3A_46 : i32
      scf.if %cond3A_47 {
        "tpu.region"() ({
          %run_scoped3A = tpu.sem_alloc : memref<!tpu.dma_semaphore, #tpu.memory_space<semaphore_mem>>
          %dma_start3A = arith.constant 9984 : i32
          %dma_start3A_48 = arith.constant 0 : i32
          %dma_start3A_49 = tpu.memref_slice %arg11[%dma_start3A, %dma_start3A_48] : memref<10000x128xf32, #tpu.memory_space<vmem_shared>> -> memref<16x128xf32, #tpu.memory_space<vmem_shared>>
          %dma_start3A_50 = arith.constant 0 : i32
          %dma_start3A_51 = arith.constant 0 : i32
          %dma_start3A_52 = tpu.memref_slice %arg4[%dma_start3A_50, %dma_start3A_51] : memref<128x128xf32, #tpu.memory_space<hbm>> -> memref<16x128xf32, #tpu.memory_space<hbm>>
          tpu.enqueue_dma source(%dma_start3A_52 : memref<16x128xf32, #tpu.memory_space<hbm>>) target(%dma_start3A_49 : memref<16x128xf32, #tpu.memory_space<vmem_shared>>) target_semaphore(%run_scoped3A : memref<!tpu.dma_semaphore, #tpu.memory_space<semaphore_mem>>)
          %dma_wait3A = arith.constant 9984 : i32
          %dma_wait3A_53 = arith.constant 0 : i32
          %dma_wait3A_54 = tpu.memref_slice %arg11[%dma_wait3A, %dma_wait3A_53] : memref<10000x128xf32, #tpu.memory_space<vmem_shared>> -> memref<16x128xf32, #tpu.memory_space<vmem_shared>>
          %dma_wait3A_55 = arith.constant 0 : i32
          %dma_wait3A_56 = arith.constant 0 : i32
          %dma_wait3A_57 = tpu.memref_slice %arg4[%dma_wait3A_55, %dma_wait3A_56] : memref<128x128xf32, #tpu.memory_space<hbm>> -> memref<16x128xf32, #tpu.memory_space<hbm>>
          tpu.wait_dma2 semaphore(%run_scoped3A : memref<!tpu.dma_semaphore, #tpu.memory_space<semaphore_mem>>) src(%dma_wait3A_57 : memref<16x128xf32, #tpu.memory_space<hbm>>) dst(%dma_wait3A_54 : memref<16x128xf32, #tpu.memory_space<vmem_shared>>)
          tpu.yield
        }) : () -> ()
      } else {
      }
    } else {
    }
    %barrier3A = arith.constant 0 : index
    tpu.barrier barrier_id(%barrier3A)
    %eq3A_17 = arith.constant 0 : i32
    %eq3A_18 = arith.cmpi eq, %arg0, %eq3A_17 : i32
    %convert_element_type3A_19 = arith.extui %eq3A_18 : i1 to i32
    %cond3A_20 = arith.constant 0 : i32
    %cond3A_21 = arith.cmpi ne, %convert_element_type3A_19, %cond3A_20 : i32
    scf.if %cond3A_21 {
      %mul3A_33 = arith.constant 1262 : i32
      %mul3A_34 = arith.muli %arg1, %mul3A_33 : i32
      %jit3A = arith.constant 16 : i32
      %div3A = arith.divsi %mul3A_34, %jit3A : i32
      %sign3A = arith.constant 0 : i32
      %sign3A_35 = arith.cmpi sgt, %mul3A_34, %sign3A : i32
      %sign3A_36 = arith.extui %sign3A_35 : i1 to i32
      %sign3A_37 = arith.constant 0 : i32
      %sign3A_38 = arith.cmpi slt, %mul3A_34, %sign3A_37 : i32
      %sign3A_39 = arith.extui %sign3A_38 : i1 to i32
      %sign3A_40 = arith.subi %sign3A_36, %sign3A_39 : i32
      %sign3A_41 = arith.constant 0 : i32
      %sign3A_42 = arith.cmpi sgt, %jit3A, %sign3A_41 : i32
      %sign3A_43 = arith.extui %sign3A_42 : i1 to i32
      %sign3A_44 = arith.constant 0 : i32
      %sign3A_45 = arith.cmpi slt, %jit3A, %sign3A_44 : i32
      %sign3A_46 = arith.extui %sign3A_45 : i1 to i32
      %sign3A_47 = arith.subi %sign3A_43, %sign3A_46 : i32
      %ne3A_48 = arith.cmpi ne, %sign3A_40, %sign3A_47 : i32
      %rem3A = arith.remsi %mul3A_34, %jit3A : i32
      %ne3A_49 = arith.constant 0 : i32
      %ne3A_50 = arith.cmpi ne, %rem3A, %ne3A_49 : i32
      %and3A = arith.andi %ne3A_48, %ne3A_50 : i1
      %sub3A = arith.constant 1 : i32
      %sub3A_51 = arith.subi %div3A, %sub3A : i32
      %select_n3A = arith.select %and3A, %sub3A_51, %div3A : i32
      %add3A = arith.constant 1 : i32
      %add3A_52 = arith.addi %arg1, %add3A : i32
      %mul3A_53 = arith.constant 1262 : i32
      %mul3A_54 = arith.muli %add3A_52, %mul3A_53 : i32
      %jit3A_55 = arith.constant 16 : i32
      %div3A_56 = arith.divsi %mul3A_54, %jit3A_55 : i32
      %sign3A_57 = arith.constant 0 : i32
      %sign3A_58 = arith.cmpi sgt, %mul3A_54, %sign3A_57 : i32
      %sign3A_59 = arith.extui %sign3A_58 : i1 to i32
      %sign3A_60 = arith.constant 0 : i32
      %sign3A_61 = arith.cmpi slt, %mul3A_54, %sign3A_60 : i32
      %sign3A_62 = arith.extui %sign3A_61 : i1 to i32
      %sign3A_63 = arith.subi %sign3A_59, %sign3A_62 : i32
      %sign3A_64 = arith.constant 0 : i32
      %sign3A_65 = arith.cmpi sgt, %jit3A_55, %sign3A_64 : i32
      %sign3A_66 = arith.extui %sign3A_65 : i1 to i32
      %sign3A_67 = arith.constant 0 : i32
      %sign3A_68 = arith.cmpi slt, %jit3A_55, %sign3A_67 : i32
      %sign3A_69 = arith.extui %sign3A_68 : i1 to i32
      %sign3A_70 = arith.subi %sign3A_66, %sign3A_69 : i32
      %ne3A_71 = arith.cmpi ne, %sign3A_63, %sign3A_70 : i32
      %rem3A_72 = arith.remsi %mul3A_54, %jit3A_55 : i32
      %ne3A_73 = arith.constant 0 : i32
      %ne3A_74 = arith.cmpi ne, %rem3A_72, %ne3A_73 : i32
      %and3A_75 = arith.andi %ne3A_71, %ne3A_74 : i1
      %sub3A_76 = arith.constant 1 : i32
      %sub3A_77 = arith.subi %div3A_56, %sub3A_76 : i32
      %select_n3A_78 = arith.select %and3A_75, %sub3A_77, %div3A_56 : i32
      %sub3A_79 = arith.subi %select_n3A_78, %select_n3A : i32
      %add3A_80 = arith.constant 0 : i32
      %add3A_81 = arith.addi %add3A_80, %select_n3A : i32
      %mul3A_82 = arith.constant 128 : i32
      %mul3A_83 = arith.muli %add3A_81, %mul3A_82 : i32
      %multiple_of3A = tpu.assume_multiple %mul3A_83, 128 : i32
      %dma_wait3A = arith.constant 0 : i32
      %dma_wait3A_84 = arith.constant 0 : i32
      %dma_wait3A_85 = tpu.memref_slice %arg6[%dma_wait3A_84] : memref<10112xi32, #tpu.memory_space<vmem>> -> memref<10112xi32, #tpu.memory_space<vmem>>
      %dma_wait3A_86 = arith.constant 0 : i32
      %dma_wait3A_87 = tpu.memref_slice %arg3[%dma_wait3A, %dma_wait3A_86] : memref<2x320000xi32, #tpu.memory_space<hbm>> -> memref<1x10112xi32, #tpu.memory_space<hbm>>
      %dma_wait3A_88 = tpu.memref_squeeze %dma_wait3A_87 : memref<1x10112xi32, #tpu.memory_space<hbm>> -> memref<10112xi32, #tpu.memory_space<hbm>>
      %dma_wait3A_89 = arith.constant 0 : i32
      %dma_wait3A_90 = tpu.memref_slice %arg6[%dma_wait3A_89] : memref<10112xi32, #tpu.memory_space<vmem>> -> memref<10112xi32, #tpu.memory_space<vmem>>
      %dma_wait3A_91 = arith.constant 0 : i32
      %dma_wait3A_92 = tpu.memref_slice %arg3[%dma_wait3A, %dma_wait3A_91] : memref<2x320000xi32, #tpu.memory_space<hbm>> -> memref<1x10112xi32, #tpu.memory_space<hbm>>
      %dma_wait3A_93 = tpu.memref_squeeze %dma_wait3A_92 : memref<1x10112xi32, #tpu.memory_space<hbm>> -> memref<10112xi32, #tpu.memory_space<hbm>>
      tpu.wait_dma2 semaphore(%arg18 : memref<!tpu.dma_semaphore, #tpu.memory_space<semaphore_mem>>) src(%dma_wait3A_93 : memref<10112xi32, #tpu.memory_space<hbm>>) dst(%dma_wait3A_90 : memref<10112xi32, #tpu.memory_space<vmem>>)
      %multiple_of3A_94 = arith.constant 0 : i32
      %multiple_of3A_95 = tpu.assume_multiple %multiple_of3A_94, 128 : i32
      %dma_start3A = tpu.memref_slice %arg6[%multiple_of3A_95] : memref<10112xi32, #tpu.memory_space<vmem>> -> memref<128xi32, #tpu.memory_space<vmem>>
      %dma_start3A_96 = arith.constant 0 : i32
      %dma_start3A_97 = arith.constant 0 : i32
      %dma_start3A_98 = tpu.memref_slice %arg2[%dma_start3A_96, %dma_start3A_97] : memref<10000x128xf32, #tpu.memory_space<hbm>> -> memref<10000x128xf32, #tpu.memory_space<hbm>>
      tpu.enqueue_indirect_dma source(%dma_start3A_98 : memref<10000x128xf32, #tpu.memory_space<hbm>>) target(%arg9 : memref<128x128xf32, #tpu.memory_space<vmem>>) offsets(%dma_start3A : memref<128xi32, #tpu.memory_space<vmem>>) semaphore(%arg12 : memref<!tpu.dma_semaphore, #tpu.memory_space<semaphore_mem>>)
      %add3A_99 = arith.addi %multiple_of3A, %multiple_of3A_95 : i32
      %dma_start3A_100 = arith.constant 1 : i32
      %dma_start3A_101 = tpu.memref_slice %arg3[%dma_start3A_100, %add3A_99] : memref<2x320000xi32, #tpu.memory_space<hbm>> -> memref<1x128xi32, #tpu.memory_space<hbm>>
      %dma_start3A_102 = tpu.memref_squeeze %dma_start3A_101 : memref<1x128xi32, #tpu.memory_space<hbm>> -> memref<128xi32, #tpu.memory_space<hbm>>
      %dma_start3A_103 = tpu.memref_slice %arg3[%dma_start3A_100, %add3A_99] : memref<2x320000xi32, #tpu.memory_space<hbm>> -> memref<1x128xi32, #tpu.memory_space<hbm>>
      %dma_start3A_104 = tpu.memref_squeeze %dma_start3A_103 : memref<1x128xi32, #tpu.memory_space<hbm>> -> memref<128xi32, #tpu.memory_space<hbm>>
      tpu.enqueue_dma source(%dma_start3A_104 : memref<128xi32, #tpu.memory_space<hbm>>) target(%arg7 : memref<128xi32, #tpu.memory_space<vmem>>) target_semaphore(%arg16 : memref<!tpu.dma_semaphore, #tpu.memory_space<semaphore_mem>>)
      %jit3A_105 = arith.constant 2 : i32
      %div3A_106 = arith.divsi %sub3A_79, %jit3A_105 : i32
      %sign3A_107 = arith.constant 0 : i32
      %sign3A_108 = arith.cmpi sgt, %sub3A_79, %sign3A_107 : i32
      %sign3A_109 = arith.extui %sign3A_108 : i1 to i32
      %sign3A_110 = arith.constant 0 : i32
      %sign3A_111 = arith.cmpi slt, %sub3A_79, %sign3A_110 : i32
      %sign3A_112 = arith.extui %sign3A_111 : i1 to i32
      %sign3A_113 = arith.subi %sign3A_109, %sign3A_112 : i32
      %sign3A_114 = arith.constant 0 : i32
      %sign3A_115 = arith.cmpi sgt, %jit3A_105, %sign3A_114 : i32
      %sign3A_116 = arith.extui %sign3A_115 : i1 to i32
      %sign3A_117 = arith.constant 0 : i32
      %sign3A_118 = arith.cmpi slt, %jit3A_105, %sign3A_117 : i32
      %sign3A_119 = arith.extui %sign3A_118 : i1 to i32
      %sign3A_120 = arith.subi %sign3A_116, %sign3A_119 : i32
      %ne3A_121 = arith.cmpi ne, %sign3A_113, %sign3A_120 : i32
      %rem3A_122 = arith.remsi %sub3A_79, %jit3A_105 : i32
      %ne3A_123 = arith.constant 0 : i32
      %ne3A_124 = arith.cmpi ne, %rem3A_122, %ne3A_123 : i32
      %and3A_125 = arith.andi %ne3A_121, %ne3A_124 : i1
      %sub3A_126 = arith.constant 1 : i32
      %sub3A_127 = arith.subi %div3A_106, %sub3A_126 : i32
      %select_n3A_128 = arith.select %and3A_125, %sub3A_127, %div3A_106 : i32
      %while3A = arith.constant 0 : i32
      %while3A_129 = arith.constant 0 : i32
      %while3A_130 = arith.subi %select_n3A_128, %while3A_129 : i32
      %while3A_131 = arith.addi %while3A_129, %while3A_130 : i32
      %while3A_132 = arith.constant 1 : i32
      %while3A_133 = arith.divsi %while3A_130, %while3A_132 : i32
      %while3A_134 = arith.muli %while3A_133, %while3A_132 : i32
      %while3A_135 = arith.addi %while3A_129, %while3A_134 : i32
      %while3A_136 = arith.constant 1 : i32
      scf.for %while3A_164 = %while3A_129 to %while3A_135 step %while3A_136  : i32 {
        %mul3A_165 = arith.constant 2 : i32
        %mul3A_166 = arith.muli %mul3A_165, %while3A_164 : i32
        %add3A_167 = arith.constant 0 : i32
        %add3A_168 = arith.addi %mul3A_166, %add3A_167 : i32
        %dma_wait3A_169 = arith.constant 0 : i32
        %dma_wait3A_170 = tpu.memref_slice %arg6[%dma_wait3A_169] : memref<10112xi32, #tpu.memory_space<vmem>> -> memref<128xi32, #tpu.memory_space<vmem>>
        %dma_wait3A_171 = arith.constant 0 : i32
        %dma_wait3A_172 = arith.constant 0 : i32
        %dma_wait3A_173 = tpu.memref_slice %arg2[%dma_wait3A_171, %dma_wait3A_172] : memref<10000x128xf32, #tpu.memory_space<hbm>> -> memref<10000x128xf32, #tpu.memory_space<hbm>>
        tpu.wait_indirect_dma semaphore(%arg12 : memref<!tpu.dma_semaphore, #tpu.memory_space<semaphore_mem>>) src(%dma_wait3A_173 : memref<10000x128xf32, #tpu.memory_space<hbm>>) dst(%arg9 : memref<128x128xf32, #tpu.memory_space<vmem>>)
        %dma_wait3A_174 = arith.constant 1 : i32
        %dma_wait3A_175 = arith.constant 0 : i32
        %dma_wait3A_176 = tpu.memref_slice %arg3[%dma_wait3A_174, %dma_wait3A_175] : memref<2x320000xi32, #tpu.memory_space<hbm>> -> memref<1x128xi32, #tpu.memory_space<hbm>>
        %dma_wait3A_177 = tpu.memref_squeeze %dma_wait3A_176 : memref<1x128xi32, #tpu.memory_space<hbm>> -> memref<128xi32, #tpu.memory_space<hbm>>
        %dma_wait3A_178 = arith.constant 0 : i32
        %dma_wait3A_179 = tpu.memref_slice %arg3[%dma_wait3A_174, %dma_wait3A_178] : memref<2x320000xi32, #tpu.memory_space<hbm>> -> memref<1x128xi32, #tpu.memory_space<hbm>>
        %dma_wait3A_180 = tpu.memref_squeeze %dma_wait3A_179 : memref<1x128xi32, #tpu.memory_space<hbm>> -> memref<128xi32, #tpu.memory_space<hbm>>
        tpu.wait_dma2 semaphore(%arg16 : memref<!tpu.dma_semaphore, #tpu.memory_space<semaphore_mem>>) src(%dma_wait3A_180 : memref<128xi32, #tpu.memory_space<hbm>>) dst(%arg7 : memref<128xi32, #tpu.memory_space<vmem>>)
        %add3A_181 = arith.constant 1 : i32
        %add3A_182 = arith.addi %add3A_168, %add3A_181 : i32
        %lt3A_183 = arith.cmpi slt, %add3A_182, %sub3A_79 : i32
        %convert_element_type3A_184 = arith.extui %lt3A_183 : i1 to i32
        %cond3A_185 = arith.constant 0 : i32
        %cond3A_186 = arith.cmpi ne, %convert_element_type3A_184, %cond3A_185 : i32
        scf.if %cond3A_186 {
          %ge3A = arith.constant 1 : i32
          %ge3A_215 = arith.cmpi sge, %add3A_168, %ge3A : i32
          %convert_element_type3A_216 = arith.extui %ge3A_215 : i1 to i32
          %cond3A_217 = arith.constant 0 : i32
          %cond3A_218 = arith.cmpi ne, %convert_element_type3A_216, %cond3A_217 : i32
          scf.if %cond3A_218 {
            %dma_wait3A_234 = arith.constant 0 : i32
            %dma_wait3A_235 = arith.constant 0 : i32
            %dma_wait3A_236 = tpu.memref_slice %arg11[%dma_wait3A_234, %dma_wait3A_235] : memref<10000x128xf32, #tpu.memory_space<vmem_shared>> -> memref<10000x128xf32, #tpu.memory_space<vmem_shared>>
            tpu.wait_indirect_dma semaphore(%arg15 : memref<!tpu.dma_semaphore, #tpu.memory_space<semaphore_mem>>) src(%arg10 : memref<128x128xf32, #tpu.memory_space<vmem>>) dst(%dma_wait3A_236 : memref<10000x128xf32, #tpu.memory_space<vmem_shared>>)
          } else {
          }
          %add3A_219 = arith.constant 1 : i32
          %add3A_220 = arith.addi %add3A_168, %add3A_219 : i32
          %mul3A_221 = arith.constant 128 : i32
          %mul3A_222 = arith.muli %add3A_220, %mul3A_221 : i32
          %multiple_of3A_223 = tpu.assume_multiple %mul3A_222, 128 : i32
          %dma_start3A_224 = tpu.memref_slice %arg6[%multiple_of3A_223] : memref<10112xi32, #tpu.memory_space<vmem>> -> memref<128xi32, #tpu.memory_space<vmem>>
          %dma_start3A_225 = arith.constant 0 : i32
          %dma_start3A_226 = arith.constant 0 : i32
          %dma_start3A_227 = tpu.memref_slice %arg2[%dma_start3A_225, %dma_start3A_226] : memref<10000x128xf32, #tpu.memory_space<hbm>> -> memref<10000x128xf32, #tpu.memory_space<hbm>>
          tpu.enqueue_indirect_dma source(%dma_start3A_227 : memref<10000x128xf32, #tpu.memory_space<hbm>>) target(%arg10 : memref<128x128xf32, #tpu.memory_space<vmem>>) offsets(%dma_start3A_224 : memref<128xi32, #tpu.memory_space<vmem>>) semaphore(%arg13 : memref<!tpu.dma_semaphore, #tpu.memory_space<semaphore_mem>>)
          %add3A_228 = arith.addi %multiple_of3A, %multiple_of3A_223 : i32
          %dma_start3A_229 = arith.constant 1 : i32
          %dma_start3A_230 = tpu.memref_slice %arg3[%dma_start3A_229, %add3A_228] : memref<2x320000xi32, #tpu.memory_space<hbm>> -> memref<1x128xi32, #tpu.memory_space<hbm>>
          %dma_start3A_231 = tpu.memref_squeeze %dma_start3A_230 : memref<1x128xi32, #tpu.memory_space<hbm>> -> memref<128xi32, #tpu.memory_space<hbm>>
          %dma_start3A_232 = tpu.memref_slice %arg3[%dma_start3A_229, %add3A_228] : memref<2x320000xi32, #tpu.memory_space<hbm>> -> memref<1x128xi32, #tpu.memory_space<hbm>>
          %dma_start3A_233 = tpu.memref_squeeze %dma_start3A_232 : memref<1x128xi32, #tpu.memory_space<hbm>> -> memref<128xi32, #tpu.memory_space<hbm>>
          tpu.enqueue_dma source(%dma_start3A_233 : memref<128xi32, #tpu.memory_space<hbm>>) target(%arg8 : memref<128xi32, #tpu.memory_space<vmem>>) target_semaphore(%arg17 : memref<!tpu.dma_semaphore, #tpu.memory_space<semaphore_mem>>)
        } else {
        }
        %dma_start3A_187 = arith.constant 0 : i32
        %dma_start3A_188 = arith.constant 0 : i32
        %dma_start3A_189 = tpu.memref_slice %arg11[%dma_start3A_187, %dma_start3A_188] : memref<10000x128xf32, #tpu.memory_space<vmem_shared>> -> memref<10000x128xf32, #tpu.memory_space<vmem_shared>>
        tpu.enqueue_indirect_dma source(%arg9 : memref<128x128xf32, #tpu.memory_space<vmem>>) target(%dma_start3A_189 : memref<10000x128xf32, #tpu.memory_space<vmem_shared>>) offsets(%arg7 : memref<128xi32, #tpu.memory_space<vmem>>) semaphore(%arg14 : memref<!tpu.dma_semaphore, #tpu.memory_space<semaphore_mem>>) {add = true}
        %mul3A_190 = arith.constant 2 : i32
        %mul3A_191 = arith.muli %mul3A_190, %while3A_164 : i32
        %add3A_192 = arith.constant 1 : i32
        %add3A_193 = arith.addi %mul3A_191, %add3A_192 : i32
        %dma_wait3A_194 = arith.constant 0 : i32
        %dma_wait3A_195 = tpu.memref_slice %arg6[%dma_wait3A_194] : memref<10112xi32, #tpu.memory_space<vmem>> -> memref<128xi32, #tpu.memory_space<vmem>>
        %dma_wait3A_196 = arith.constant 0 : i32
        %dma_wait3A_197 = arith.constant 0 : i32
        %dma_wait3A_198 = tpu.memref_slice %arg2[%dma_wait3A_196, %dma_wait3A_197] : memref<10000x128xf32, #tpu.memory_space<hbm>> -> memref<10000x128xf32, #tpu.memory_space<hbm>>
        tpu.wait_indirect_dma semaphore(%arg13 : memref<!tpu.dma_semaphore, #tpu.memory_space<semaphore_mem>>) src(%dma_wait3A_198 : memref<10000x128xf32, #tpu.memory_space<hbm>>) dst(%arg10 : memref<128x128xf32, #tpu.memory_space<vmem>>)
        %dma_wait3A_199 = arith.constant 1 : i32
        %dma_wait3A_200 = arith.constant 0 : i32
        %dma_wait3A_201 = tpu.memref_slice %arg3[%dma_wait3A_199, %dma_wait3A_200] : memref<2x320000xi32, #tpu.memory_space<hbm>> -> memref<1x128xi32, #tpu.memory_space<hbm>>
        %dma_wait3A_202 = tpu.memref_squeeze %dma_wait3A_201 : memref<1x128xi32, #tpu.memory_space<hbm>> -> memref<128xi32, #tpu.memory_space<hbm>>
        %dma_wait3A_203 = arith.constant 0 : i32
        %dma_wait3A_204 = tpu.memref_slice %arg3[%dma_wait3A_199, %dma_wait3A_203] : memref<2x320000xi32, #tpu.memory_space<hbm>> -> memref<1x128xi32, #tpu.memory_space<hbm>>
        %dma_wait3A_205 = tpu.memref_squeeze %dma_wait3A_204 : memref<1x128xi32, #tpu.memory_space<hbm>> -> memref<128xi32, #tpu.memory_space<hbm>>
        tpu.wait_dma2 semaphore(%arg17 : memref<!tpu.dma_semaphore, #tpu.memory_space<semaphore_mem>>) src(%dma_wait3A_205 : memref<128xi32, #tpu.memory_space<hbm>>) dst(%arg8 : memref<128xi32, #tpu.memory_space<vmem>>)
        %add3A_206 = arith.constant 1 : i32
        %add3A_207 = arith.addi %add3A_193, %add3A_206 : i32
        %lt3A_208 = arith.cmpi slt, %add3A_207, %sub3A_79 : i32
        %convert_element_type3A_209 = arith.extui %lt3A_208 : i1 to i32
        %cond3A_210 = arith.constant 0 : i32
        %cond3A_211 = arith.cmpi ne, %convert_element_type3A_209, %cond3A_210 : i32
        scf.if %cond3A_211 {
          %ge3A = arith.constant 1 : i32
          %ge3A_215 = arith.cmpi sge, %add3A_193, %ge3A : i32
          %convert_element_type3A_216 = arith.extui %ge3A_215 : i1 to i32
          %cond3A_217 = arith.constant 0 : i32
          %cond3A_218 = arith.cmpi ne, %convert_element_type3A_216, %cond3A_217 : i32
          scf.if %cond3A_218 {
            %dma_wait3A_234 = arith.constant 0 : i32
            %dma_wait3A_235 = arith.constant 0 : i32
            %dma_wait3A_236 = tpu.memref_slice %arg11[%dma_wait3A_234, %dma_wait3A_235] : memref<10000x128xf32, #tpu.memory_space<vmem_shared>> -> memref<10000x128xf32, #tpu.memory_space<vmem_shared>>
            tpu.wait_indirect_dma semaphore(%arg14 : memref<!tpu.dma_semaphore, #tpu.memory_space<semaphore_mem>>) src(%arg9 : memref<128x128xf32, #tpu.memory_space<vmem>>) dst(%dma_wait3A_236 : memref<10000x128xf32, #tpu.memory_space<vmem_shared>>)
          } else {
          }
          %add3A_219 = arith.constant 1 : i32
          %add3A_220 = arith.addi %add3A_193, %add3A_219 : i32
          %mul3A_221 = arith.constant 128 : i32
          %mul3A_222 = arith.muli %add3A_220, %mul3A_221 : i32
          %multiple_of3A_223 = tpu.assume_multiple %mul3A_222, 128 : i32
          %dma_start3A_224 = tpu.memref_slice %arg6[%multiple_of3A_223] : memref<10112xi32, #tpu.memory_space<vmem>> -> memref<128xi32, #tpu.memory_space<vmem>>
          %dma_start3A_225 = arith.constant 0 : i32
          %dma_start3A_226 = arith.constant 0 : i32
          %dma_start3A_227 = tpu.memref_slice %arg2[%dma_start3A_225, %dma_start3A_226] : memref<10000x128xf32, #tpu.memory_space<hbm>> -> memref<10000x128xf32, #tpu.memory_space<hbm>>
          tpu.enqueue_indirect_dma source(%dma_start3A_227 : memref<10000x128xf32, #tpu.memory_space<hbm>>) target(%arg9 : memref<128x128xf32, #tpu.memory_space<vmem>>) offsets(%dma_start3A_224 : memref<128xi32, #tpu.memory_space<vmem>>) semaphore(%arg12 : memref<!tpu.dma_semaphore, #tpu.memory_space<semaphore_mem>>)
          %add3A_228 = arith.addi %multiple_of3A, %multiple_of3A_223 : i32
          %dma_start3A_229 = arith.constant 1 : i32
          %dma_start3A_230 = tpu.memref_slice %arg3[%dma_start3A_229, %add3A_228] : memref<2x320000xi32, #tpu.memory_space<hbm>> -> memref<1x128xi32, #tpu.memory_space<hbm>>
          %dma_start3A_231 = tpu.memref_squeeze %dma_start3A_230 : memref<1x128xi32, #tpu.memory_space<hbm>> -> memref<128xi32, #tpu.memory_space<hbm>>
          %dma_start3A_232 = tpu.memref_slice %arg3[%dma_start3A_229, %add3A_228] : memref<2x320000xi32, #tpu.memory_space<hbm>> -> memref<1x128xi32, #tpu.memory_space<hbm>>
          %dma_start3A_233 = tpu.memref_squeeze %dma_start3A_232 : memref<1x128xi32, #tpu.memory_space<hbm>> -> memref<128xi32, #tpu.memory_space<hbm>>
          tpu.enqueue_dma source(%dma_start3A_233 : memref<128xi32, #tpu.memory_space<hbm>>) target(%arg7 : memref<128xi32, #tpu.memory_space<vmem>>) target_semaphore(%arg16 : memref<!tpu.dma_semaphore, #tpu.memory_space<semaphore_mem>>)
        } else {
        }
        %dma_start3A_212 = arith.constant 0 : i32
        %dma_start3A_213 = arith.constant 0 : i32
        %dma_start3A_214 = tpu.memref_slice %arg11[%dma_start3A_212, %dma_start3A_213] : memref<10000x128xf32, #tpu.memory_space<vmem_shared>> -> memref<10000x128xf32, #tpu.memory_space<vmem_shared>>
        tpu.enqueue_indirect_dma source(%arg10 : memref<128x128xf32, #tpu.memory_space<vmem>>) target(%dma_start3A_214 : memref<10000x128xf32, #tpu.memory_space<vmem_shared>>) offsets(%arg8 : memref<128xi32, #tpu.memory_space<vmem>>) semaphore(%arg15 : memref<!tpu.dma_semaphore, #tpu.memory_space<semaphore_mem>>) {add = true}
      }
      %while3A_137 = arith.constant 1 : i32
      scf.for %while3A_164 = %while3A_135 to %while3A_131 step %while3A_137  : i32 {
        %mul3A_165 = arith.constant 2 : i32
        %mul3A_166 = arith.muli %mul3A_165, %while3A_164 : i32
        %add3A_167 = arith.constant 0 : i32
        %add3A_168 = arith.addi %mul3A_166, %add3A_167 : i32
        %dma_wait3A_169 = arith.constant 0 : i32
        %dma_wait3A_170 = tpu.memref_slice %arg6[%dma_wait3A_169] : memref<10112xi32, #tpu.memory_space<vmem>> -> memref<128xi32, #tpu.memory_space<vmem>>
        %dma_wait3A_171 = arith.constant 0 : i32
        %dma_wait3A_172 = arith.constant 0 : i32
        %dma_wait3A_173 = tpu.memref_slice %arg2[%dma_wait3A_171, %dma_wait3A_172] : memref<10000x128xf32, #tpu.memory_space<hbm>> -> memref<10000x128xf32, #tpu.memory_space<hbm>>
        tpu.wait_indirect_dma semaphore(%arg12 : memref<!tpu.dma_semaphore, #tpu.memory_space<semaphore_mem>>) src(%dma_wait3A_173 : memref<10000x128xf32, #tpu.memory_space<hbm>>) dst(%arg9 : memref<128x128xf32, #tpu.memory_space<vmem>>)
        %dma_wait3A_174 = arith.constant 1 : i32
        %dma_wait3A_175 = arith.constant 0 : i32
        %dma_wait3A_176 = tpu.memref_slice %arg3[%dma_wait3A_174, %dma_wait3A_175] : memref<2x320000xi32, #tpu.memory_space<hbm>> -> memref<1x128xi32, #tpu.memory_space<hbm>>
        %dma_wait3A_177 = tpu.memref_squeeze %dma_wait3A_176 : memref<1x128xi32, #tpu.memory_space<hbm>> -> memref<128xi32, #tpu.memory_space<hbm>>
        %dma_wait3A_178 = arith.constant 0 : i32
        %dma_wait3A_179 = tpu.memref_slice %arg3[%dma_wait3A_174, %dma_wait3A_178] : memref<2x320000xi32, #tpu.memory_space<hbm>> -> memref<1x128xi32, #tpu.memory_space<hbm>>
        %dma_wait3A_180 = tpu.memref_squeeze %dma_wait3A_179 : memref<1x128xi32, #tpu.memory_space<hbm>> -> memref<128xi32, #tpu.memory_space<hbm>>
        tpu.wait_dma2 semaphore(%arg16 : memref<!tpu.dma_semaphore, #tpu.memory_space<semaphore_mem>>) src(%dma_wait3A_180 : memref<128xi32, #tpu.memory_space<hbm>>) dst(%arg7 : memref<128xi32, #tpu.memory_space<vmem>>)
        %add3A_181 = arith.constant 1 : i32
        %add3A_182 = arith.addi %add3A_168, %add3A_181 : i32
        %lt3A_183 = arith.cmpi slt, %add3A_182, %sub3A_79 : i32
        %convert_element_type3A_184 = arith.extui %lt3A_183 : i1 to i32
        %cond3A_185 = arith.constant 0 : i32
        %cond3A_186 = arith.cmpi ne, %convert_element_type3A_184, %cond3A_185 : i32
        scf.if %cond3A_186 {
          %ge3A = arith.constant 1 : i32
          %ge3A_215 = arith.cmpi sge, %add3A_168, %ge3A : i32
          %convert_element_type3A_216 = arith.extui %ge3A_215 : i1 to i32
          %cond3A_217 = arith.constant 0 : i32
          %cond3A_218 = arith.cmpi ne, %convert_element_type3A_216, %cond3A_217 : i32
          scf.if %cond3A_218 {
            %dma_wait3A_234 = arith.constant 0 : i32
            %dma_wait3A_235 = arith.constant 0 : i32
            %dma_wait3A_236 = tpu.memref_slice %arg11[%dma_wait3A_234, %dma_wait3A_235] : memref<10000x128xf32, #tpu.memory_space<vmem_shared>> -> memref<10000x128xf32, #tpu.memory_space<vmem_shared>>
            tpu.wait_indirect_dma semaphore(%arg15 : memref<!tpu.dma_semaphore, #tpu.memory_space<semaphore_mem>>) src(%arg10 : memref<128x128xf32, #tpu.memory_space<vmem>>) dst(%dma_wait3A_236 : memref<10000x128xf32, #tpu.memory_space<vmem_shared>>)
          } else {
          }
          %add3A_219 = arith.constant 1 : i32
          %add3A_220 = arith.addi %add3A_168, %add3A_219 : i32
          %mul3A_221 = arith.constant 128 : i32
          %mul3A_222 = arith.muli %add3A_220, %mul3A_221 : i32
          %multiple_of3A_223 = tpu.assume_multiple %mul3A_222, 128 : i32
          %dma_start3A_224 = tpu.memref_slice %arg6[%multiple_of3A_223] : memref<10112xi32, #tpu.memory_space<vmem>> -> memref<128xi32, #tpu.memory_space<vmem>>
          %dma_start3A_225 = arith.constant 0 : i32
          %dma_start3A_226 = arith.constant 0 : i32
          %dma_start3A_227 = tpu.memref_slice %arg2[%dma_start3A_225, %dma_start3A_226] : memref<10000x128xf32, #tpu.memory_space<hbm>> -> memref<10000x128xf32, #tpu.memory_space<hbm>>
          tpu.enqueue_indirect_dma source(%dma_start3A_227 : memref<10000x128xf32, #tpu.memory_space<hbm>>) target(%arg10 : memref<128x128xf32, #tpu.memory_space<vmem>>) offsets(%dma_start3A_224 : memref<128xi32, #tpu.memory_space<vmem>>) semaphore(%arg13 : memref<!tpu.dma_semaphore, #tpu.memory_space<semaphore_mem>>)
          %add3A_228 = arith.addi %multiple_of3A, %multiple_of3A_223 : i32
          %dma_start3A_229 = arith.constant 1 : i32
          %dma_start3A_230 = tpu.memref_slice %arg3[%dma_start3A_229, %add3A_228] : memref<2x320000xi32, #tpu.memory_space<hbm>> -> memref<1x128xi32, #tpu.memory_space<hbm>>
          %dma_start3A_231 = tpu.memref_squeeze %dma_start3A_230 : memref<1x128xi32, #tpu.memory_space<hbm>> -> memref<128xi32, #tpu.memory_space<hbm>>
          %dma_start3A_232 = tpu.memref_slice %arg3[%dma_start3A_229, %add3A_228] : memref<2x320000xi32, #tpu.memory_space<hbm>> -> memref<1x128xi32, #tpu.memory_space<hbm>>
          %dma_start3A_233 = tpu.memref_squeeze %dma_start3A_232 : memref<1x128xi32, #tpu.memory_space<hbm>> -> memref<128xi32, #tpu.memory_space<hbm>>
          tpu.enqueue_dma source(%dma_start3A_233 : memref<128xi32, #tpu.memory_space<hbm>>) target(%arg8 : memref<128xi32, #tpu.memory_space<vmem>>) target_semaphore(%arg17 : memref<!tpu.dma_semaphore, #tpu.memory_space<semaphore_mem>>)
        } else {
        }
        %dma_start3A_187 = arith.constant 0 : i32
        %dma_start3A_188 = arith.constant 0 : i32
        %dma_start3A_189 = tpu.memref_slice %arg11[%dma_start3A_187, %dma_start3A_188] : memref<10000x128xf32, #tpu.memory_space<vmem_shared>> -> memref<10000x128xf32, #tpu.memory_space<vmem_shared>>
        tpu.enqueue_indirect_dma source(%arg9 : memref<128x128xf32, #tpu.memory_space<vmem>>) target(%dma_start3A_189 : memref<10000x128xf32, #tpu.memory_space<vmem_shared>>) offsets(%arg7 : memref<128xi32, #tpu.memory_space<vmem>>) semaphore(%arg14 : memref<!tpu.dma_semaphore, #tpu.memory_space<semaphore_mem>>) {add = true}
        %mul3A_190 = arith.constant 2 : i32
        %mul3A_191 = arith.muli %mul3A_190, %while3A_164 : i32
        %add3A_192 = arith.constant 1 : i32
        %add3A_193 = arith.addi %mul3A_191, %add3A_192 : i32
        %dma_wait3A_194 = arith.constant 0 : i32
        %dma_wait3A_195 = tpu.memref_slice %arg6[%dma_wait3A_194] : memref<10112xi32, #tpu.memory_space<vmem>> -> memref<128xi32, #tpu.memory_space<vmem>>
        %dma_wait3A_196 = arith.constant 0 : i32
        %dma_wait3A_197 = arith.constant 0 : i32
        %dma_wait3A_198 = tpu.memref_slice %arg2[%dma_wait3A_196, %dma_wait3A_197] : memref<10000x128xf32, #tpu.memory_space<hbm>> -> memref<10000x128xf32, #tpu.memory_space<hbm>>
        tpu.wait_indirect_dma semaphore(%arg13 : memref<!tpu.dma_semaphore, #tpu.memory_space<semaphore_mem>>) src(%dma_wait3A_198 : memref<10000x128xf32, #tpu.memory_space<hbm>>) dst(%arg10 : memref<128x128xf32, #tpu.memory_space<vmem>>)
        %dma_wait3A_199 = arith.constant 1 : i32
        %dma_wait3A_200 = arith.constant 0 : i32
        %dma_wait3A_201 = tpu.memref_slice %arg3[%dma_wait3A_199, %dma_wait3A_200] : memref<2x320000xi32, #tpu.memory_space<hbm>> -> memref<1x128xi32, #tpu.memory_space<hbm>>
        %dma_wait3A_202 = tpu.memref_squeeze %dma_wait3A_201 : memref<1x128xi32, #tpu.memory_space<hbm>> -> memref<128xi32, #tpu.memory_space<hbm>>
        %dma_wait3A_203 = arith.constant 0 : i32
        %dma_wait3A_204 = tpu.memref_slice %arg3[%dma_wait3A_199, %dma_wait3A_203] : memref<2x320000xi32, #tpu.memory_space<hbm>> -> memref<1x128xi32, #tpu.memory_space<hbm>>
        %dma_wait3A_205 = tpu.memref_squeeze %dma_wait3A_204 : memref<1x128xi32, #tpu.memory_space<hbm>> -> memref<128xi32, #tpu.memory_space<hbm>>
        tpu.wait_dma2 semaphore(%arg17 : memref<!tpu.dma_semaphore, #tpu.memory_space<semaphore_mem>>) src(%dma_wait3A_205 : memref<128xi32, #tpu.memory_space<hbm>>) dst(%arg8 : memref<128xi32, #tpu.memory_space<vmem>>)
        %add3A_206 = arith.constant 1 : i32
        %add3A_207 = arith.addi %add3A_193, %add3A_206 : i32
        %lt3A_208 = arith.cmpi slt, %add3A_207, %sub3A_79 : i32
        %convert_element_type3A_209 = arith.extui %lt3A_208 : i1 to i32
        %cond3A_210 = arith.constant 0 : i32
        %cond3A_211 = arith.cmpi ne, %convert_element_type3A_209, %cond3A_210 : i32
        scf.if %cond3A_211 {
          %ge3A = arith.constant 1 : i32
          %ge3A_215 = arith.cmpi sge, %add3A_193, %ge3A : i32
          %convert_element_type3A_216 = arith.extui %ge3A_215 : i1 to i32
          %cond3A_217 = arith.constant 0 : i32
          %cond3A_218 = arith.cmpi ne, %convert_element_type3A_216, %cond3A_217 : i32
          scf.if %cond3A_218 {
            %dma_wait3A_234 = arith.constant 0 : i32
            %dma_wait3A_235 = arith.constant 0 : i32
            %dma_wait3A_236 = tpu.memref_slice %arg11[%dma_wait3A_234, %dma_wait3A_235] : memref<10000x128xf32, #tpu.memory_space<vmem_shared>> -> memref<10000x128xf32, #tpu.memory_space<vmem_shared>>
            tpu.wait_indirect_dma semaphore(%arg14 : memref<!tpu.dma_semaphore, #tpu.memory_space<semaphore_mem>>) src(%arg9 : memref<128x128xf32, #tpu.memory_space<vmem>>) dst(%dma_wait3A_236 : memref<10000x128xf32, #tpu.memory_space<vmem_shared>>)
          } else {
          }
          %add3A_219 = arith.constant 1 : i32
          %add3A_220 = arith.addi %add3A_193, %add3A_219 : i32
          %mul3A_221 = arith.constant 128 : i32
          %mul3A_222 = arith.muli %add3A_220, %mul3A_221 : i32
          %multiple_of3A_223 = tpu.assume_multiple %mul3A_222, 128 : i32
          %dma_start3A_224 = tpu.memref_slice %arg6[%multiple_of3A_223] : memref<10112xi32, #tpu.memory_space<vmem>> -> memref<128xi32, #tpu.memory_space<vmem>>
          %dma_start3A_225 = arith.constant 0 : i32
          %dma_start3A_226 = arith.constant 0 : i32
          %dma_start3A_227 = tpu.memref_slice %arg2[%dma_start3A_225, %dma_start3A_226] : memref<10000x128xf32, #tpu.memory_space<hbm>> -> memref<10000x128xf32, #tpu.memory_space<hbm>>
          tpu.enqueue_indirect_dma source(%dma_start3A_227 : memref<10000x128xf32, #tpu.memory_space<hbm>>) target(%arg9 : memref<128x128xf32, #tpu.memory_space<vmem>>) offsets(%dma_start3A_224 : memref<128xi32, #tpu.memory_space<vmem>>) semaphore(%arg12 : memref<!tpu.dma_semaphore, #tpu.memory_space<semaphore_mem>>)
          %add3A_228 = arith.addi %multiple_of3A, %multiple_of3A_223 : i32
          %dma_start3A_229 = arith.constant 1 : i32
          %dma_start3A_230 = tpu.memref_slice %arg3[%dma_start3A_229, %add3A_228] : memref<2x320000xi32, #tpu.memory_space<hbm>> -> memref<1x128xi32, #tpu.memory_space<hbm>>
          %dma_start3A_231 = tpu.memref_squeeze %dma_start3A_230 : memref<1x128xi32, #tpu.memory_space<hbm>> -> memref<128xi32, #tpu.memory_space<hbm>>
          %dma_start3A_232 = tpu.memref_slice %arg3[%dma_start3A_229, %add3A_228] : memref<2x320000xi32, #tpu.memory_space<hbm>> -> memref<1x128xi32, #tpu.memory_space<hbm>>
          %dma_start3A_233 = tpu.memref_squeeze %dma_start3A_232 : memref<1x128xi32, #tpu.memory_space<hbm>> -> memref<128xi32, #tpu.memory_space<hbm>>
          tpu.enqueue_dma source(%dma_start3A_233 : memref<128xi32, #tpu.memory_space<hbm>>) target(%arg7 : memref<128xi32, #tpu.memory_space<vmem>>) target_semaphore(%arg16 : memref<!tpu.dma_semaphore, #tpu.memory_space<semaphore_mem>>)
        } else {
        }
        %dma_start3A_212 = arith.constant 0 : i32
        %dma_start3A_213 = arith.constant 0 : i32
        %dma_start3A_214 = tpu.memref_slice %arg11[%dma_start3A_212, %dma_start3A_213] : memref<10000x128xf32, #tpu.memory_space<vmem_shared>> -> memref<10000x128xf32, #tpu.memory_space<vmem_shared>>
        tpu.enqueue_indirect_dma source(%arg10 : memref<128x128xf32, #tpu.memory_space<vmem>>) target(%dma_start3A_214 : memref<10000x128xf32, #tpu.memory_space<vmem_shared>>) offsets(%arg8 : memref<128xi32, #tpu.memory_space<vmem>>) semaphore(%arg15 : memref<!tpu.dma_semaphore, #tpu.memory_space<semaphore_mem>>) {add = true}
      }
      %jit3A_138 = arith.constant 2 : i32
      %eq3A_139 = arith.constant 0 : i32
      %eq3A_140 = arith.cmpi eq, %jit3A_138, %eq3A_139 : i32
      %jit3A_141 = arith.constant 1 : i32
      %select_n3A_142 = arith.select %eq3A_140, %jit3A_141, %jit3A_138 : i32
      %rem3A_143 = arith.remsi %sub3A_79, %select_n3A_142 : i32
      %ne3A_144 = arith.constant 0 : i32
      %ne3A_145 = arith.cmpi ne, %rem3A_143, %ne3A_144 : i32
      %lt3A = arith.constant 0 : i32
      %lt3A_146 = arith.cmpi slt, %rem3A_143, %lt3A : i32
      %lt3A_147 = arith.constant 0 : i32
      %lt3A_148 = arith.cmpi slt, %select_n3A_142, %lt3A_147 : i32
      %ne3A_149 = arith.xori %lt3A_146, %lt3A_148 : i1
      %and3A_150 = arith.andi %ne3A_149, %ne3A_145 : i1
      %add3A_151 = arith.addi %rem3A_143, %select_n3A_142 : i32
      %select_n3A_152 = arith.select %and3A_150, %add3A_151, %rem3A_143 : i32
      %eq3A_153 = arith.constant 1 : i32
      %eq3A_154 = arith.cmpi eq, %select_n3A_152, %eq3A_153 : i32
      %convert_element_type3A_155 = arith.extui %eq3A_154 : i1 to i32
      %cond3A_156 = arith.constant 0 : i32
      %cond3A_157 = arith.cmpi ne, %convert_element_type3A_155, %cond3A_156 : i32
      scf.if %cond3A_157 {
        %dma_wait3A_164 = arith.constant 0 : i32
        %dma_wait3A_165 = tpu.memref_slice %arg6[%dma_wait3A_164] : memref<10112xi32, #tpu.memory_space<vmem>> -> memref<128xi32, #tpu.memory_space<vmem>>
        %dma_wait3A_166 = arith.constant 0 : i32
        %dma_wait3A_167 = arith.constant 0 : i32
        %dma_wait3A_168 = tpu.memref_slice %arg2[%dma_wait3A_166, %dma_wait3A_167] : memref<10000x128xf32, #tpu.memory_space<hbm>> -> memref<10000x128xf32, #tpu.memory_space<hbm>>
        tpu.wait_indirect_dma semaphore(%arg12 : memref<!tpu.dma_semaphore, #tpu.memory_space<semaphore_mem>>) src(%dma_wait3A_168 : memref<10000x128xf32, #tpu.memory_space<hbm>>) dst(%arg9 : memref<128x128xf32, #tpu.memory_space<vmem>>)
        %dma_wait3A_169 = arith.constant 1 : i32
        %dma_wait3A_170 = arith.constant 0 : i32
        %dma_wait3A_171 = tpu.memref_slice %arg3[%dma_wait3A_169, %dma_wait3A_170] : memref<2x320000xi32, #tpu.memory_space<hbm>> -> memref<1x128xi32, #tpu.memory_space<hbm>>
        %dma_wait3A_172 = tpu.memref_squeeze %dma_wait3A_171 : memref<1x128xi32, #tpu.memory_space<hbm>> -> memref<128xi32, #tpu.memory_space<hbm>>
        %dma_wait3A_173 = arith.constant 0 : i32
        %dma_wait3A_174 = tpu.memref_slice %arg3[%dma_wait3A_169, %dma_wait3A_173] : memref<2x320000xi32, #tpu.memory_space<hbm>> -> memref<1x128xi32, #tpu.memory_space<hbm>>
        %dma_wait3A_175 = tpu.memref_squeeze %dma_wait3A_174 : memref<1x128xi32, #tpu.memory_space<hbm>> -> memref<128xi32, #tpu.memory_space<hbm>>
        tpu.wait_dma2 semaphore(%arg16 : memref<!tpu.dma_semaphore, #tpu.memory_space<semaphore_mem>>) src(%dma_wait3A_175 : memref<128xi32, #tpu.memory_space<hbm>>) dst(%arg7 : memref<128xi32, #tpu.memory_space<vmem>>)
        %dma_start3A_176 = arith.constant 0 : i32
        %dma_start3A_177 = arith.constant 0 : i32
        %dma_start3A_178 = tpu.memref_slice %arg11[%dma_start3A_176, %dma_start3A_177] : memref<10000x128xf32, #tpu.memory_space<vmem_shared>> -> memref<10000x128xf32, #tpu.memory_space<vmem_shared>>
        tpu.enqueue_indirect_dma source(%arg9 : memref<128x128xf32, #tpu.memory_space<vmem>>) target(%dma_start3A_178 : memref<10000x128xf32, #tpu.memory_space<vmem_shared>>) offsets(%arg7 : memref<128xi32, #tpu.memory_space<vmem>>) semaphore(%arg14 : memref<!tpu.dma_semaphore, #tpu.memory_space<semaphore_mem>>) {add = true}
      } else {
      }
      %dma_wait3A_158 = arith.constant 0 : i32
      %dma_wait3A_159 = arith.constant 0 : i32
      %dma_wait3A_160 = tpu.memref_slice %arg11[%dma_wait3A_158, %dma_wait3A_159] : memref<10000x128xf32, #tpu.memory_space<vmem_shared>> -> memref<10000x128xf32, #tpu.memory_space<vmem_shared>>
      tpu.wait_indirect_dma semaphore(%arg14 : memref<!tpu.dma_semaphore, #tpu.memory_space<semaphore_mem>>) src(%arg9 : memref<128x128xf32, #tpu.memory_space<vmem>>) dst(%dma_wait3A_160 : memref<10000x128xf32, #tpu.memory_space<vmem_shared>>)
      %dma_wait3A_161 = arith.constant 0 : i32
      %dma_wait3A_162 = arith.constant 0 : i32
      %dma_wait3A_163 = tpu.memref_slice %arg11[%dma_wait3A_161, %dma_wait3A_162] : memref<10000x128xf32, #tpu.memory_space<vmem_shared>> -> memref<10000x128xf32, #tpu.memory_space<vmem_shared>>
      tpu.wait_indirect_dma semaphore(%arg15 : memref<!tpu.dma_semaphore, #tpu.memory_space<semaphore_mem>>) src(%arg10 : memref<128x128xf32, #tpu.memory_space<vmem>>) dst(%dma_wait3A_163 : memref<10000x128xf32, #tpu.memory_space<vmem_shared>>)
    } else {
    }
    %ne3A_22 = arith.constant 0 : i32
    %ne3A_23 = arith.cmpi ne, %arg0, %ne3A_22 : i32
    %convert_element_type3A_24 = arith.extui %ne3A_23 : i1 to i32
    %cond3A_25 = arith.constant 0 : i32
    %cond3A_26 = arith.cmpi ne, %convert_element_type3A_24, %cond3A_25 : i32
    scf.if %cond3A_26 {
      %mul3A_33 = arith.constant 1238 : i32
      %mul3A_34 = arith.muli %arg1, %mul3A_33 : i32
      %jit3A = arith.constant 16 : i32
      %div3A = arith.divsi %mul3A_34, %jit3A : i32
      %sign3A = arith.constant 0 : i32
      %sign3A_35 = arith.cmpi sgt, %mul3A_34, %sign3A : i32
      %sign3A_36 = arith.extui %sign3A_35 : i1 to i32
      %sign3A_37 = arith.constant 0 : i32
      %sign3A_38 = arith.cmpi slt, %mul3A_34, %sign3A_37 : i32
      %sign3A_39 = arith.extui %sign3A_38 : i1 to i32
      %sign3A_40 = arith.subi %sign3A_36, %sign3A_39 : i32
      %sign3A_41 = arith.constant 0 : i32
      %sign3A_42 = arith.cmpi sgt, %jit3A, %sign3A_41 : i32
      %sign3A_43 = arith.extui %sign3A_42 : i1 to i32
      %sign3A_44 = arith.constant 0 : i32
      %sign3A_45 = arith.cmpi slt, %jit3A, %sign3A_44 : i32
      %sign3A_46 = arith.extui %sign3A_45 : i1 to i32
      %sign3A_47 = arith.subi %sign3A_43, %sign3A_46 : i32
      %ne3A_48 = arith.cmpi ne, %sign3A_40, %sign3A_47 : i32
      %rem3A = arith.remsi %mul3A_34, %jit3A : i32
      %ne3A_49 = arith.constant 0 : i32
      %ne3A_50 = arith.cmpi ne, %rem3A, %ne3A_49 : i32
      %and3A = arith.andi %ne3A_48, %ne3A_50 : i1
      %sub3A = arith.constant 1 : i32
      %sub3A_51 = arith.subi %div3A, %sub3A : i32
      %select_n3A = arith.select %and3A, %sub3A_51, %div3A : i32
      %add3A = arith.constant 1 : i32
      %add3A_52 = arith.addi %arg1, %add3A : i32
      %mul3A_53 = arith.constant 1238 : i32
      %mul3A_54 = arith.muli %add3A_52, %mul3A_53 : i32
      %jit3A_55 = arith.constant 16 : i32
      %div3A_56 = arith.divsi %mul3A_54, %jit3A_55 : i32
      %sign3A_57 = arith.constant 0 : i32
      %sign3A_58 = arith.cmpi sgt, %mul3A_54, %sign3A_57 : i32
      %sign3A_59 = arith.extui %sign3A_58 : i1 to i32
      %sign3A_60 = arith.constant 0 : i32
      %sign3A_61 = arith.cmpi slt, %mul3A_54, %sign3A_60 : i32
      %sign3A_62 = arith.extui %sign3A_61 : i1 to i32
      %sign3A_63 = arith.subi %sign3A_59, %sign3A_62 : i32
      %sign3A_64 = arith.constant 0 : i32
      %sign3A_65 = arith.cmpi sgt, %jit3A_55, %sign3A_64 : i32
      %sign3A_66 = arith.extui %sign3A_65 : i1 to i32
      %sign3A_67 = arith.constant 0 : i32
      %sign3A_68 = arith.cmpi slt, %jit3A_55, %sign3A_67 : i32
      %sign3A_69 = arith.extui %sign3A_68 : i1 to i32
      %sign3A_70 = arith.subi %sign3A_66, %sign3A_69 : i32
      %ne3A_71 = arith.cmpi ne, %sign3A_63, %sign3A_70 : i32
      %rem3A_72 = arith.remsi %mul3A_54, %jit3A_55 : i32
      %ne3A_73 = arith.constant 0 : i32
      %ne3A_74 = arith.cmpi ne, %rem3A_72, %ne3A_73 : i32
      %and3A_75 = arith.andi %ne3A_71, %ne3A_74 : i1
      %sub3A_76 = arith.constant 1 : i32
      %sub3A_77 = arith.subi %div3A_56, %sub3A_76 : i32
      %select_n3A_78 = arith.select %and3A_75, %sub3A_77, %div3A_56 : i32
      %sub3A_79 = arith.subi %select_n3A_78, %select_n3A : i32
      %add3A_80 = arith.constant 1262 : i32
      %add3A_81 = arith.addi %add3A_80, %select_n3A : i32
      %mul3A_82 = arith.constant 128 : i32
      %mul3A_83 = arith.muli %add3A_81, %mul3A_82 : i32
      %multiple_of3A = tpu.assume_multiple %mul3A_83, 128 : i32
      %dma_wait3A = arith.constant 0 : i32
      %dma_wait3A_84 = arith.constant 0 : i32
      %dma_wait3A_85 = tpu.memref_slice %arg6[%dma_wait3A_84] : memref<10112xi32, #tpu.memory_space<vmem>> -> memref<9984xi32, #tpu.memory_space<vmem>>
      %dma_wait3A_86 = arith.constant 0 : i32
      %dma_wait3A_87 = tpu.memref_slice %arg3[%dma_wait3A, %dma_wait3A_86] : memref<2x320000xi32, #tpu.memory_space<hbm>> -> memref<1x9984xi32, #tpu.memory_space<hbm>>
      %dma_wait3A_88 = tpu.memref_squeeze %dma_wait3A_87 : memref<1x9984xi32, #tpu.memory_space<hbm>> -> memref<9984xi32, #tpu.memory_space<hbm>>
      %dma_wait3A_89 = arith.constant 0 : i32
      %dma_wait3A_90 = tpu.memref_slice %arg6[%dma_wait3A_89] : memref<10112xi32, #tpu.memory_space<vmem>> -> memref<9984xi32, #tpu.memory_space<vmem>>
      %dma_wait3A_91 = arith.constant 0 : i32
      %dma_wait3A_92 = tpu.memref_slice %arg3[%dma_wait3A, %dma_wait3A_91] : memref<2x320000xi32, #tpu.memory_space<hbm>> -> memref<1x9984xi32, #tpu.memory_space<hbm>>
      %dma_wait3A_93 = tpu.memref_squeeze %dma_wait3A_92 : memref<1x9984xi32, #tpu.memory_space<hbm>> -> memref<9984xi32, #tpu.memory_space<hbm>>
      tpu.wait_dma2 semaphore(%arg18 : memref<!tpu.dma_semaphore, #tpu.memory_space<semaphore_mem>>) src(%dma_wait3A_93 : memref<9984xi32, #tpu.memory_space<hbm>>) dst(%dma_wait3A_90 : memref<9984xi32, #tpu.memory_space<vmem>>)
      %multiple_of3A_94 = arith.constant 0 : i32
      %multiple_of3A_95 = tpu.assume_multiple %multiple_of3A_94, 128 : i32
      %dma_start3A = tpu.memref_slice %arg6[%multiple_of3A_95] : memref<10112xi32, #tpu.memory_space<vmem>> -> memref<128xi32, #tpu.memory_space<vmem>>
      %dma_start3A_96 = arith.constant 0 : i32
      %dma_start3A_97 = arith.constant 0 : i32
      %dma_start3A_98 = tpu.memref_slice %arg2[%dma_start3A_96, %dma_start3A_97] : memref<10000x128xf32, #tpu.memory_space<hbm>> -> memref<10000x128xf32, #tpu.memory_space<hbm>>
      tpu.enqueue_indirect_dma source(%dma_start3A_98 : memref<10000x128xf32, #tpu.memory_space<hbm>>) target(%arg9 : memref<128x128xf32, #tpu.memory_space<vmem>>) offsets(%dma_start3A : memref<128xi32, #tpu.memory_space<vmem>>) semaphore(%arg12 : memref<!tpu.dma_semaphore, #tpu.memory_space<semaphore_mem>>)
      %add3A_99 = arith.addi %multiple_of3A, %multiple_of3A_95 : i32
      %dma_start3A_100 = arith.constant 1 : i32
      %dma_start3A_101 = tpu.memref_slice %arg3[%dma_start3A_100, %add3A_99] : memref<2x320000xi32, #tpu.memory_space<hbm>> -> memref<1x128xi32, #tpu.memory_space<hbm>>
      %dma_start3A_102 = tpu.memref_squeeze %dma_start3A_101 : memref<1x128xi32, #tpu.memory_space<hbm>> -> memref<128xi32, #tpu.memory_space<hbm>>
      %dma_start3A_103 = tpu.memref_slice %arg3[%dma_start3A_100, %add3A_99] : memref<2x320000xi32, #tpu.memory_space<hbm>> -> memref<1x128xi32, #tpu.memory_space<hbm>>
      %dma_start3A_104 = tpu.memref_squeeze %dma_start3A_103 : memref<1x128xi32, #tpu.memory_space<hbm>> -> memref<128xi32, #tpu.memory_space<hbm>>
      tpu.enqueue_dma source(%dma_start3A_104 : memref<128xi32, #tpu.memory_space<hbm>>) target(%arg7 : memref<128xi32, #tpu.memory_space<vmem>>) target_semaphore(%arg16 : memref<!tpu.dma_semaphore, #tpu.memory_space<semaphore_mem>>)
      %jit3A_105 = arith.constant 2 : i32
      %div3A_106 = arith.divsi %sub3A_79, %jit3A_105 : i32
      %sign3A_107 = arith.constant 0 : i32
      %sign3A_108 = arith.cmpi sgt, %sub3A_79, %sign3A_107 : i32
      %sign3A_109 = arith.extui %sign3A_108 : i1 to i32
      %sign3A_110 = arith.constant 0 : i32
      %sign3A_111 = arith.cmpi slt, %sub3A_79, %sign3A_110 : i32
      %sign3A_112 = arith.extui %sign3A_111 : i1 to i32
      %sign3A_113 = arith.subi %sign3A_109, %sign3A_112 : i32
      %sign3A_114 = arith.constant 0 : i32
      %sign3A_115 = arith.cmpi sgt, %jit3A_105, %sign3A_114 : i32
      %sign3A_116 = arith.extui %sign3A_115 : i1 to i32
      %sign3A_117 = arith.constant 0 : i32
      %sign3A_118 = arith.cmpi slt, %jit3A_105, %sign3A_117 : i32
      %sign3A_119 = arith.extui %sign3A_118 : i1 to i32
      %sign3A_120 = arith.subi %sign3A_116, %sign3A_119 : i32
      %ne3A_121 = arith.cmpi ne, %sign3A_113, %sign3A_120 : i32
      %rem3A_122 = arith.remsi %sub3A_79, %jit3A_105 : i32
      %ne3A_123 = arith.constant 0 : i32
      %ne3A_124 = arith.cmpi ne, %rem3A_122, %ne3A_123 : i32
      %and3A_125 = arith.andi %ne3A_121, %ne3A_124 : i1
      %sub3A_126 = arith.constant 1 : i32
      %sub3A_127 = arith.subi %div3A_106, %sub3A_126 : i32
      %select_n3A_128 = arith.select %and3A_125, %sub3A_127, %div3A_106 : i32
      %while3A = arith.constant 0 : i32
      %while3A_129 = arith.constant 0 : i32
      %while3A_130 = arith.subi %select_n3A_128, %while3A_129 : i32
      %while3A_131 = arith.addi %while3A_129, %while3A_130 : i32
      %while3A_132 = arith.constant 1 : i32
      %while3A_133 = arith.divsi %while3A_130, %while3A_132 : i32
      %while3A_134 = arith.muli %while3A_133, %while3A_132 : i32
      %while3A_135 = arith.addi %while3A_129, %while3A_134 : i32
      %while3A_136 = arith.constant 1 : i32
      scf.for %while3A_164 = %while3A_129 to %while3A_135 step %while3A_136  : i32 {
        %mul3A_165 = arith.constant 2 : i32
        %mul3A_166 = arith.muli %mul3A_165, %while3A_164 : i32
        %add3A_167 = arith.constant 0 : i32
        %add3A_168 = arith.addi %mul3A_166, %add3A_167 : i32
        %dma_wait3A_169 = arith.constant 0 : i32
        %dma_wait3A_170 = tpu.memref_slice %arg6[%dma_wait3A_169] : memref<10112xi32, #tpu.memory_space<vmem>> -> memref<128xi32, #tpu.memory_space<vmem>>
        %dma_wait3A_171 = arith.constant 0 : i32
        %dma_wait3A_172 = arith.constant 0 : i32
        %dma_wait3A_173 = tpu.memref_slice %arg2[%dma_wait3A_171, %dma_wait3A_172] : memref<10000x128xf32, #tpu.memory_space<hbm>> -> memref<10000x128xf32, #tpu.memory_space<hbm>>
        tpu.wait_indirect_dma semaphore(%arg12 : memref<!tpu.dma_semaphore, #tpu.memory_space<semaphore_mem>>) src(%dma_wait3A_173 : memref<10000x128xf32, #tpu.memory_space<hbm>>) dst(%arg9 : memref<128x128xf32, #tpu.memory_space<vmem>>)
        %dma_wait3A_174 = arith.constant 1 : i32
        %dma_wait3A_175 = arith.constant 0 : i32
        %dma_wait3A_176 = tpu.memref_slice %arg3[%dma_wait3A_174, %dma_wait3A_175] : memref<2x320000xi32, #tpu.memory_space<hbm>> -> memref<1x128xi32, #tpu.memory_space<hbm>>
        %dma_wait3A_177 = tpu.memref_squeeze %dma_wait3A_176 : memref<1x128xi32, #tpu.memory_space<hbm>> -> memref<128xi32, #tpu.memory_space<hbm>>
        %dma_wait3A_178 = arith.constant 0 : i32
        %dma_wait3A_179 = tpu.memref_slice %arg3[%dma_wait3A_174, %dma_wait3A_178] : memref<2x320000xi32, #tpu.memory_space<hbm>> -> memref<1x128xi32, #tpu.memory_space<hbm>>
        %dma_wait3A_180 = tpu.memref_squeeze %dma_wait3A_179 : memref<1x128xi32, #tpu.memory_space<hbm>> -> memref<128xi32, #tpu.memory_space<hbm>>
        tpu.wait_dma2 semaphore(%arg16 : memref<!tpu.dma_semaphore, #tpu.memory_space<semaphore_mem>>) src(%dma_wait3A_180 : memref<128xi32, #tpu.memory_space<hbm>>) dst(%arg7 : memref<128xi32, #tpu.memory_space<vmem>>)
        %add3A_181 = arith.constant 1 : i32
        %add3A_182 = arith.addi %add3A_168, %add3A_181 : i32
        %lt3A_183 = arith.cmpi slt, %add3A_182, %sub3A_79 : i32
        %convert_element_type3A_184 = arith.extui %lt3A_183 : i1 to i32
        %cond3A_185 = arith.constant 0 : i32
        %cond3A_186 = arith.cmpi ne, %convert_element_type3A_184, %cond3A_185 : i32
        scf.if %cond3A_186 {
          %ge3A = arith.constant 1 : i32
          %ge3A_215 = arith.cmpi sge, %add3A_168, %ge3A : i32
          %convert_element_type3A_216 = arith.extui %ge3A_215 : i1 to i32
          %cond3A_217 = arith.constant 0 : i32
          %cond3A_218 = arith.cmpi ne, %convert_element_type3A_216, %cond3A_217 : i32
          scf.if %cond3A_218 {
            %dma_wait3A_234 = arith.constant 0 : i32
            %dma_wait3A_235 = arith.constant 0 : i32
            %dma_wait3A_236 = tpu.memref_slice %arg11[%dma_wait3A_234, %dma_wait3A_235] : memref<10000x128xf32, #tpu.memory_space<vmem_shared>> -> memref<10000x128xf32, #tpu.memory_space<vmem_shared>>
            tpu.wait_indirect_dma semaphore(%arg15 : memref<!tpu.dma_semaphore, #tpu.memory_space<semaphore_mem>>) src(%arg10 : memref<128x128xf32, #tpu.memory_space<vmem>>) dst(%dma_wait3A_236 : memref<10000x128xf32, #tpu.memory_space<vmem_shared>>)
          } else {
          }
          %add3A_219 = arith.constant 1 : i32
          %add3A_220 = arith.addi %add3A_168, %add3A_219 : i32
          %mul3A_221 = arith.constant 128 : i32
          %mul3A_222 = arith.muli %add3A_220, %mul3A_221 : i32
          %multiple_of3A_223 = tpu.assume_multiple %mul3A_222, 128 : i32
          %dma_start3A_224 = tpu.memref_slice %arg6[%multiple_of3A_223] : memref<10112xi32, #tpu.memory_space<vmem>> -> memref<128xi32, #tpu.memory_space<vmem>>
          %dma_start3A_225 = arith.constant 0 : i32
          %dma_start3A_226 = arith.constant 0 : i32
          %dma_start3A_227 = tpu.memref_slice %arg2[%dma_start3A_225, %dma_start3A_226] : memref<10000x128xf32, #tpu.memory_space<hbm>> -> memref<10000x128xf32, #tpu.memory_space<hbm>>
          tpu.enqueue_indirect_dma source(%dma_start3A_227 : memref<10000x128xf32, #tpu.memory_space<hbm>>) target(%arg10 : memref<128x128xf32, #tpu.memory_space<vmem>>) offsets(%dma_start3A_224 : memref<128xi32, #tpu.memory_space<vmem>>) semaphore(%arg13 : memref<!tpu.dma_semaphore, #tpu.memory_space<semaphore_mem>>)
          %add3A_228 = arith.addi %multiple_of3A, %multiple_of3A_223 : i32
          %dma_start3A_229 = arith.constant 1 : i32
          %dma_start3A_230 = tpu.memref_slice %arg3[%dma_start3A_229, %add3A_228] : memref<2x320000xi32, #tpu.memory_space<hbm>> -> memref<1x128xi32, #tpu.memory_space<hbm>>
          %dma_start3A_231 = tpu.memref_squeeze %dma_start3A_230 : memref<1x128xi32, #tpu.memory_space<hbm>> -> memref<128xi32, #tpu.memory_space<hbm>>
          %dma_start3A_232 = tpu.memref_slice %arg3[%dma_start3A_229, %add3A_228] : memref<2x320000xi32, #tpu.memory_space<hbm>> -> memref<1x128xi32, #tpu.memory_space<hbm>>
          %dma_start3A_233 = tpu.memref_squeeze %dma_start3A_232 : memref<1x128xi32, #tpu.memory_space<hbm>> -> memref<128xi32, #tpu.memory_space<hbm>>
          tpu.enqueue_dma source(%dma_start3A_233 : memref<128xi32, #tpu.memory_space<hbm>>) target(%arg8 : memref<128xi32, #tpu.memory_space<vmem>>) target_semaphore(%arg17 : memref<!tpu.dma_semaphore, #tpu.memory_space<semaphore_mem>>)
        } else {
        }
        %dma_start3A_187 = arith.constant 0 : i32
        %dma_start3A_188 = arith.constant 0 : i32
        %dma_start3A_189 = tpu.memref_slice %arg11[%dma_start3A_187, %dma_start3A_188] : memref<10000x128xf32, #tpu.memory_space<vmem_shared>> -> memref<10000x128xf32, #tpu.memory_space<vmem_shared>>
        tpu.enqueue_indirect_dma source(%arg9 : memref<128x128xf32, #tpu.memory_space<vmem>>) target(%dma_start3A_189 : memref<10000x128xf32, #tpu.memory_space<vmem_shared>>) offsets(%arg7 : memref<128xi32, #tpu.memory_space<vmem>>) semaphore(%arg14 : memref<!tpu.dma_semaphore, #tpu.memory_space<semaphore_mem>>) {add = true}
        %mul3A_190 = arith.constant 2 : i32
        %mul3A_191 = arith.muli %mul3A_190, %while3A_164 : i32
        %add3A_192 = arith.constant 1 : i32
        %add3A_193 = arith.addi %mul3A_191, %add3A_192 : i32
        %dma_wait3A_194 = arith.constant 0 : i32
        %dma_wait3A_195 = tpu.memref_slice %arg6[%dma_wait3A_194] : memref<10112xi32, #tpu.memory_space<vmem>> -> memref<128xi32, #tpu.memory_space<vmem>>
        %dma_wait3A_196 = arith.constant 0 : i32
        %dma_wait3A_197 = arith.constant 0 : i32
        %dma_wait3A_198 = tpu.memref_slice %arg2[%dma_wait3A_196, %dma_wait3A_197] : memref<10000x128xf32, #tpu.memory_space<hbm>> -> memref<10000x128xf32, #tpu.memory_space<hbm>>
        tpu.wait_indirect_dma semaphore(%arg13 : memref<!tpu.dma_semaphore, #tpu.memory_space<semaphore_mem>>) src(%dma_wait3A_198 : memref<10000x128xf32, #tpu.memory_space<hbm>>) dst(%arg10 : memref<128x128xf32, #tpu.memory_space<vmem>>)
        %dma_wait3A_199 = arith.constant 1 : i32
        %dma_wait3A_200 = arith.constant 0 : i32
        %dma_wait3A_201 = tpu.memref_slice %arg3[%dma_wait3A_199, %dma_wait3A_200] : memref<2x320000xi32, #tpu.memory_space<hbm>> -> memref<1x128xi32, #tpu.memory_space<hbm>>
        %dma_wait3A_202 = tpu.memref_squeeze %dma_wait3A_201 : memref<1x128xi32, #tpu.memory_space<hbm>> -> memref<128xi32, #tpu.memory_space<hbm>>
        %dma_wait3A_203 = arith.constant 0 : i32
        %dma_wait3A_204 = tpu.memref_slice %arg3[%dma_wait3A_199, %dma_wait3A_203] : memref<2x320000xi32, #tpu.memory_space<hbm>> -> memref<1x128xi32, #tpu.memory_space<hbm>>
        %dma_wait3A_205 = tpu.memref_squeeze %dma_wait3A_204 : memref<1x128xi32, #tpu.memory_space<hbm>> -> memref<128xi32, #tpu.memory_space<hbm>>
        tpu.wait_dma2 semaphore(%arg17 : memref<!tpu.dma_semaphore, #tpu.memory_space<semaphore_mem>>) src(%dma_wait3A_205 : memref<128xi32, #tpu.memory_space<hbm>>) dst(%arg8 : memref<128xi32, #tpu.memory_space<vmem>>)
        %add3A_206 = arith.constant 1 : i32
        %add3A_207 = arith.addi %add3A_193, %add3A_206 : i32
        %lt3A_208 = arith.cmpi slt, %add3A_207, %sub3A_79 : i32
        %convert_element_type3A_209 = arith.extui %lt3A_208 : i1 to i32
        %cond3A_210 = arith.constant 0 : i32
        %cond3A_211 = arith.cmpi ne, %convert_element_type3A_209, %cond3A_210 : i32
        scf.if %cond3A_211 {
          %ge3A = arith.constant 1 : i32
          %ge3A_215 = arith.cmpi sge, %add3A_193, %ge3A : i32
          %convert_element_type3A_216 = arith.extui %ge3A_215 : i1 to i32
          %cond3A_217 = arith.constant 0 : i32
          %cond3A_218 = arith.cmpi ne, %convert_element_type3A_216, %cond3A_217 : i32
          scf.if %cond3A_218 {
            %dma_wait3A_234 = arith.constant 0 : i32
            %dma_wait3A_235 = arith.constant 0 : i32
            %dma_wait3A_236 = tpu.memref_slice %arg11[%dma_wait3A_234, %dma_wait3A_235] : memref<10000x128xf32, #tpu.memory_space<vmem_shared>> -> memref<10000x128xf32, #tpu.memory_space<vmem_shared>>
            tpu.wait_indirect_dma semaphore(%arg14 : memref<!tpu.dma_semaphore, #tpu.memory_space<semaphore_mem>>) src(%arg9 : memref<128x128xf32, #tpu.memory_space<vmem>>) dst(%dma_wait3A_236 : memref<10000x128xf32, #tpu.memory_space<vmem_shared>>)
          } else {
          }
          %add3A_219 = arith.constant 1 : i32
          %add3A_220 = arith.addi %add3A_193, %add3A_219 : i32
          %mul3A_221 = arith.constant 128 : i32
          %mul3A_222 = arith.muli %add3A_220, %mul3A_221 : i32
          %multiple_of3A_223 = tpu.assume_multiple %mul3A_222, 128 : i32
          %dma_start3A_224 = tpu.memref_slice %arg6[%multiple_of3A_223] : memref<10112xi32, #tpu.memory_space<vmem>> -> memref<128xi32, #tpu.memory_space<vmem>>
          %dma_start3A_225 = arith.constant 0 : i32
          %dma_start3A_226 = arith.constant 0 : i32
          %dma_start3A_227 = tpu.memref_slice %arg2[%dma_start3A_225, %dma_start3A_226] : memref<10000x128xf32, #tpu.memory_space<hbm>> -> memref<10000x128xf32, #tpu.memory_space<hbm>>
          tpu.enqueue_indirect_dma source(%dma_start3A_227 : memref<10000x128xf32, #tpu.memory_space<hbm>>) target(%arg9 : memref<128x128xf32, #tpu.memory_space<vmem>>) offsets(%dma_start3A_224 : memref<128xi32, #tpu.memory_space<vmem>>) semaphore(%arg12 : memref<!tpu.dma_semaphore, #tpu.memory_space<semaphore_mem>>)
          %add3A_228 = arith.addi %multiple_of3A, %multiple_of3A_223 : i32
          %dma_start3A_229 = arith.constant 1 : i32
          %dma_start3A_230 = tpu.memref_slice %arg3[%dma_start3A_229, %add3A_228] : memref<2x320000xi32, #tpu.memory_space<hbm>> -> memref<1x128xi32, #tpu.memory_space<hbm>>
          %dma_start3A_231 = tpu.memref_squeeze %dma_start3A_230 : memref<1x128xi32, #tpu.memory_space<hbm>> -> memref<128xi32, #tpu.memory_space<hbm>>
          %dma_start3A_232 = tpu.memref_slice %arg3[%dma_start3A_229, %add3A_228] : memref<2x320000xi32, #tpu.memory_space<hbm>> -> memref<1x128xi32, #tpu.memory_space<hbm>>
          %dma_start3A_233 = tpu.memref_squeeze %dma_start3A_232 : memref<1x128xi32, #tpu.memory_space<hbm>> -> memref<128xi32, #tpu.memory_space<hbm>>
          tpu.enqueue_dma source(%dma_start3A_233 : memref<128xi32, #tpu.memory_space<hbm>>) target(%arg7 : memref<128xi32, #tpu.memory_space<vmem>>) target_semaphore(%arg16 : memref<!tpu.dma_semaphore, #tpu.memory_space<semaphore_mem>>)
        } else {
        }
        %dma_start3A_212 = arith.constant 0 : i32
        %dma_start3A_213 = arith.constant 0 : i32
        %dma_start3A_214 = tpu.memref_slice %arg11[%dma_start3A_212, %dma_start3A_213] : memref<10000x128xf32, #tpu.memory_space<vmem_shared>> -> memref<10000x128xf32, #tpu.memory_space<vmem_shared>>
        tpu.enqueue_indirect_dma source(%arg10 : memref<128x128xf32, #tpu.memory_space<vmem>>) target(%dma_start3A_214 : memref<10000x128xf32, #tpu.memory_space<vmem_shared>>) offsets(%arg8 : memref<128xi32, #tpu.memory_space<vmem>>) semaphore(%arg15 : memref<!tpu.dma_semaphore, #tpu.memory_space<semaphore_mem>>) {add = true}
      }
      %while3A_137 = arith.constant 1 : i32
      scf.for %while3A_164 = %while3A_135 to %while3A_131 step %while3A_137  : i32 {
        %mul3A_165 = arith.constant 2 : i32
        %mul3A_166 = arith.muli %mul3A_165, %while3A_164 : i32
        %add3A_167 = arith.constant 0 : i32
        %add3A_168 = arith.addi %mul3A_166, %add3A_167 : i32
        %dma_wait3A_169 = arith.constant 0 : i32
        %dma_wait3A_170 = tpu.memref_slice %arg6[%dma_wait3A_169] : memref<10112xi32, #tpu.memory_space<vmem>> -> memref<128xi32, #tpu.memory_space<vmem>>
        %dma_wait3A_171 = arith.constant 0 : i32
        %dma_wait3A_172 = arith.constant 0 : i32
        %dma_wait3A_173 = tpu.memref_slice %arg2[%dma_wait3A_171, %dma_wait3A_172] : memref<10000x128xf32, #tpu.memory_space<hbm>> -> memref<10000x128xf32, #tpu.memory_space<hbm>>
        tpu.wait_indirect_dma semaphore(%arg12 : memref<!tpu.dma_semaphore, #tpu.memory_space<semaphore_mem>>) src(%dma_wait3A_173 : memref<10000x128xf32, #tpu.memory_space<hbm>>) dst(%arg9 : memref<128x128xf32, #tpu.memory_space<vmem>>)
        %dma_wait3A_174 = arith.constant 1 : i32
        %dma_wait3A_175 = arith.constant 0 : i32
        %dma_wait3A_176 = tpu.memref_slice %arg3[%dma_wait3A_174, %dma_wait3A_175] : memref<2x320000xi32, #tpu.memory_space<hbm>> -> memref<1x128xi32, #tpu.memory_space<hbm>>
        %dma_wait3A_177 = tpu.memref_squeeze %dma_wait3A_176 : memref<1x128xi32, #tpu.memory_space<hbm>> -> memref<128xi32, #tpu.memory_space<hbm>>
        %dma_wait3A_178 = arith.constant 0 : i32
        %dma_wait3A_179 = tpu.memref_slice %arg3[%dma_wait3A_174, %dma_wait3A_178] : memref<2x320000xi32, #tpu.memory_space<hbm>> -> memref<1x128xi32, #tpu.memory_space<hbm>>
        %dma_wait3A_180 = tpu.memref_squeeze %dma_wait3A_179 : memref<1x128xi32, #tpu.memory_space<hbm>> -> memref<128xi32, #tpu.memory_space<hbm>>
        tpu.wait_dma2 semaphore(%arg16 : memref<!tpu.dma_semaphore, #tpu.memory_space<semaphore_mem>>) src(%dma_wait3A_180 : memref<128xi32, #tpu.memory_space<hbm>>) dst(%arg7 : memref<128xi32, #tpu.memory_space<vmem>>)
        %add3A_181 = arith.constant 1 : i32
        %add3A_182 = arith.addi %add3A_168, %add3A_181 : i32
        %lt3A_183 = arith.cmpi slt, %add3A_182, %sub3A_79 : i32
        %convert_element_type3A_184 = arith.extui %lt3A_183 : i1 to i32
        %cond3A_185 = arith.constant 0 : i32
        %cond3A_186 = arith.cmpi ne, %convert_element_type3A_184, %cond3A_185 : i32
        scf.if %cond3A_186 {
          %ge3A = arith.constant 1 : i32
          %ge3A_215 = arith.cmpi sge, %add3A_168, %ge3A : i32
          %convert_element_type3A_216 = arith.extui %ge3A_215 : i1 to i32
          %cond3A_217 = arith.constant 0 : i32
          %cond3A_218 = arith.cmpi ne, %convert_element_type3A_216, %cond3A_217 : i32
          scf.if %cond3A_218 {
            %dma_wait3A_234 = arith.constant 0 : i32
            %dma_wait3A_235 = arith.constant 0 : i32
            %dma_wait3A_236 = tpu.memref_slice %arg11[%dma_wait3A_234, %dma_wait3A_235] : memref<10000x128xf32, #tpu.memory_space<vmem_shared>> -> memref<10000x128xf32, #tpu.memory_space<vmem_shared>>
            tpu.wait_indirect_dma semaphore(%arg15 : memref<!tpu.dma_semaphore, #tpu.memory_space<semaphore_mem>>) src(%arg10 : memref<128x128xf32, #tpu.memory_space<vmem>>) dst(%dma_wait3A_236 : memref<10000x128xf32, #tpu.memory_space<vmem_shared>>)
          } else {
          }
          %add3A_219 = arith.constant 1 : i32
          %add3A_220 = arith.addi %add3A_168, %add3A_219 : i32
          %mul3A_221 = arith.constant 128 : i32
          %mul3A_222 = arith.muli %add3A_220, %mul3A_221 : i32
          %multiple_of3A_223 = tpu.assume_multiple %mul3A_222, 128 : i32
          %dma_start3A_224 = tpu.memref_slice %arg6[%multiple_of3A_223] : memref<10112xi32, #tpu.memory_space<vmem>> -> memref<128xi32, #tpu.memory_space<vmem>>
          %dma_start3A_225 = arith.constant 0 : i32
          %dma_start3A_226 = arith.constant 0 : i32
          %dma_start3A_227 = tpu.memref_slice %arg2[%dma_start3A_225, %dma_start3A_226] : memref<10000x128xf32, #tpu.memory_space<hbm>> -> memref<10000x128xf32, #tpu.memory_space<hbm>>
          tpu.enqueue_indirect_dma source(%dma_start3A_227 : memref<10000x128xf32, #tpu.memory_space<hbm>>) target(%arg10 : memref<128x128xf32, #tpu.memory_space<vmem>>) offsets(%dma_start3A_224 : memref<128xi32, #tpu.memory_space<vmem>>) semaphore(%arg13 : memref<!tpu.dma_semaphore, #tpu.memory_space<semaphore_mem>>)
          %add3A_228 = arith.addi %multiple_of3A, %multiple_of3A_223 : i32
          %dma_start3A_229 = arith.constant 1 : i32
          %dma_start3A_230 = tpu.memref_slice %arg3[%dma_start3A_229, %add3A_228] : memref<2x320000xi32, #tpu.memory_space<hbm>> -> memref<1x128xi32, #tpu.memory_space<hbm>>
          %dma_start3A_231 = tpu.memref_squeeze %dma_start3A_230 : memref<1x128xi32, #tpu.memory_space<hbm>> -> memref<128xi32, #tpu.memory_space<hbm>>
          %dma_start3A_232 = tpu.memref_slice %arg3[%dma_start3A_229, %add3A_228] : memref<2x320000xi32, #tpu.memory_space<hbm>> -> memref<1x128xi32, #tpu.memory_space<hbm>>
          %dma_start3A_233 = tpu.memref_squeeze %dma_start3A_232 : memref<1x128xi32, #tpu.memory_space<hbm>> -> memref<128xi32, #tpu.memory_space<hbm>>
          tpu.enqueue_dma source(%dma_start3A_233 : memref<128xi32, #tpu.memory_space<hbm>>) target(%arg8 : memref<128xi32, #tpu.memory_space<vmem>>) target_semaphore(%arg17 : memref<!tpu.dma_semaphore, #tpu.memory_space<semaphore_mem>>)
        } else {
        }
        %dma_start3A_187 = arith.constant 0 : i32
        %dma_start3A_188 = arith.constant 0 : i32
        %dma_start3A_189 = tpu.memref_slice %arg11[%dma_start3A_187, %dma_start3A_188] : memref<10000x128xf32, #tpu.memory_space<vmem_shared>> -> memref<10000x128xf32, #tpu.memory_space<vmem_shared>>
        tpu.enqueue_indirect_dma source(%arg9 : memref<128x128xf32, #tpu.memory_space<vmem>>) target(%dma_start3A_189 : memref<10000x128xf32, #tpu.memory_space<vmem_shared>>) offsets(%arg7 : memref<128xi32, #tpu.memory_space<vmem>>) semaphore(%arg14 : memref<!tpu.dma_semaphore, #tpu.memory_space<semaphore_mem>>) {add = true}
        %mul3A_190 = arith.constant 2 : i32
        %mul3A_191 = arith.muli %mul3A_190, %while3A_164 : i32
        %add3A_192 = arith.constant 1 : i32
        %add3A_193 = arith.addi %mul3A_191, %add3A_192 : i32
        %dma_wait3A_194 = arith.constant 0 : i32
        %dma_wait3A_195 = tpu.memref_slice %arg6[%dma_wait3A_194] : memref<10112xi32, #tpu.memory_space<vmem>> -> memref<128xi32, #tpu.memory_space<vmem>>
        %dma_wait3A_196 = arith.constant 0 : i32
        %dma_wait3A_197 = arith.constant 0 : i32
        %dma_wait3A_198 = tpu.memref_slice %arg2[%dma_wait3A_196, %dma_wait3A_197] : memref<10000x128xf32, #tpu.memory_space<hbm>> -> memref<10000x128xf32, #tpu.memory_space<hbm>>
        tpu.wait_indirect_dma semaphore(%arg13 : memref<!tpu.dma_semaphore, #tpu.memory_space<semaphore_mem>>) src(%dma_wait3A_198 : memref<10000x128xf32, #tpu.memory_space<hbm>>) dst(%arg10 : memref<128x128xf32, #tpu.memory_space<vmem>>)
        %dma_wait3A_199 = arith.constant 1 : i32
        %dma_wait3A_200 = arith.constant 0 : i32
        %dma_wait3A_201 = tpu.memref_slice %arg3[%dma_wait3A_199, %dma_wait3A_200] : memref<2x320000xi32, #tpu.memory_space<hbm>> -> memref<1x128xi32, #tpu.memory_space<hbm>>
        %dma_wait3A_202 = tpu.memref_squeeze %dma_wait3A_201 : memref<1x128xi32, #tpu.memory_space<hbm>> -> memref<128xi32, #tpu.memory_space<hbm>>
        %dma_wait3A_203 = arith.constant 0 : i32
        %dma_wait3A_204 = tpu.memref_slice %arg3[%dma_wait3A_199, %dma_wait3A_203] : memref<2x320000xi32, #tpu.memory_space<hbm>> -> memref<1x128xi32, #tpu.memory_space<hbm>>
        %dma_wait3A_205 = tpu.memref_squeeze %dma_wait3A_204 : memref<1x128xi32, #tpu.memory_space<hbm>> -> memref<128xi32, #tpu.memory_space<hbm>>
        tpu.wait_dma2 semaphore(%arg17 : memref<!tpu.dma_semaphore, #tpu.memory_space<semaphore_mem>>) src(%dma_wait3A_205 : memref<128xi32, #tpu.memory_space<hbm>>) dst(%arg8 : memref<128xi32, #tpu.memory_space<vmem>>)
        %add3A_206 = arith.constant 1 : i32
        %add3A_207 = arith.addi %add3A_193, %add3A_206 : i32
        %lt3A_208 = arith.cmpi slt, %add3A_207, %sub3A_79 : i32
        %convert_element_type3A_209 = arith.extui %lt3A_208 : i1 to i32
        %cond3A_210 = arith.constant 0 : i32
        %cond3A_211 = arith.cmpi ne, %convert_element_type3A_209, %cond3A_210 : i32
        scf.if %cond3A_211 {
          %ge3A = arith.constant 1 : i32
          %ge3A_215 = arith.cmpi sge, %add3A_193, %ge3A : i32
          %convert_element_type3A_216 = arith.extui %ge3A_215 : i1 to i32
          %cond3A_217 = arith.constant 0 : i32
          %cond3A_218 = arith.cmpi ne, %convert_element_type3A_216, %cond3A_217 : i32
          scf.if %cond3A_218 {
            %dma_wait3A_234 = arith.constant 0 : i32
            %dma_wait3A_235 = arith.constant 0 : i32
            %dma_wait3A_236 = tpu.memref_slice %arg11[%dma_wait3A_234, %dma_wait3A_235] : memref<10000x128xf32, #tpu.memory_space<vmem_shared>> -> memref<10000x128xf32, #tpu.memory_space<vmem_shared>>
            tpu.wait_indirect_dma semaphore(%arg14 : memref<!tpu.dma_semaphore, #tpu.memory_space<semaphore_mem>>) src(%arg9 : memref<128x128xf32, #tpu.memory_space<vmem>>) dst(%dma_wait3A_236 : memref<10000x128xf32, #tpu.memory_space<vmem_shared>>)
          } else {
          }
          %add3A_219 = arith.constant 1 : i32
          %add3A_220 = arith.addi %add3A_193, %add3A_219 : i32
          %mul3A_221 = arith.constant 128 : i32
          %mul3A_222 = arith.muli %add3A_220, %mul3A_221 : i32
          %multiple_of3A_223 = tpu.assume_multiple %mul3A_222, 128 : i32
          %dma_start3A_224 = tpu.memref_slice %arg6[%multiple_of3A_223] : memref<10112xi32, #tpu.memory_space<vmem>> -> memref<128xi32, #tpu.memory_space<vmem>>
          %dma_start3A_225 = arith.constant 0 : i32
          %dma_start3A_226 = arith.constant 0 : i32
          %dma_start3A_227 = tpu.memref_slice %arg2[%dma_start3A_225, %dma_start3A_226] : memref<10000x128xf32, #tpu.memory_space<hbm>> -> memref<10000x128xf32, #tpu.memory_space<hbm>>
          tpu.enqueue_indirect_dma source(%dma_start3A_227 : memref<10000x128xf32, #tpu.memory_space<hbm>>) target(%arg9 : memref<128x128xf32, #tpu.memory_space<vmem>>) offsets(%dma_start3A_224 : memref<128xi32, #tpu.memory_space<vmem>>) semaphore(%arg12 : memref<!tpu.dma_semaphore, #tpu.memory_space<semaphore_mem>>)
          %add3A_228 = arith.addi %multiple_of3A, %multiple_of3A_223 : i32
          %dma_start3A_229 = arith.constant 1 : i32
          %dma_start3A_230 = tpu.memref_slice %arg3[%dma_start3A_229, %add3A_228] : memref<2x320000xi32, #tpu.memory_space<hbm>> -> memref<1x128xi32, #tpu.memory_space<hbm>>
          %dma_start3A_231 = tpu.memref_squeeze %dma_start3A_230 : memref<1x128xi32, #tpu.memory_space<hbm>> -> memref<128xi32, #tpu.memory_space<hbm>>
          %dma_start3A_232 = tpu.memref_slice %arg3[%dma_start3A_229, %add3A_228] : memref<2x320000xi32, #tpu.memory_space<hbm>> -> memref<1x128xi32, #tpu.memory_space<hbm>>
          %dma_start3A_233 = tpu.memref_squeeze %dma_start3A_232 : memref<1x128xi32, #tpu.memory_space<hbm>> -> memref<128xi32, #tpu.memory_space<hbm>>
          tpu.enqueue_dma source(%dma_start3A_233 : memref<128xi32, #tpu.memory_space<hbm>>) target(%arg7 : memref<128xi32, #tpu.memory_space<vmem>>) target_semaphore(%arg16 : memref<!tpu.dma_semaphore, #tpu.memory_space<semaphore_mem>>)
        } else {
        }
        %dma_start3A_212 = arith.constant 0 : i32
        %dma_start3A_213 = arith.constant 0 : i32
        %dma_start3A_214 = tpu.memref_slice %arg11[%dma_start3A_212, %dma_start3A_213] : memref<10000x128xf32, #tpu.memory_space<vmem_shared>> -> memref<10000x128xf32, #tpu.memory_space<vmem_shared>>
        tpu.enqueue_indirect_dma source(%arg10 : memref<128x128xf32, #tpu.memory_space<vmem>>) target(%dma_start3A_214 : memref<10000x128xf32, #tpu.memory_space<vmem_shared>>) offsets(%arg8 : memref<128xi32, #tpu.memory_space<vmem>>) semaphore(%arg15 : memref<!tpu.dma_semaphore, #tpu.memory_space<semaphore_mem>>) {add = true}
      }
      %jit3A_138 = arith.constant 2 : i32
      %eq3A_139 = arith.constant 0 : i32
      %eq3A_140 = arith.cmpi eq, %jit3A_138, %eq3A_139 : i32
      %jit3A_141 = arith.constant 1 : i32
      %select_n3A_142 = arith.select %eq3A_140, %jit3A_141, %jit3A_138 : i32
      %rem3A_143 = arith.remsi %sub3A_79, %select_n3A_142 : i32
      %ne3A_144 = arith.constant 0 : i32
      %ne3A_145 = arith.cmpi ne, %rem3A_143, %ne3A_144 : i32
      %lt3A = arith.constant 0 : i32
      %lt3A_146 = arith.cmpi slt, %rem3A_143, %lt3A : i32
      %lt3A_147 = arith.constant 0 : i32
      %lt3A_148 = arith.cmpi slt, %select_n3A_142, %lt3A_147 : i32
      %ne3A_149 = arith.xori %lt3A_146, %lt3A_148 : i1
      %and3A_150 = arith.andi %ne3A_149, %ne3A_145 : i1
      %add3A_151 = arith.addi %rem3A_143, %select_n3A_142 : i32
      %select_n3A_152 = arith.select %and3A_150, %add3A_151, %rem3A_143 : i32
      %eq3A_153 = arith.constant 1 : i32
      %eq3A_154 = arith.cmpi eq, %select_n3A_152, %eq3A_153 : i32
      %convert_element_type3A_155 = arith.extui %eq3A_154 : i1 to i32
      %cond3A_156 = arith.constant 0 : i32
      %cond3A_157 = arith.cmpi ne, %convert_element_type3A_155, %cond3A_156 : i32
      scf.if %cond3A_157 {
        %dma_wait3A_164 = arith.constant 0 : i32
        %dma_wait3A_165 = tpu.memref_slice %arg6[%dma_wait3A_164] : memref<10112xi32, #tpu.memory_space<vmem>> -> memref<128xi32, #tpu.memory_space<vmem>>
        %dma_wait3A_166 = arith.constant 0 : i32
        %dma_wait3A_167 = arith.constant 0 : i32
        %dma_wait3A_168 = tpu.memref_slice %arg2[%dma_wait3A_166, %dma_wait3A_167] : memref<10000x128xf32, #tpu.memory_space<hbm>> -> memref<10000x128xf32, #tpu.memory_space<hbm>>
        tpu.wait_indirect_dma semaphore(%arg12 : memref<!tpu.dma_semaphore, #tpu.memory_space<semaphore_mem>>) src(%dma_wait3A_168 : memref<10000x128xf32, #tpu.memory_space<hbm>>) dst(%arg9 : memref<128x128xf32, #tpu.memory_space<vmem>>)
        %dma_wait3A_169 = arith.constant 1 : i32
        %dma_wait3A_170 = arith.constant 0 : i32
        %dma_wait3A_171 = tpu.memref_slice %arg3[%dma_wait3A_169, %dma_wait3A_170] : memref<2x320000xi32, #tpu.memory_space<hbm>> -> memref<1x128xi32, #tpu.memory_space<hbm>>
        %dma_wait3A_172 = tpu.memref_squeeze %dma_wait3A_171 : memref<1x128xi32, #tpu.memory_space<hbm>> -> memref<128xi32, #tpu.memory_space<hbm>>
        %dma_wait3A_173 = arith.constant 0 : i32
        %dma_wait3A_174 = tpu.memref_slice %arg3[%dma_wait3A_169, %dma_wait3A_173] : memref<2x320000xi32, #tpu.memory_space<hbm>> -> memref<1x128xi32, #tpu.memory_space<hbm>>
        %dma_wait3A_175 = tpu.memref_squeeze %dma_wait3A_174 : memref<1x128xi32, #tpu.memory_space<hbm>> -> memref<128xi32, #tpu.memory_space<hbm>>
        tpu.wait_dma2 semaphore(%arg16 : memref<!tpu.dma_semaphore, #tpu.memory_space<semaphore_mem>>) src(%dma_wait3A_175 : memref<128xi32, #tpu.memory_space<hbm>>) dst(%arg7 : memref<128xi32, #tpu.memory_space<vmem>>)
        %dma_start3A_176 = arith.constant 0 : i32
        %dma_start3A_177 = arith.constant 0 : i32
        %dma_start3A_178 = tpu.memref_slice %arg11[%dma_start3A_176, %dma_start3A_177] : memref<10000x128xf32, #tpu.memory_space<vmem_shared>> -> memref<10000x128xf32, #tpu.memory_space<vmem_shared>>
        tpu.enqueue_indirect_dma source(%arg9 : memref<128x128xf32, #tpu.memory_space<vmem>>) target(%dma_start3A_178 : memref<10000x128xf32, #tpu.memory_space<vmem_shared>>) offsets(%arg7 : memref<128xi32, #tpu.memory_space<vmem>>) semaphore(%arg14 : memref<!tpu.dma_semaphore, #tpu.memory_space<semaphore_mem>>) {add = true}
      } else {
      }
      %dma_wait3A_158 = arith.constant 0 : i32
      %dma_wait3A_159 = arith.constant 0 : i32
      %dma_wait3A_160 = tpu.memref_slice %arg11[%dma_wait3A_158, %dma_wait3A_159] : memref<10000x128xf32, #tpu.memory_space<vmem_shared>> -> memref<10000x128xf32, #tpu.memory_space<vmem_shared>>
      tpu.wait_indirect_dma semaphore(%arg14 : memref<!tpu.dma_semaphore, #tpu.memory_space<semaphore_mem>>) src(%arg9 : memref<128x128xf32, #tpu.memory_space<vmem>>) dst(%dma_wait3A_160 : memref<10000x128xf32, #tpu.memory_space<vmem_shared>>)
      %dma_wait3A_161 = arith.constant 0 : i32
      %dma_wait3A_162 = arith.constant 0 : i32
      %dma_wait3A_163 = tpu.memref_slice %arg11[%dma_wait3A_161, %dma_wait3A_162] : memref<10000x128xf32, #tpu.memory_space<vmem_shared>> -> memref<10000x128xf32, #tpu.memory_space<vmem_shared>>
      tpu.wait_indirect_dma semaphore(%arg15 : memref<!tpu.dma_semaphore, #tpu.memory_space<semaphore_mem>>) src(%arg10 : memref<128x128xf32, #tpu.memory_space<vmem>>) dst(%dma_wait3A_163 : memref<10000x128xf32, #tpu.memory_space<vmem_shared>>)
    } else {
    }
    %barrier3A_27 = arith.constant 0 : index
    tpu.barrier barrier_id(%barrier3A_27)
    "tpu.region"() ({
      %run_scoped3A = tpu.sem_alloc : memref<!tpu.dma_semaphore, #tpu.memory_space<semaphore_mem>>
      %dma_start3A = arith.constant 0 : i32
      %dma_start3A_33 = tpu.memref_slice %arg5[%arg0, %mul3A_6, %dma_start3A] : memref<2x10000x128xf32, #tpu.memory_space<hbm>> -> memref<1x624x128xf32, #tpu.memory_space<hbm>>
      %dma_start3A_34 = tpu.memref_squeeze %dma_start3A_33 : memref<1x624x128xf32, #tpu.memory_space<hbm>> -> memref<624x128xf32, #tpu.memory_space<hbm>>
      %dma_start3A_35 = arith.constant 0 : i32
      %dma_start3A_36 = tpu.memref_slice %arg11[%mul3A_6, %dma_start3A_35] : memref<10000x128xf32, #tpu.memory_space<vmem_shared>> -> memref<624x128xf32, #tpu.memory_space<vmem_shared>>
      tpu.enqueue_dma source(%dma_start3A_36 : memref<624x128xf32, #tpu.memory_space<vmem_shared>>) target(%dma_start3A_34 : memref<624x128xf32, #tpu.memory_space<hbm>>) target_semaphore(%run_scoped3A : memref<!tpu.dma_semaphore, #tpu.memory_space<semaphore_mem>>)
      %dma_wait3A = arith.constant 0 : i32
      %dma_wait3A_37 = tpu.memref_slice %arg5[%arg0, %mul3A_6, %dma_wait3A] : memref<2x10000x128xf32, #tpu.memory_space<hbm>> -> memref<1x624x128xf32, #tpu.memory_space<hbm>>
      %dma_wait3A_38 = tpu.memref_squeeze %dma_wait3A_37 : memref<1x624x128xf32, #tpu.memory_space<hbm>> -> memref<624x128xf32, #tpu.memory_space<hbm>>
      %dma_wait3A_39 = arith.constant 0 : i32
      %dma_wait3A_40 = tpu.memref_slice %arg11[%mul3A_6, %dma_wait3A_39] : memref<10000x128xf32, #tpu.memory_space<vmem_shared>> -> memref<624x128xf32, #tpu.memory_space<vmem_shared>>
      tpu.wait_dma2 semaphore(%run_scoped3A : memref<!tpu.dma_semaphore, #tpu.memory_space<semaphore_mem>>) src(%dma_wait3A_40 : memref<624x128xf32, #tpu.memory_space<vmem_shared>>) dst(%dma_wait3A_38 : memref<624x128xf32, #tpu.memory_space<hbm>>)
      tpu.yield
    }) : () -> ()
    %eq3A_28 = arith.constant 15 : i32
    %eq3A_29 = arith.cmpi eq, %arg1, %eq3A_28 : i32
    %convert_element_type3A_30 = arith.extui %eq3A_29 : i1 to i32
    %cond3A_31 = arith.constant 0 : i32
    %cond3A_32 = arith.cmpi ne, %convert_element_type3A_30, %cond3A_31 : i32
    scf.if %cond3A_32 {
      "tpu.region"() ({
        %run_scoped3A = tpu.sem_alloc : memref<!tpu.dma_semaphore, #tpu.memory_space<semaphore_mem>>
        %dma_start3A = arith.constant 9984 : i32
        %dma_start3A_33 = arith.constant 0 : i32
        %dma_start3A_34 = tpu.memref_slice %arg5[%arg0, %dma_start3A, %dma_start3A_33] : memref<2x10000x128xf32, #tpu.memory_space<hbm>> -> memref<1x16x128xf32, #tpu.memory_space<hbm>>
        %dma_start3A_35 = tpu.memref_squeeze %dma_start3A_34 : memref<1x16x128xf32, #tpu.memory_space<hbm>> -> memref<16x128xf32, #tpu.memory_space<hbm>>
        %dma_start3A_36 = arith.constant 9984 : i32
        %dma_start3A_37 = arith.constant 0 : i32
        %dma_start3A_38 = tpu.memref_slice %arg11[%dma_start3A_36, %dma_start3A_37] : memref<10000x128xf32, #tpu.memory_space<vmem_shared>> -> memref<16x128xf32, #tpu.memory_space<vmem_shared>>
        tpu.enqueue_dma source(%dma_start3A_38 : memref<16x128xf32, #tpu.memory_space<vmem_shared>>) target(%dma_start3A_35 : memref<16x128xf32, #tpu.memory_space<hbm>>) target_semaphore(%run_scoped3A : memref<!tpu.dma_semaphore, #tpu.memory_space<semaphore_mem>>)
        %dma_wait3A = arith.constant 9984 : i32
        %dma_wait3A_39 = arith.constant 0 : i32
        %dma_wait3A_40 = tpu.memref_slice %arg5[%arg0, %dma_wait3A, %dma_wait3A_39] : memref<2x10000x128xf32, #tpu.memory_space<hbm>> -> memref<1x16x128xf32, #tpu.memory_space<hbm>>
        %dma_wait3A_41 = tpu.memref_squeeze %dma_wait3A_40 : memref<1x16x128xf32, #tpu.memory_space<hbm>> -> memref<16x128xf32, #tpu.memory_space<hbm>>
        %dma_wait3A_42 = arith.constant 9984 : i32
        %dma_wait3A_43 = arith.constant 0 : i32
        %dma_wait3A_44 = tpu.memref_slice %arg11[%dma_wait3A_42, %dma_wait3A_43] : memref<10000x128xf32, #tpu.memory_space<vmem_shared>> -> memref<16x128xf32, #tpu.memory_space<vmem_shared>>
        tpu.wait_dma2 semaphore(%run_scoped3A : memref<!tpu.dma_semaphore, #tpu.memory_space<semaphore_mem>>) src(%dma_wait3A_44 : memref<16x128xf32, #tpu.memory_space<vmem_shared>>) dst(%dma_wait3A_41 : memref<16x128xf32, #tpu.memory_space<hbm>>)
        tpu.yield
      }) : () -> ()
    } else {
    }
    return
  }
}

module attributes {stable_mosaic.version = 14 : i64} {
  func.func @_mlp_body(%arg0: i32, %arg1: memref<2x2000x128xf32, #tpu.memory_space<vmem>>, %arg2: memref<128x128xf32, #tpu.memory_space<vmem>>, %arg3: memref<1x128xf32, #tpu.memory_space<vmem>>, %arg4: memref<128x128xf32, #tpu.memory_space<vmem>>, %arg5: memref<1x128xf32, #tpu.memory_space<vmem>>, %arg6: memref<2000x128xf32, #tpu.memory_space<vmem>>) attributes {dimension_semantics = [#tpu.dimension_semantics<arbitrary>], iteration_bounds = array<i64: 5>, scalar_prefetch = 0 : i64, scratch_operands = 0 : i64, tpu.core_type = #tpu.core_type<tc>, window_params = [{transform_indices = @transform_0, window_bounds = array<i64: 2, 2000, 128>}, {pipeline_mode = #tpu.pipeline_mode<synchronous>, transform_indices = @transform_1, window_bounds = array<i64: 128, 128>}, {pipeline_mode = #tpu.pipeline_mode<synchronous>, transform_indices = @transform_2, window_bounds = array<i64: 1, 128>}, {pipeline_mode = #tpu.pipeline_mode<synchronous>, transform_indices = @transform_3, window_bounds = array<i64: 128, 128>}, {pipeline_mode = #tpu.pipeline_mode<synchronous>, transform_indices = @transform_4, window_bounds = array<i64: 1, 128>}, {transform_indices = @transform_5, window_bounds = array<i64: 2000, 128>}]} {
    %get3A = arith.constant 0 : index
    %get3A_0 = arith.constant 0 : index
    %get3A_1 = arith.constant 0 : index
    %get3A_2 = vector.load %arg1[%get3A, %get3A_0, %get3A_1] : memref<2x2000x128xf32, #tpu.memory_space<vmem>>, vector<1x2000x128xf32>
    %get3A_3 = vector.shape_cast %get3A_2 : vector<1x2000x128xf32> to vector<2000x128xf32>
    %get3A_4 = arith.constant 1 : index
    %get3A_5 = arith.constant 0 : index
    %get3A_6 = arith.constant 0 : index
    %get3A_7 = vector.load %arg1[%get3A_4, %get3A_5, %get3A_6] : memref<2x2000x128xf32, #tpu.memory_space<vmem>>, vector<1x2000x128xf32>
    %get3A_8 = vector.shape_cast %get3A_7 : vector<1x2000x128xf32> to vector<2000x128xf32>
    %add3A = arith.addf %get3A_3, %get3A_8 : vector<2000x128xf32>
    %get3A_9 = arith.constant 0 : index
    %get3A_10 = arith.constant 0 : index
    %get3A_11 = vector.load %arg2[%get3A_9, %get3A_10] : memref<128x128xf32, #tpu.memory_space<vmem>>, vector<128x128xf32>
    %dot_general3A = arith.constant dense<0.000000e+00> : vector<2000x128xf32>
    %dot_general3A_12 = tpu.matmul %add3A, %get3A_11, %dot_general3A {dimension_numbers = #tpu.dot_dimension_numbers<[1], [0], [0], [1], [0, 0, 1, 1], [], []>, transpose_lhs_hint = false} : vector<2000x128xf32>, vector<128x128xf32>, vector<2000x128xf32> -> vector<2000x128xf32>
    %get3A_13 = arith.constant 0 : index
    %get3A_14 = arith.constant 0 : index
    %get3A_15 = vector.load %arg3[%get3A_13, %get3A_14] : memref<1x128xf32, #tpu.memory_space<vmem>>, vector<1x128xf32>
    %add3A_16 = vector.broadcast %get3A_15 : vector<1x128xf32> to vector<2000x128xf32>
    %add3A_17 = arith.addf %dot_general3A_12, %add3A_16 : vector<2000x128xf32>
    %max3A = arith.constant 0.000000e+00 : f32
    %max3A_18 = vector.broadcast %max3A : f32 to vector<2000x128xf32>
    %max3A_19 = arith.maximumf %add3A_17, %max3A_18 : vector<2000x128xf32>
    %get3A_20 = arith.constant 0 : index
    %get3A_21 = arith.constant 0 : index
    %get3A_22 = vector.load %arg4[%get3A_20, %get3A_21] : memref<128x128xf32, #tpu.memory_space<vmem>>, vector<128x128xf32>
    %dot_general3A_23 = arith.constant dense<0.000000e+00> : vector<2000x128xf32>
    %dot_general3A_24 = tpu.matmul %max3A_19, %get3A_22, %dot_general3A_23 {dimension_numbers = #tpu.dot_dimension_numbers<[1], [0], [0], [1], [0, 0, 1, 1], [], []>, transpose_lhs_hint = false} : vector<2000x128xf32>, vector<128x128xf32>, vector<2000x128xf32> -> vector<2000x128xf32>
    %get3A_25 = arith.constant 0 : index
    %get3A_26 = arith.constant 0 : index
    %get3A_27 = vector.load %arg5[%get3A_25, %get3A_26] : memref<1x128xf32, #tpu.memory_space<vmem>>, vector<1x128xf32>
    %add3A_28 = vector.broadcast %get3A_27 : vector<1x128xf32> to vector<2000x128xf32>
    %add3A_29 = arith.addf %dot_general3A_24, %add3A_28 : vector<2000x128xf32>
    %swap3A = arith.constant 0 : index
    %swap3A_30 = arith.constant 0 : index
    %swap3A_31 = vector.load %arg6[%swap3A, %swap3A_30] : memref<2000x128xf32, #tpu.memory_space<vmem>>, vector<2000x128xf32>
    tpu.vector_store %arg6[%swap3A, %swap3A_30], %add3A_29 {strides = array<i32>} : memref<2000x128xf32, #tpu.memory_space<vmem>>, vector<2000x128xf32>,
    return
  }
  func.func @transform_0(%arg0: i32) -> (i32, i32, i32) {
    %c0_i32 = arith.constant 0 : i32
    %c0_i32_0 = arith.constant 0 : i32
    %c0_i32_1 = arith.constant 0 : i32
    return %c0_i32, %arg0, %c0_i32_0 : i32, i32, i32
  }
  func.func @transform_1(%arg0: i32) -> (i32, i32) {
    %c0_i32 = arith.constant 0 : i32
    %c0_i32_0 = arith.constant 0 : i32
    %c0_i32_1 = arith.constant 0 : i32
    return %c0_i32, %c0_i32_0 : i32, i32
  }
  func.func @transform_2(%arg0: i32) -> (i32, i32) {
    %c0_i32 = arith.constant 0 : i32
    %c0_i32_0 = arith.constant 0 : i32
    %c0_i32_1 = arith.constant 0 : i32
    return %c0_i32, %c0_i32_0 : i32, i32
  }
  func.func @transform_3(%arg0: i32) -> (i32, i32) {
    %c0_i32 = arith.constant 0 : i32
    %c0_i32_0 = arith.constant 0 : i32
    %c0_i32_1 = arith.constant 0 : i32
    return %c0_i32, %c0_i32_0 : i32, i32
  }
  func.func @transform_4(%arg0: i32) -> (i32, i32) {
    %c0_i32 = arith.constant 0 : i32
    %c0_i32_0 = arith.constant 0 : i32
    %c0_i32_1 = arith.constant 0 : i32
    return %c0_i32, %c0_i32_0 : i32, i32
  }
  func.func @transform_5(%arg0: i32) -> (i32, i32) {
    %c0_i32 = arith.constant 0 : i32
    %c0_i32_0 = arith.constant 0 : i32
    return %arg0, %c0_i32 : i32, i32
  }
}

module attributes {stable_mosaic.version = 14 : i64} {
  func.func @_mlp_pool_body(%arg0: i32, %arg1: memref<2x2000x128xf32, #tpu.memory_space<vmem>>, %arg2: memref<128x128xf32, #tpu.memory_space<vmem>>, %arg3: memref<1x128xf32, #tpu.memory_space<vmem>>, %arg4: memref<128x128xf32, #tpu.memory_space<vmem>>, %arg5: memref<1x128xf32, #tpu.memory_space<vmem>>, %arg6: memref<128x128xf32, #tpu.memory_space<vmem>>, %arg7: memref<1x128xf32, #tpu.memory_space<vmem>>, %arg8: memref<1x128xf32, #tpu.memory_space<vmem>>, %arg9: memref<1x128xf32, #tpu.memory_space<vmem>>) attributes {dimension_semantics = [#tpu.dimension_semantics<arbitrary>], iteration_bounds = array<i64: 5>, scalar_prefetch = 0 : i64, scratch_operands = 1 : i64, tpu.core_type = #tpu.core_type<tc>, window_params = [{transform_indices = @transform_0, window_bounds = array<i64: 2, 2000, 128>}, {pipeline_mode = #tpu.pipeline_mode<synchronous>, transform_indices = @transform_1, window_bounds = array<i64: 128, 128>}, {pipeline_mode = #tpu.pipeline_mode<synchronous>, transform_indices = @transform_2, window_bounds = array<i64: 1, 128>}, {pipeline_mode = #tpu.pipeline_mode<synchronous>, transform_indices = @transform_3, window_bounds = array<i64: 128, 128>}, {pipeline_mode = #tpu.pipeline_mode<synchronous>, transform_indices = @transform_4, window_bounds = array<i64: 1, 128>}, {pipeline_mode = #tpu.pipeline_mode<synchronous>, transform_indices = @transform_5, window_bounds = array<i64: 128, 128>}, {pipeline_mode = #tpu.pipeline_mode<synchronous>, transform_indices = @transform_6, window_bounds = array<i64: 1, 128>}, {pipeline_mode = #tpu.pipeline_mode<synchronous>, transform_indices = @transform_7, window_bounds = array<i64: 1, 128>}]} {
    %eq3A = arith.constant 0 : i32
    %eq3A_0 = arith.cmpi eq, %arg0, %eq3A : i32
    %convert_element_type3A = arith.extui %eq3A_0 : i1 to i32
    %cond3A = arith.constant 0 : i32
    %cond3A_1 = arith.cmpi ne, %convert_element_type3A, %cond3A : i32
    scf.if %cond3A_1 {
      %broadcast_in_dim3A_44 = arith.constant 0.000000e+00 : f32
      %broadcast_in_dim3A_45 = vector.broadcast %broadcast_in_dim3A_44 : f32 to vector<1x128xf32>
      %swap3A_46 = arith.constant 0 : index
      %swap3A_47 = arith.constant 0 : index
      %swap3A_48 = vector.load %arg9[%swap3A_46, %swap3A_47] : memref<1x128xf32, #tpu.memory_space<vmem>>, vector<1x128xf32>
      tpu.vector_store %arg9[%swap3A_46, %swap3A_47], %broadcast_in_dim3A_45 {strides = array<i32>} : memref<1x128xf32, #tpu.memory_space<vmem>>, vector<1x128xf32>,
    } else {
    }
    %get3A = arith.constant 0 : index
    %get3A_2 = arith.constant 0 : index
    %get3A_3 = arith.constant 0 : index
    %get3A_4 = vector.load %arg1[%get3A, %get3A_2, %get3A_3] : memref<2x2000x128xf32, #tpu.memory_space<vmem>>, vector<1x2000x128xf32>
    %get3A_5 = vector.shape_cast %get3A_4 : vector<1x2000x128xf32> to vector<2000x128xf32>
    %get3A_6 = arith.constant 1 : index
    %get3A_7 = arith.constant 0 : index
    %get3A_8 = arith.constant 0 : index
    %get3A_9 = vector.load %arg1[%get3A_6, %get3A_7, %get3A_8] : memref<2x2000x128xf32, #tpu.memory_space<vmem>>, vector<1x2000x128xf32>
    %get3A_10 = vector.shape_cast %get3A_9 : vector<1x2000x128xf32> to vector<2000x128xf32>
    %add3A = arith.addf %get3A_5, %get3A_10 : vector<2000x128xf32>
    %get3A_11 = arith.constant 0 : index
    %get3A_12 = arith.constant 0 : index
    %get3A_13 = vector.load %arg2[%get3A_11, %get3A_12] : memref<128x128xf32, #tpu.memory_space<vmem>>, vector<128x128xf32>
    %dot_general3A = arith.constant dense<0.000000e+00> : vector<2000x128xf32>
    %dot_general3A_14 = tpu.matmul %add3A, %get3A_13, %dot_general3A {dimension_numbers = #tpu.dot_dimension_numbers<[1], [0], [0], [1], [0, 0, 1, 1], [], []>, transpose_lhs_hint = false} : vector<2000x128xf32>, vector<128x128xf32>, vector<2000x128xf32> -> vector<2000x128xf32>
    %get3A_15 = arith.constant 0 : index
    %get3A_16 = arith.constant 0 : index
    %get3A_17 = vector.load %arg3[%get3A_15, %get3A_16] : memref<1x128xf32, #tpu.memory_space<vmem>>, vector<1x128xf32>
    %add3A_18 = vector.broadcast %get3A_17 : vector<1x128xf32> to vector<2000x128xf32>
    %add3A_19 = arith.addf %dot_general3A_14, %add3A_18 : vector<2000x128xf32>
    %max3A = arith.constant 0.000000e+00 : f32
    %max3A_20 = vector.broadcast %max3A : f32 to vector<2000x128xf32>
    %max3A_21 = arith.maximumf %add3A_19, %max3A_20 : vector<2000x128xf32>
    %get3A_22 = arith.constant 0 : index
    %get3A_23 = arith.constant 0 : index
    %get3A_24 = vector.load %arg4[%get3A_22, %get3A_23] : memref<128x128xf32, #tpu.memory_space<vmem>>, vector<128x128xf32>
    %dot_general3A_25 = arith.constant dense<0.000000e+00> : vector<2000x128xf32>
    %dot_general3A_26 = tpu.matmul %max3A_21, %get3A_24, %dot_general3A_25 {dimension_numbers = #tpu.dot_dimension_numbers<[1], [0], [0], [1], [0, 0, 1, 1], [], []>, transpose_lhs_hint = false} : vector<2000x128xf32>, vector<128x128xf32>, vector<2000x128xf32> -> vector<2000x128xf32>
    %get3A_27 = arith.constant 0 : index
    %get3A_28 = arith.constant 0 : index
    %get3A_29 = vector.load %arg5[%get3A_27, %get3A_28] : memref<1x128xf32, #tpu.memory_space<vmem>>, vector<1x128xf32>
    %add3A_30 = vector.broadcast %get3A_29 : vector<1x128xf32> to vector<2000x128xf32>
    %add3A_31 = arith.addf %dot_general3A_26, %add3A_30 : vector<2000x128xf32>
    %get3A_32 = arith.constant 0 : index
    %get3A_33 = arith.constant 0 : index
    %get3A_34 = vector.load %arg9[%get3A_32, %get3A_33] : memref<1x128xf32, #tpu.memory_space<vmem>>, vector<1x128xf32>
    %reduce_sum3A = arith.constant dense<0.000000e+00> : vector<128xf32>
    %reduce_sum3A_35 = vector.multi_reduction <add>, %add3A_31, %reduce_sum3A [0] : vector<2000x128xf32> to vector<128xf32>
    %broadcast_in_dim3A = vector.shape_cast %reduce_sum3A_35 : vector<128xf32> to vector<1x128xf32>
    %add3A_36 = arith.addf %get3A_34, %broadcast_in_dim3A : vector<1x128xf32>
    %swap3A = arith.constant 0 : index
    %swap3A_37 = arith.constant 0 : index
    %swap3A_38 = vector.load %arg9[%swap3A, %swap3A_37] : memref<1x128xf32, #tpu.memory_space<vmem>>, vector<1x128xf32>
    tpu.vector_store %arg9[%swap3A, %swap3A_37], %add3A_36 {strides = array<i32>} : memref<1x128xf32, #tpu.memory_space<vmem>>, vector<1x128xf32>,
    %eq3A_39 = arith.constant 4 : i32
    %eq3A_40 = arith.cmpi eq, %arg0, %eq3A_39 : i32
    %convert_element_type3A_41 = arith.extui %eq3A_40 : i1 to i32
    %cond3A_42 = arith.constant 0 : i32
    %cond3A_43 = arith.cmpi ne, %convert_element_type3A_41, %cond3A_42 : i32
    scf.if %cond3A_43 {
      %get3A_44 = arith.constant 0 : index
      %get3A_45 = arith.constant 0 : index
      %get3A_46 = vector.load %arg9[%get3A_44, %get3A_45] : memref<1x128xf32, #tpu.memory_space<vmem>>, vector<1x128xf32>
      %mul3A = arith.constant 9.99999974E-5 : f32
      %mul3A_47 = vector.broadcast %mul3A : f32 to vector<1x128xf32>
      %mul3A_48 = arith.mulf %get3A_46, %mul3A_47 : vector<1x128xf32>
      %get3A_49 = arith.constant 0 : index
      %get3A_50 = arith.constant 0 : index
      %get3A_51 = vector.load %arg6[%get3A_49, %get3A_50] : memref<128x128xf32, #tpu.memory_space<vmem>>, vector<128x128xf32>
      %dot_general3A_52 = arith.constant dense<0.000000e+00> : vector<1x128xf32>
      %dot_general3A_53 = tpu.matmul %mul3A_48, %get3A_51, %dot_general3A_52 {dimension_numbers = #tpu.dot_dimension_numbers<[1], [0], [0], [1], [0, 0, 1, 1], [], []>, transpose_lhs_hint = false} : vector<1x128xf32>, vector<128x128xf32>, vector<1x128xf32> -> vector<1x128xf32>
      %get3A_54 = arith.constant 0 : index
      %get3A_55 = arith.constant 0 : index
      %get3A_56 = vector.load %arg7[%get3A_54, %get3A_55] : memref<1x128xf32, #tpu.memory_space<vmem>>, vector<1x128xf32>
      %add3A_57 = arith.addf %dot_general3A_53, %get3A_56 : vector<1x128xf32>
      %swap3A_58 = arith.constant 0 : index
      %swap3A_59 = arith.constant 0 : index
      %swap3A_60 = vector.load %arg8[%swap3A_58, %swap3A_59] : memref<1x128xf32, #tpu.memory_space<vmem>>, vector<1x128xf32>
      tpu.vector_store %arg8[%swap3A_58, %swap3A_59], %add3A_57 {strides = array<i32>} : memref<1x128xf32, #tpu.memory_space<vmem>>, vector<1x128xf32>,
    } else {
    }
    return
  }
  func.func @transform_0(%arg0: i32) -> (i32, i32, i32) {
    %c0_i32 = arith.constant 0 : i32
    %c0_i32_0 = arith.constant 0 : i32
    %c0_i32_1 = arith.constant 0 : i32
    return %c0_i32, %arg0, %c0_i32_0 : i32, i32, i32
  }
  func.func @transform_1(%arg0: i32) -> (i32, i32) {
    %c0_i32 = arith.constant 0 : i32
    %c0_i32_0 = arith.constant 0 : i32
    %c0_i32_1 = arith.constant 0 : i32
    return %c0_i32, %c0_i32_0 : i32, i32
  }
  func.func @transform_2(%arg0: i32) -> (i32, i32) {
    %c0_i32 = arith.constant 0 : i32
    %c0_i32_0 = arith.constant 0 : i32
    %c0_i32_1 = arith.constant 0 : i32
    return %c0_i32, %c0_i32_0 : i32, i32
  }
  func.func @transform_3(%arg0: i32) -> (i32, i32) {
    %c0_i32 = arith.constant 0 : i32
    %c0_i32_0 = arith.constant 0 : i32
    %c0_i32_1 = arith.constant 0 : i32
    return %c0_i32, %c0_i32_0 : i32, i32
  }
  func.func @transform_4(%arg0: i32) -> (i32, i32) {
    %c0_i32 = arith.constant 0 : i32
    %c0_i32_0 = arith.constant 0 : i32
    %c0_i32_1 = arith.constant 0 : i32
    return %c0_i32, %c0_i32_0 : i32, i32
  }
  func.func @transform_5(%arg0: i32) -> (i32, i32) {
    %c0_i32 = arith.constant 0 : i32
    %c0_i32_0 = arith.constant 0 : i32
    %c0_i32_1 = arith.constant 0 : i32
    return %c0_i32, %c0_i32_0 : i32, i32
  }
  func.func @transform_6(%arg0: i32) -> (i32, i32) {
    %c0_i32 = arith.constant 0 : i32
    %c0_i32_0 = arith.constant 0 : i32
    %c0_i32_1 = arith.constant 0 : i32
    return %c0_i32, %c0_i32_0 : i32, i32
  }
  func.func @transform_7(%arg0: i32) -> (i32, i32) {
    %c0_i32 = arith.constant 0 : i32
    %c0_i32_0 = arith.constant 0 : i32
    %c0_i32_1 = arith.constant 0 : i32
    return %c0_i32, %c0_i32_0 : i32, i32
  }
}

</mosaic_0001>

<sc_bundles>
// kernel: kernel.6.cloned.1.call-start
scs
__scs_entry_jumppad:
0x0: {  	(pc) =	sbr.rel $0x88, $3  }
0x1: {  	(tag) =	ssettag $0x0;
	lr =	simm.s32 $0x1  }
0x2: {  	[smem:$0x3F95] =	sst lr;
	_ =	strace $0xD0000000  }
0x3: {  	_ = 	snop  }
0x4: {  	_ = 	snop  }
0x5: {  	_ = 	snop  }
0x6: {  	_ = 	snop  }
0x7: {  	_ = 	snop  }
__scs_overlays_trampoline_lowered:
0x8: {  	[smem:$0x3FA4] =	sst s0  }
0x9: {  	[smem:$0x3FA5] =	sst s1  }
0xa: {  	[smem:$0x3FA6] =	sst s2  }
0xb: {  	[smem:$0x3FA7] =	sst s3  }
0xc: {  	[smem:$0x3FA8] =	sst s4  }
0xd: {  	[smem:$0x3FA9] =	sst s5  }
0xe: {  	[smem:$0x3FAA] =	sst s6  }
0xf: {  	[smem:$0x3FAB] =	sst s7  }
0x10: {  	[smem:$0x3FAC] =	sst s8  }
0x11: {  	[smem:$0x3FAD] =	sst s9;
	s0 =	simm.s32 @!p0 $0x0  }
0x12: {  	s1 =	sld [smem:$0x3F93];
	s0 =	simm.s32 @p0 $0x1  }
0x13: {  	[smem:$0x3FAE] =	sst s0;
	s0 =	simm.s32 @!p1 $0x0  }
0x14: {  	s2 =	sld [smem:$0x3F92];
	s0 =	simm.s32 @p1 $0x1  }
0x15: {  	[smem:$0x3FAF] =	sst s0;
	s0 =	simm.s32 @!p2 $0x0  }
0x16: {  	s3 =	sld [smem:$0x3FDB];
	s0 =	simm.s32 @p2 $0x1  }
0x17: {  	s4 =	simm.s32 $0x1BF5;
	[smem:$0x3FB1] =	sst s0  }
0x18: {  	s0 =	sld [smem:$0x3F94];
	_ =	swait.ge [sflag:s4], $0x0  }
0x19: {  	s7 =	sld [smem:$0x3F95]  }
0x1a: {  	s8 =	sadd.s32 $0xFFFFE003, lr  }
0x1b: {  	s9 =	sadd.s32 $0xFFFFFEF7, lr;
	s5 =	simm.s32 $0xFFFFFFFF;
	p2 =	slt.u32 s8, $0xFFFFF086  }
0x1c: {  	p1 =	slt.u32 s9, $0xF7A;
	s5 =	simm.s32 @!p2 $0x0  }
0x1d: {  	s5 =	simm.s32 @p1 $0x1;
	p0 =	seq.s32 s7, s2  }
0x1e: {  	s7 =	smul.u32 @!p0 $0xF7A, s2;
	p2 =	seq.s32 @!p0 s5, $0x0  }
0x1f: {  	s9 =	smul.u32 $0xF7A, s1;
	s8 =	simm.s32 @!p0 $0x1BF5;
	p2 =	por !p2, p0  }
0x20: {  	[sflag:s8] =	ssyncset.s32 @!p0 $0xFFFFF086;
	s6 =	sadd.s32 @!p0 s3, s7;
	s7 =	simm.s32 @!p0 $0x108  }
0x21: {  	s3 =	sadd.s32 s3, s9;
	s6 =	sadd.s32 @!p0 $0x88, s6;
	s7 =	simm.s32 @p2 $0x1082  }
0x22: {  	[simem:s7], [sflag:s8] =	dma.local @!p0 [hbm:s6], $0xF7A  }
0x23: {  	s9 =	sor.u32 $0xD0000000, s2;
	s6 =	simm.s32 $0x108;
	_ =	swait.ge @!p0 [sflag:s8], $0x0  }
0x24: {  	s3 =	sadd.s32 $0x88, s3;
	s6 =	simm.s32 @!p1 $0x1082;
	[sflag:s4] =	ssyncset.s32 $0xFFFFF086  }
0x25: {  	[simem:s6], [sflag:s4] =	dma.local [hbm:s3], $0xF7A  }
0x26: {  	[smem:$0x3F95] =	sst s1;
	(tag) =	ssettag s2;
	_ =	strace s9  }
0x27: {  	s1 =	sld [smem:$0x3FA5]  }
0x28: {  	s2 =	sld [smem:$0x3FA6]  }
0x29: {  	s4 =	sld [smem:$0x3FA8]  }
0x2a: {  	p0 =	seq.s32 s5, $0x0;
	s5 =	sld [smem:$0x3FA9]  }
0x2b: {  	s6 =	sld [smem:$0x3FAA]  }
0x2c: {  	s7 =	sld [smem:$0x3FAB]  }
0x2d: {  	s3 =	simm.s32 $0x108;
	s8 =	sld [smem:$0x3FAC]  }
0x2e: {  	s3 =	simm.s32 @!p0 $0x1082;
	s9 =	sld [smem:$0x3FAD]  }
0x2f: {  	lr =	sadd.s32 s0, s3;
	s0 =	sld [smem:$0x3FA4]  }
0x30: {  	s3 =	sld [smem:$0x3FA7]  }
0x31: {  	[smem:$0x3FB0] =	sst s10  }
0x32: {  	s10 =	sld [smem:$0x3FAE];
	_ =	sdelay $0x3  }
0x33: {  	p0 =	seq.s32 s10, $0x1;
	s10 =	sld [smem:$0x3FB0];
	_ =	sdelay $0x3  }
0x34: {  	[smem:$0x3FB0] =	sst s10  }
0x35: {  	s10 =	sld [smem:$0x3FAF];
	_ =	sdelay $0x3  }
0x36: {  	p1 =	seq.s32 s10, $0x1;
	s10 =	sld [smem:$0x3FB0];
	_ =	sdelay $0x3  }
0x37: {  	[smem:$0x3FB0] =	sst s10  }
0x38: {  	s10 =	sld [smem:$0x3FB1]  }
0x39: {  	_ = 	snop;
	(pc) =	sbr.ind lr, $3  }
0x3a: {  	_ = 	snop  }
0x3b: {  	_ = 	snop  }
0x3c: {  	p2 =	seq.s32 s10, $0x1;
	s10 =	sld [smem:$0x3FB0]  }
0x3d: {  	_ =	shalt  }
0x3e: {  	_ =	shalt  }
0x3f: {  	_ =	shalt  }
0x40: {  	_ =	shalt  }
0x41: {  	_ =	shalt  }
0x42: {  	_ =	shalt  }
0x43: {  	_ =	shalt  }
0x44: {  	_ =	shalt  }
0x45: {  	_ =	shalt  }
0x46: {  	_ =	shalt  }
0x47: {  	_ =	shalt  }
0x48: {  	_ =	shalt  }
0x49: {  	_ =	shalt  }
0x4a: {  	_ =	shalt  }
0x4b: {  	_ =	shalt  }
0x4c: {  	_ =	shalt  }
0x4d: {  	_ =	shalt  }
0x4e: {  	_ =	shalt  }
0x4f: {  	_ =	shalt  }
0x50: {  	_ =	shalt  }
0x51: {  	_ =	shalt  }
0x52: {  	_ =	shalt  }
0x53: {  	_ =	shalt  }
0x54: {  	_ =	shalt  }
0x55: {  	_ =	shalt  }
0x56: {  	_ =	shalt  }
0x57: {  	_ =	shalt  }
0x58: {  	_ =	shalt  }
0x59: {  	_ =	shalt  }
0x5a: {  	_ =	shalt  }
0x5b: {  	_ =	shalt  }
0x5c: {  	_ =	shalt  }
0x5d: {  	_ =	shalt  }
0x5e: {  	_ =	shalt  }
0x5f: {  	_ =	shalt  }
0x60: {  	_ =	shalt  }
0x61: {  	_ =	shalt  }
0x62: {  	_ =	shalt  }
0x63: {  	_ =	shalt  }
0x64: {  	_ =	shalt  }
0x65: {  	_ =	shalt  }
0x66: {  	_ =	shalt  }
0x67: {  	_ =	shalt  }
0x68: {  	_ =	shalt  }
0x69: {  	_ =	shalt  }
0x6a: {  	_ =	shalt  }
0x6b: {  	_ =	shalt  }
0x6c: {  	_ =	shalt  }
0x6d: {  	_ =	shalt  }
0x6e: {  	_ =	shalt  }
0x6f: {  	_ =	shalt  }
0x70: {  	_ =	shalt  }
0x71: {  	_ =	shalt  }
0x72: {  	_ =	shalt  }
0x73: {  	_ =	shalt  }
0x74: {  	_ =	shalt  }
0x75: {  	_ =	shalt  }
0x76: {  	_ =	shalt  }
0x77: {  	_ =	shalt  }
0x78: {  	_ =	shalt  }
0x79: {  	_ =	shalt  }
0x7a: {  	_ =	shalt  }
0x7b: {  	_ =	shalt  }
0x7c: {  	_ =	shalt  }
0x7d: {  	_ =	shalt  }
0x7e: {  	_ =	shalt  }
0x7f: {  	_ =	shalt  }
0x80: {  	_ =	shalt  }
0x81: {  	_ =	shalt  }
0x82: {  	_ =	shalt  }
0x83: {  	_ =	shalt  }
0x84: {  	_ =	shalt  }
0x85: {  	_ =	shalt  }
0x86: {  	_ =	shalt  }
0x87: {  	_ =	shalt  }
.Lfunc_end0:
.L_simem_size_0:
called_computation_lowered:
.L_overlay_start_0:
0x88: {  	s2 =	sld [smem:$0x3FD9]  }
0x89: {  	s3 =	sld [smem:$0x3FFE];
	_ =	sdelay $0x1  }
0x8a: {  	s1 =	srdreg.scid  }
0x8b: {  	s0 =	sand.u32 $0x1, s1  }
0x8c: {  	s17 =	sshll.u32 s0, $0xA;
	s2 =	sadd.s32 s3, s2  }
0x8d: {  	s2 =	sadd.s32 s2, s17  }
0x8e: {  	[smem:$0x3FBC] =	sst s2  }
0x8f: {  	_ = 	snop  }
0x90: {  	s2 =	sld [smem:$0x3FC9]  }
0x91: {  	s18 =	sld [smem:$0x3FC8];
	(tm) =	ssettm $0x1  }
0x92: {  	s4 =	sld [smem:$0x3FFB];
	_ =	sdelay $0x3  }
0x93: {  	_ =	strace s4  }
0x94: {  	s4 =	sld [smem:$0x3FFC];
	_ =	sdelay $0x3  }
0x95: {  	_ =	strace s4  }
0x96: {  	s4 =	sld [smem:$0x3FFD];
	_ =	sdelay $0x3  }
0x97: {  	_ =	strace s4  }
0x98: {  	_ =	strace $0x8FFFFFFF  }
0x99: {  	s19 =	sld [smem:$0x3FDB];
	_ =	sdelay $0x1  }
0x9a: {  	s5 =	simm.s32 $_scs_section_size  }
0x9b: {  	s6 =	simm.s32 $_size__tile_overlayer_lowered;
	s7 =	simm.s32 $_tile_overlayer_lowered  }
0x9c: {  	s22 =	simm.s32 $0x1BFF;
	s21 =	sshll.u32 s7, $0x1;
	s4 =	sadd.s32 s5, s19  }
0x9d: {  	s8 =	simm.s32 $0x0;
	s20 =	sshll.u32 s6, $0x1;
	s6 =	sadd.s32 s21, s4  }
0x9e: {  	[timem:s8], [sflag:s22] =	dma.local [hbm:s6], s20  }
0x9f: {  	_ =	swait.ge [sflag:s22], s20  }
0xa0: {  	s5 =	ssub.s32 $0x0, s20;
	[sflag:s22] =	ssyncset.done $0x0  }
0xa1: {  	[sflag:s22] =	ssyncadd.s32 s5;
	_ =	sdelay $0x1  }
0xa2: {  	s23 =	simm.s32 $0x1B8B  }
0xa3: {  	_ =	swait.ge [sflag:s23], $0x1  }
0xa4: {  	[sflag:s23] =	ssyncset.done $0x0  }
0xa5: {  	s25 =	simm.s32 $0x1B8E;
	s24 =	sld [smem:$0x3FFE];
	[sflag:s23] =	ssyncadd.s32 $0xFFFFFFFF  }
0xa6: {  	s26 =	simm.s32 $execute0_lowered;
	[smem:$0x3FD2] =	sst s25  }
0xa7: {  	s6 =	sshll.u32 s26, $0x1;
	_ =	strace $0x80000046;
	[dreg:$0x1] =	wrdreg $0xFFFFFFFF  }
0xa8: {  	s28 =	simm.s32 $_size_execute0_lowered;
	s4 =	sadd.s32 s4, s6;
	[dreg:$0x0] =	wrdreg $0x0  }
0xa9: {  	s6 =	sshll.u32 s28, $0x1;
	[dreg:$0x2] =	wrdreg s4  }
0xaa: {  	[dreg:$0x3] =	wrdreg s6  }
0xab: {  	[dreg:$0x4] =	wrdreg $0xC0  }
0xac: {  	_ =	task [dreg:s8], $0x5FFFF  }
0xad: {  	[dreg:$0x1] =	wrdreg $0xFFFFFFFF  }
0xae: {  	[dreg:$0x0] =	wrdreg $0x60  }
0xaf: {  	[dreg:$0x2] =	wrdreg s2  }
0xb0: {  	[dreg:$0x3] =	wrdreg s18  }
0xb1: {  	[dreg:$0x4] =	wrdreg s24  }
0xb2: {  	[dreg:$0x5] =	wrdreg $0xA8800  }
0xb3: {  	[dreg:$0x6] =	wrdreg $0x9  }
0xb4: {  	_ =	task.clear_ibuf [dreg:s8], $0x7FFFF;
	_ =	strace $0x90000046  }
0xb5: {  	s29 =	simm.s32 $0x9;
	_ =	strace $0x80000048  }
0xb6: {  	_ =	swait.ge [sflag:s29], $0x1  }
0xb7: {  	[sflag:s29] =	ssyncadd.s32 $0xFFFFFFFF  }
0xb8: {  	_ =	strace $0x90000048  }
0xb9: {  	_ =	sfence  }
0xba: {  	s30 =	sld [smem:$0x0];
	_ =	sdelay $0x2  }
0xbb: {  	s31 =	sshll.u32 s1, $0xD;
	s1 =	sshrl.u32 s1, $0x2  }
0xbc: {  	s3 =	sand.u32 $0x4000, s31;
	s1 =	sadd.s32 s1, s30  }
0xbd: {  	s0 =	sor.u32 s3, s0;
	s1 =	sshll.u32 s1, $0x11  }
0xbe: {  	s0 =	sor.u32 s1, s0  }
0xbf: {  	s0 =	sadd.s32 $0x8F2B, s0  }
0xc0: {  	[sflag:s0] =	ssyncadd.remote.s32 $0x1  }
0xc1: {  	_ =	sfence.sel $0xFFFF  }
0xc2: {  	[dreg:$0x0] =	wrdreg $0xFFFFFFFF;
	(pc) =	sbr.abs _section_cstart, $3  }
0xc3: {  	[dreg:$0x1] =	wrdreg $0xFFFFFFFF  }
0xc4: {  	_ =	task.clear_ibuf [dreg:s8], $0x2FFFF;
	_ =	strace $0x9FFFFFFF  }
0xc5: {  	(tm) =	ssettm $0x7FFFFFFF  }
tec
execute0_lowered:
.L_overlay_start_1:
0x0: {  	(tag) =	ssettag $0x1  }
0x1: {  	s1 =	rddreg [dreg:$0x0]  }
0x2: {  	s3 =	rddreg [dreg:$0x1]  }
0x3: {  	s0 =	rddreg [dreg:$0x2]  }
0x4: {  	s2 =	rddreg [dreg:$0x3];
	s23 =	stileid.u32  }
0x5: {  	s4 =	simm.s32 $0x0;
	s5 =	srdreg.scid;
	s6 =	smul.u32 $0x4D60, s23  }
0x6: {  	s29 =	simm.s32 $0x1;
	[smem:$0x7FF] =	sst s4;
	s8 =	smul.u32 $0x4E000, s23  }
0x7: {  	s11 =	sand.u32 $0x1, s5;
	s5 =	sadd.s32 $0x2200, s0;
	s13 =	smul.u32 $0x4D6, s23  }
0x8: {  	s10 =	sadd.s32 $0x2A00, s0;
	s15 =	smul.u32 $0x4EE, s23;
	s7 =	ssub.s32 $0x2, s11  }
0x9: {  	s28 =	sadd.s32 $0x138000, s2;
	_ =	strace $0x80000047;
	s9 =	sshrl.u32 s7, $0x1  }
0xa: {  	s6 =	sand.u32 $0x7FF00, s6;
	s20 =	sshrl.u32 s8, $0x2;
	s21 =	sadd.s32 $0x4D6, s13  }
0xb: {  	s13 =	sshrl.u32 s13, $0x4;
	s25 =	sadd.s32 $0x4EE, s15;
	s15 =	sshrl.u32 s15, $0x4  }
0xc: {  	s12 =	ssub.s32 s7, s9;
	s19 =	sshrl.u32 s6, $0x3;
	s22 =	sshrl.u32 s21, $0x4  }
0xd: {  	s6 =	sadd.s32 s20, s2;
	s0 =	sadd.s32 s3, s19;
	s8 =	ssub.s32 s22, s13  }
0xe: {  	s7 =	sadd.s32 $0x8000, s6;
	p0 =	sne.s32 s22, s13;
	s19 =	sshrl.u32 s25, $0x4  }
0xf: {  	s25 =	smul.u32 $0x138800, s11;
	s13 =	sshll.u32 s13, $0x5;
	s0 =	sadd.s32 $0x9DC0, s0  }
0x10: {  	s14 =	sand.u32 $0x8000, s8;
	s16 =	sshra.s32 s8, $0x1F;
	s9 =	ssub.s32 s19, s15  }
0x11: {  	[dreg:$0x6] =	wrdreg s0;
	s0 =	sadd.s32 $0x4000, s6;
	s24 =	sshrl.u32 s14, $0xF  }
0x12: {  	s14 =	simm.s32 $0x1;
	s20 =	sand.u32 $0x8000, s9;
	s22 =	sshra.s32 s9, $0x1F  }
0x13: {  	s17 =	sadd.s32 s24, s8;
	s14 =	simm.s32 @!p0 $0x0;
	s30 =	sshrl.u32 s20, $0xF  }
0x14: {  	s20 =	simm.s32 $0x1;
	s0 =	sshrl.u32 s0, $0x3;
	s18 =	sand.u32 $0xFFFFFFFE, s17  }
0x15: {  	s14 =	sor.u32 s14, s16;
	s31 =	sshra.s32 s17, $0x1;
	s17 =	simm.s32 $0x1  }
0x16: {  	s18 =	ssub.s32 s8, s18;
	p4 =	sne.s32 s14, $0x1;
	s14 =	sadd.s32 s30, s9  }
0x17: {  	[dreg:$0x14] =	wrdreg s0;
	s26 =	sand.u32 $0xFFFF, s18;
	s21 =	sand.u32 $0xFFFFFFFE, s14  }
0x18: {  	s14 =	sshra.s32 s14, $0x1;
	s18 =	sand.u32 $0x1, s18;
	p1 =	sne.s32 s26, $0x0  }
0x19: {  	s26 =	sadd.s32 $0x10, s3;
	p0 =	por !p1, !p4;
	p1 =	sne.s32 s19, s15  }
0x1a: {  	s19 =	ssub.s32 s9, s21;
	s21 =	simm.s32 $0x1;
	s15 =	sshll.u32 s15, $0x5  }
0x1b: {  	s17 =	simm.s32 @!p1 $0x0;
	p0 =	por !p0, !p0;
	s24 =	sand.u32 $0xFFFF, s19  }
0x1c: {  	s17 =	sor.u32 s17, s22;
	p2 =	sne.s32 s24, $0x0;
	s21 =	simm.s32 @!p0 $0x0  }
0x1d: {  	s22 =	smul.u32 $0x13800, s23;
	s24 =	sand.u32 $0x1, s19;
	p5 =	sne.s32 s17, $0x1  }
0x1e: {  	s21 =	ssub.s32 s31, s21;
	s31 =	smul.u32 $0x9DC, s23;
	s17 =	sshrl.u32 s25, $0x3  }
0x1f: {  	s23 =	smul.u32 $0x2700, s23;
	p6 =	por !p2, !p5;
	s30 =	sadd.s32 s22, s25  }
0x20: {  	s25 =	sadd.s32 $0xC000, s6;
	p3 =	slt.s32 s21, $0x1;
	s19 =	sadd.s32 $0xFFFFFFFF, s21  }
0x21: {  	p0 =	por !p6, !p6;
	s22 =	sand.u32 $0xFFE0, s31;
	[dreg:$0x10] =	wrdreg s19  }
0x22: {  	s19 =	simm.s32 $0x80;
	s20 =	simm.s32 @!p0 $0x0;
	p0 =	sne.s32 s11, $0x0  }
0x23: {  	s14 =	ssub.s32 s14, s20;
	s20 =	sshrl.u32 s30, $0x3;
	s11 =	simm.s32 @!p0 $0x0  }
0x24: {  	s30 =	sadd.s32 s1, s23;
	s23 =	sshrl.u32 s7, $0x3;
	s7 =	simm.s32 $0x8  }
0x25: {  	s20 =	sadd.s32 s10, s20;
	s10 =	sadd.s32 s10, s17;
	s17 =	sadd.s32 s26, s13  }
0x26: {  	s13 =	sadd.s32 s13, s3;
	s11 =	simm.s32 @p0 $0x1;
	[dreg:$0xb] =	wrdreg s30  }
0x27: {  	p0 =	seq.s32 s24, $0x0;
	p4 =	slt.s32 s14, $0x1;
	[dreg:$0x15] =	wrdreg s23  }
0x28: {  	s24 =	sshrl.u32 s25, $0x3;
	s23 =	simm.s32 $0x6;
	[dreg:$0x7] =	wrdreg s20  }
0x29: {  	s20 =	sadd.s32 s3, s22;
	s3 =	sadd.s32 s15, s3;
	[smem:$0x7F7] =	sst s11  }
0x2a: {  	s16 =	simm.s32 @!p0 $0x0;
	s31 =	sadd.s32 $0x27000, s10;
	s10 =	smax.u32 s12, $0x1  }
0x2b: {  	s12 =	sadd.s32 $0x9DE0, s17;
	p1 =	seq.s32 @!p4 s14, $0x1;
	s22 =	sadd.s32 $0xFFFFFFFF, s14  }
0x2c: {  	p2 =	slt.s32 @!p4 s9, $0x2;
	p5 =	slt.s32 @!p4 s9, $0x3;
	[dreg:$0x16] =	wrdreg s24  }
0x2d: {  	s11 =	simm.s32 $0x7;
	s14 =	simm.s32 $0x2780;
	[dreg:$0x8] =	wrdreg s20  }
0x2e: {  	s24 =	simm.s32 $0x6880;
	s20 =	sadd.s32 s15, s26;
	[dreg:$0xc] =	wrdreg s31  }
0x2f: {  	s16 =	simm.s32 @p0 $0x1;
	s26 =	sadd.s32 $0x9DC0, s17;
	[dreg:$0xd] =	wrdreg s10  }
0x30: {  	s15 =	stileid.u32;
	p0 =	seq.s32 s18, $0x0;
	[dreg:$0xe] =	wrdreg s12  }
0x31: {  	s18 =	sadd.s32 $0x9E00, s17;
	[dreg:$0x12] =	wrdreg s22;
	s3 =	sadd.s32 $0x70, s3  }
0x32: {  	p2 =	por p2, p4;
	p6 =	por p5, p4;
	[smem:$0x7F8] =	sst s16  }
0x33: {  	p1 =	por p4, p1;
	s17 =	simm.s32 $0x5;
	[dreg:$0xa] =	wrdreg s26  }
0x34: {  	s16 =	smov.u32 s6;
	s6 =	simm.s32 @!p0 $0x0;
	[dreg:$0xf] =	wrdreg s18  }
0x35: {  	[dreg:$0x13] =	wrdreg s3;
	s3 =	simm.s32 @!p2 $0x0;
	s26 =	sadd.s32 $0x27000, s1  }
0x36: {  	s30 =	sadd.s32 $0x20, s20;
	[dreg:$0x9] =	wrdreg s20;
	s31 =	sadd.s32 $0x40, s20  }
0x37: {  	s18 =	simm.s32 $0x2;
	s6 =	simm.s32 @p0 $0x1;
	[dreg:$0x18] =	wrdreg s26  }
0x38: {  	p0 =	seq.s32 @!p3 s21, $0x1;
	s21 =	sadd.s32 $0x9E30, s13;
	[dreg:$0x19] =	wrdreg s30  }
0x39: {  	s3 =	simm.s32 @p2 $0x1;
	p2 =	slt.s32 @!p3 s8, $0x3;
	[dreg:$0x1a] =	wrdreg s31  }
0x3a: {  	s25 =	sadd.s32 $0x10000, s16;
	s13 =	simm.s32 $0x2880;
	[dreg:$0x5] =	wrdreg s16  }
0x3b: {  	s26 =	simm.s32 $0x0;
	[smem:$0x7FA] =	sst s3;
	s3 =	simm.s32 @!p1 $0x0  }
0x3c: {  	[smem:$0x7F9] =	sst s6;
	s3 =	simm.s32 @p1 $0x1;
	p1 =	slt.s32 @!p3 s8, $0x2  }
0x3d: {  	[dreg:$0x11] =	wrdreg s21;
	s0 =	sshrl.u32 s25, $0x3;
	p1 =	por p1, p3  }
.Ltmp0:
0x3e: {  	[dreg:$0x17] =	wrdreg s0;
	s0 =	simm.s32 @!p1 $0x0;
	(pc) =	sbr.rel .LBB2_1-.Ltmp0, $4  }
0x3f: {  	p0 =	por p3, p0;
	s25 =	simm.s32 $0x3;
	s0 =	simm.s32 @p1 $0x1  }
0x40: {  	s21 =	simm.s32 $0x4;
	[smem:$0x7FC] =	sst s0;
	s0 =	simm.s32 @!p0 $0x0  }
0x41: {  	[smem:$0x7FB] =	sst s3;
	s3 =	simm.s32 $0x2800;
	s0 =	simm.s32 @p0 $0x1  }
0x42: {  	p1 =	por p2, p3;
	p0 =	sne.s32 s15, $0xF;
	[smem:$0x7FD] =	sst s0  }
.LBB2_12:
0x43: {  	_ =	swait.ge [sflag:s29], $0x4000  }
0x44: {  	[sflag:s29] =	ssyncset.done $0x0  }
0x45: {  	[sflag:s29] =	ssyncadd.s32 $0xFFFFC000  }
0x46: {  	_ =	swait.ge [sflag:s17], $0x80  }
0x47: {  	[sflag:s17] =	ssyncset.done $0x0  }
0x48: {  	[sflag:s17] =	ssyncadd.s32 $0xFFFFFF80  }
0x49: {  	[spmem:s2] =	stream.indirect.scatter.add.f32 [tilespmem:s13], [sflag:$0x3], $0x80, s14, s19, $0xb8;
	[tilespmem:$0x1E100] =	vst v63  }
.LBB2_13:
0x4a: {  	_ =	swait.ge [sflag:s25], $0x4000  }
0x4b: {  	[sflag:s25] =	ssyncset.done $0x0  }
0x4c: {  	[sflag:s25] =	ssyncadd.s32 $0xFFFFC000  }
0x4d: {  	_ =	swait.ge [sflag:s21], $0x4000  }
0x4e: {  	[sflag:s21] =	ssyncset.done $0x0  }
0x4f: {  	[sflag:s21] =	ssyncadd.s32 $0xFFFFC000  }
0x50: {  	[bflag:$0x0] =	sbarrier.arrive $0xFFFF  }
0x51: {  	s6 =	sor.u32 $0x1C08, s31;
	s10 =	rddreg [dreg:$0x7]  }
0x52: {  	[hbm:s10], [sflag:s6] =	dma.local [spmem:s0], $0x2700  }
0x53: {  	_ =	swait.ge [sflag:s7], $0x2700  }
0x54: {  	[sflag:s7] =	ssyncset.done $0x0  }
0x55: {  	s0 =	rddreg [dreg:$0xc];
	[sflag:s7] =	ssyncadd.s32 $0xFFFFD900  }
0x56: {  	[hbm:s0], [sflag:s6] =	dma.local @!p0 [spmem:s30], $0x100  }
0x57: {  	s0 =	simm.s32 @!p0 $0x8  }
0x58: {  	_ =	swait.ge @!p0 [sflag:s0], $0x100  }
0x59: {  	s26 =	sadd.s32 $0x1, s26;
	s31 =	rddreg [dreg:$0xd]  }
0x5a: {  	p2 =	sne.s32 s26, s31  }
.Ltmp1:
0x5b: {  	_ = 	snop;
	(pc) =	sbr.rel @!p2 .LBB2_14-.Ltmp1, $3  }
0x5c: {  	_ =	sdelay $0x1  }
0x5d: {  	[sflag:s0] =	ssyncset.done @!p0 $0x0  }
0x5e: {  	[sflag:s0] =	ssyncadd.s32 @!p0 $0xFFFFFF00  }
.LBB2_1:
0x5f: {  	s6 =	sld [smem:$0x7F7];
	_ =	sdelay $0x2  }
0x60: {  	p2 =	seq.s32 s6, $0x1  }
.Ltmp2:
0x61: {  	_ = 	snop;
	(pc) =	sbr.rel @p2 .LBB2_7-.Ltmp2, $2  }
0x62: {  	_ =	sdelay $0x2  }
0x63: {  	s30 =	sshrl.u32 @!p0 s28, $0x3;
	s31 =	sshll.u32 s15, $0x6;
	s0 =	sshrl.u32 s16, $0x3  }
0x64: {  	s6 =	rddreg [dreg:$0x8];
	s10 =	simm.s32 $0x100  }
0x65: {  	[tilespmem:s4], [sflag:$0x7] =	stream.strided.gather [hbm4b:s6+s19], $0x2780, s10, s19, $0x38;
	[tilespmem:$0x1E100] =	vst v63  }
0x66: {  	s22 =	rddreg [dreg:$0xb];
	s10 =	sor.u32 $0x1C08, s31  }
0x67: {  	[spmem:s0], [sflag:s10] =	dma.local [hbm:s22], $0x2700  }
0x68: {  	_ =	swait.ge [sflag:s7], $0x2700  }
0x69: {  	[sflag:s7] =	ssyncset.done $0x0  }
0x6a: {  	s6 =	rddreg [dreg:$0x18];
	[sflag:s7] =	ssyncadd.s32 $0xFFFFD900  }
0x6b: {  	[spmem:s30], [sflag:s10] =	dma.local @!p0 [hbm:s6], $0x100  }
0x6c: {  	s10 =	simm.s32 @!p0 $0x8  }
0x6d: {  	_ =	swait.ge @!p0 [sflag:s10], $0x100  }
0x6e: {  	[sflag:s10] =	ssyncset.done @!p0 $0x0  }
0x6f: {  	[sflag:s10] =	ssyncadd.s32 @!p0 $0xFFFFFF00  }
0x70: {  	[bflag:$0x0] =	sbarrier.arrive $0xFFFF  }
0x71: {  	_ =	swait.ge [sflag:s11], $0x2780  }
0x72: {  	[sflag:s11] =	ssyncset.done $0x0  }
0x73: {  	[sflag:s11] =	ssyncadd.s32 $0xFFFFD880  }
0x74: {  	[tilespmem:s13], [sflag:$0x1] =	stream.indirect.gather [hbm4b:s1+s19], $0x80, s4, s19, $0xb8;
	[tilespmem:$0x1E100] =	vst v63  }
0x75: {  	s10 =	simm.s32 @!p4 $0x1;
	s12 =	rddreg [dreg:$0x9]  }
0x76: {  	[tilespmem:s14], [sflag:$0x5] =	stream.linear.gather [hbm4b:s12+s4], $0x80, $0x38;
	[tilespmem:$0x1E100] =	vst v63  }
0x77: {  	_ =	swait.ge @!p4 [sflag:s10], $0x4000  }
0x78: {  	[sflag:s10] =	ssyncset.done @!p4 $0x0  }
0x79: {  	[sflag:s10] =	ssyncadd.s32 @!p4 $0xFFFFC000;
	s10 =	simm.s32 @!p4 $0x5  }
0x7a: {  	_ =	swait.ge @!p4 [sflag:s10], $0x80  }
0x7b: {  	s20 =	sld [smem:$0x7FA];
	_ =	sdelay $0x2  }
0x7c: {  	[sflag:s10] =	ssyncset.done @!p4 $0x0;
	p2 =	seq.s32 s20, $0x1  }
0x7d: {  	[sflag:s10] =	ssyncadd.s32 @!p4 $0xFFFFFF80;
	s10 =	simm.s32 @!p2 $0x80;
	s12 =	simm.s32 @!p2 $0x6880  }
0x7e: {  	[tilespmem:s12], [sflag:$0x2] =	stream.indirect.gather @!p2 [hbm4b:s1+s10], $0x80, s10, s10, $0xb8;
	[tilespmem:$0x1E100] =	vst v63  }
0x7f: {  	s6 =	rddreg [dreg:$0x19];
	s10 =	simm.s32 @!p2 $0x0;
	s12 =	simm.s32 @!p2 $0x2800  }
0x80: {  	[tilespmem:s12], [sflag:$0x6] =	stream.linear.gather @!p2 [hbm4b:s6+s10], $0x80, $0x38;
	[tilespmem:$0x1E100] =	vst v63  }
0x81: {  	s20 =	simm.s32 @!p4 $0x2880;
	s10 =	simm.s32 @!p4 $0x80;
	s12 =	simm.s32 @!p4 $0x2780  }
0x82: {  	[spmem:s2] =	stream.indirect.scatter.add.f32 @!p4 [tilespmem:s20], [sflag:$0x3], $0x80, s12, s10, $0xb8;
	[tilespmem:$0x1E100] =	vst v63  }
0x83: {  	s12 =	simm.s32 @!p4 $0x2  }
0x84: {  	_ =	swait.ge @!p4 [sflag:s12], $0x4000  }
0x85: {  	[sflag:s12] =	ssyncset.done @!p4 $0x0  }
0x86: {  	[sflag:s12] =	ssyncadd.s32 @!p4 $0xFFFFC000;
	s12 =	simm.s32 @!p4 $0x6  }
0x87: {  	_ =	swait.ge @!p4 [sflag:s12], $0x80  }
0x88: {  	[sflag:s12] =	ssyncset.done @!p4 $0x0  }
0x89: {  	[sflag:s12] =	ssyncadd.s32 @!p4 $0xFFFFFF80;
	s12 =	simm.s32 @!p6 $0x3  }
0x8a: {  	_ =	swait.ge @!p6 [sflag:s12], $0x4000  }
0x8b: {  	s22 =	simm.s32 @!p6 $0x2880;
	[sflag:s12] =	ssyncset.done @!p6 $0x0  }
0x8c: {  	s20 =	simm.s32 @!p6 $0x100;
	[sflag:s12] =	ssyncadd.s32 @!p6 $0xFFFFC000;
	s12 =	simm.s32 @!p6 $0x80  }
0x8d: {  	[tilespmem:s22], [sflag:$0x1] =	stream.indirect.gather @!p6 [hbm4b:s1+s12], $0x80, s20, s12, $0xb8;
	[tilespmem:$0x1E100] =	vst v63  }
0x8e: {  	s22 =	sld [smem:$0x7FB];
	_ =	sdelay $0x2  }
0x8f: {  	p2 =	seq.s32 s22, $0x1  }
.Ltmp3:
0x90: {  	_ = 	snop;
	(pc) =	sbr.rel @p2 .LBB2_6-.Ltmp3, $4  }
0x91: {  	s6 =	rddreg [dreg:$0x1a];
	s12 =	simm.s32 @!p6 $0x0;
	s20 =	simm.s32 @!p6 $0x2780  }
0x92: {  	[tilespmem:s20], [sflag:$0x5] =	stream.linear.gather @!p6 [hbm4b:s6+s12], $0x80, $0x38;
	[tilespmem:$0x1E100] =	vst v63  }
0x93: {  	s12 =	simm.s32 @!p4 $0x2800;
	s20 =	simm.s32 @!p4 $0x6880  }
0x94: {  	[spmem:s2] =	stream.indirect.scatter.add.f32 @!p4 [tilespmem:s20], [sflag:$0x4], $0x80, s12, s10, $0xb8;
	[tilespmem:$0x1E100] =	vst v63  }
0x95: {  	_ =	swait.ge [sflag:s29], $0x4000  }
0x96: {  	[sflag:s29] =	ssyncset.done $0x0  }
0x97: {  	[sflag:s29] =	ssyncadd.s32 $0xFFFFC000  }
0x98: {  	_ =	swait.ge [sflag:s17], $0x80  }
0x99: {  	p2 =	sle.s32 s9, $0x3;
	[sflag:s17] =	ssyncset.done $0x0  }
0x9a: {  	s10 =	simm.s32 @!p2 $0x4;
	[sflag:s17] =	ssyncadd.s32 $0xFFFFFF80  }
0x9b: {  	_ =	swait.ge @!p2 [sflag:s10], $0x4000  }
0x9c: {  	s12 =	simm.s32 @!p4 $0x180;
	[sflag:s10] =	ssyncset.done @!p2 $0x0  }
0x9d: {  	s20 =	simm.s32 @!p2 $0x6880;
	[sflag:s10] =	ssyncadd.s32 @!p2 $0xFFFFC000;
	s10 =	simm.s32 @!p2 $0x80  }
0x9e: {  	[tilespmem:s20], [sflag:$0x2] =	stream.indirect.gather @!p2 [hbm4b:s1+s10], $0x80, s12, s10, $0xb8;
	[tilespmem:$0x1E100] =	vst v63  }
0x9f: {  	s15 =	rddreg [dreg:$0x13];
	s10 =	simm.s32 @!p2 $0x0;
	s12 =	simm.s32 @!p2 $0x2800  }
0xa0: {  	[tilespmem:s12], [sflag:$0x6] =	stream.linear.gather @!p2 [hbm4b:s15+s10], $0x80, $0x38;
	[tilespmem:$0x1E100] =	vst v63  }
0xa1: {  	_ = 	snop  }
0xa2: {  	[spmem:s2] =	stream.indirect.scatter.add.f32 [tilespmem:s13], [sflag:$0x3], $0x80, s14, s19, $0xb8;
	[tilespmem:$0x1E100] =	vst v63  }
0xa3: {  	_ =	swait.ge [sflag:s18], $0x4000  }
0xa4: {  	[sflag:s18] =	ssyncset.done $0x0  }
0xa5: {  	[sflag:s18] =	ssyncadd.s32 $0xFFFFC000  }
0xa6: {  	_ =	swait.ge [sflag:s23], $0x80  }
0xa7: {  	p2 =	sle.s32 s9, $0x4;
	[sflag:s23] =	ssyncset.done $0x0  }
0xa8: {  	s10 =	simm.s32 @!p2 $0x3;
	[sflag:s23] =	ssyncadd.s32 $0xFFFFFF80  }
0xa9: {  	s20 =	simm.s32 @!p2 $0x80;
	_ =	swait.ge @!p2 [sflag:s10], $0x4000  }
0xaa: {  	s22 =	simm.s32 @!p2 $0x2880;
	s6 =	rddreg [dreg:$0x12];
	[sflag:s10] =	ssyncset.done @!p2 $0x0  }
0xab: {  	s12 =	sadd.s32 $0xFFFFFFFF, s6;
	[sflag:s10] =	ssyncadd.s32 @!p2 $0xFFFFC000;
	s10 =	simm.s32 @!p2 $0x200  }
0xac: {  	[tilespmem:s22], [sflag:$0x1] =	stream.indirect.gather @!p2 [hbm4b:s1+s20], $0x80, s10, s20, $0xb8;
	[tilespmem:$0x1E100] =	vst v63  }
0xad: {  	s10 =	sadd.s32 @!p2 $0x20, s15;
	s20 =	simm.s32 @!p2 $0x0;
	s22 =	simm.s32 @!p2 $0x2780  }
0xae: {  	[tilespmem:s22], [sflag:$0x5] =	stream.linear.gather @!p2 [hbm4b:s10+s20], $0x80, $0x38;
	[tilespmem:$0x1E100] =	vst v63  }
0xaf: {  	p2 =	sne.s32 s12, $0x0  }
.Ltmp4:
0xb0: {  	_ = 	snop;
	(pc) =	sbr.rel @!p2 .LBB2_5-.Ltmp4, $2  }
0xb1: {  	_ =	sdelay $0x2  }
0xb2: {  	s20 =	simm.s32 $0x280;
	s22 =	sadd.s32 $0x40, s15;
	s10 =	simm.s32 $0x5  }
.LBB2_4:
0xb3: {  	[spmem:s2] =	stream.indirect.scatter.add.f32 [tilespmem:s24], [sflag:$0x4], $0x80, s3, s19, $0xb8;
	[tilespmem:$0x1E100] =	vst v63  }
0xb4: {  	s12 =	sadd.s32 $0xFFFFFFFF, s12;
	_ =	swait.ge [sflag:s29], $0x4000  }
0xb5: {  	p5 =	sne.s32 s12, $0x0;
	[sflag:s29] =	ssyncset.done $0x0  }
0xb6: {  	[sflag:s29] =	ssyncadd.s32 $0xFFFFC000  }
0xb7: {  	_ =	swait.ge [sflag:s17], $0x80  }
0xb8: {  	p2 =	sge.s32 s10, s9;
	[sflag:s17] =	ssyncset.done $0x0  }
0xb9: {  	s6 =	simm.s32 @!p2 $0x4;
	[sflag:s17] =	ssyncadd.s32 $0xFFFFFF80  }
0xba: {  	_ =	swait.ge @!p2 [sflag:s6], $0x4000  }
0xbb: {  	[sflag:s6] =	ssyncset.done @!p2 $0x0  }
0xbc: {  	s15 =	simm.s32 @!p2 $0x6880;
	[sflag:s6] =	ssyncadd.s32 @!p2 $0xFFFFC000;
	s6 =	simm.s32 @!p2 $0x80  }
0xbd: {  	[tilespmem:s15], [sflag:$0x2] =	stream.indirect.gather @!p2 [hbm4b:s1+s6], $0x80, s20, s6, $0xb8;
	[tilespmem:$0x1E100] =	vst v63  }
0xbe: {  	s6 =	simm.s32 @!p2 $0x0;
	s15 =	simm.s32 @!p2 $0x2800  }
0xbf: {  	[tilespmem:s15], [sflag:$0x6] =	stream.linear.gather @!p2 [hbm4b:s22+s6], $0x80, $0x38;
	[tilespmem:$0x1E100] =	vst v63  }
0xc0: {  	_ = 	snop  }
0xc1: {  	[spmem:s2] =	stream.indirect.scatter.add.f32 [tilespmem:s13], [sflag:$0x3], $0x80, s14, s19, $0xb8;
	[tilespmem:$0x1E100] =	vst v63  }
0xc2: {  	_ =	swait.ge [sflag:s18], $0x4000  }
0xc3: {  	[sflag:s18] =	ssyncset.done $0x0  }
0xc4: {  	[sflag:s18] =	ssyncadd.s32 $0xFFFFC000  }
0xc5: {  	s6 =	sadd.s32 $0x1, s10;
	_ =	swait.ge [sflag:s23], $0x80  }
0xc6: {  	p2 =	sge.s32 s6, s9;
	[sflag:s23] =	ssyncset.done $0x0  }
0xc7: {  	s6 =	simm.s32 @!p2 $0x3;
	[sflag:s23] =	ssyncadd.s32 $0xFFFFFF80  }
0xc8: {  	_ =	swait.ge @!p2 [sflag:s6], $0x4000  }
0xc9: {  	s15 =	simm.s32 @!p2 $0x80;
	s16 =	simm.s32 @!p2 $0x2880;
	[sflag:s6] =	ssyncset.done @!p2 $0x0  }
.Ltmp5:
0xca: {  	[sflag:s6] =	ssyncadd.s32 @!p2 $0xFFFFC000;
	s6 =	sadd.s32 @!p2 $0x80, s20;
	(pc) =	sbr.rel @p5 .LBB2_4-.Ltmp5, $4  }
0xcb: {  	[tilespmem:s16], [sflag:$0x1] =	stream.indirect.gather @!p2 [hbm4b:s1+s15], $0x80, s6, s15, $0xb8;
	[tilespmem:$0x1E100] =	vst v63  }
0xcc: {  	s6 =	sadd.s32 @!p2 $0x20, s22;
	s15 =	simm.s32 @!p2 $0x0;
	s16 =	simm.s32 @!p2 $0x2780  }
0xcd: {  	[tilespmem:s16], [sflag:$0x5] =	stream.linear.gather @!p2 [hbm4b:s6+s15], $0x80, $0x38;
	[tilespmem:$0x1E100] =	vst v63  }
0xce: {  	s10 =	sadd.s32 $0x2, s10;
	s20 =	sadd.s32 $0x100, s20;
	s22 =	sadd.s32 $0x40, s22  }
.LBB2_5:
0xcf: {  	[spmem:s2] =	stream.indirect.scatter.add.f32 [tilespmem:s24], [sflag:$0x4], $0x80, s3, s19, $0xb8;
	[tilespmem:$0x1E100] =	vst v63  }
0xd0: {  	s15 =	stileid.u32;
	s16 =	rddreg [dreg:$0x5]  }
.LBB2_6:
0xd1: {  	s6 =	sld [smem:$0x7F8];
	_ =	sdelay $0x2  }
0xd2: {  	p2 =	seq.s32 s6, $0x1  }
.Ltmp6:
0xd3: {  	_ = 	snop;
	(pc) =	sbr.rel @p2 .LBB2_13-.Ltmp6, $4  }
.Ltmp7:
0xd4: {  	_ = 	snop;
	(pc) =	sbr.rel @!p2 .LBB2_12-.Ltmp7, $4  }
0xd5: {  	_ = 	snop  }
0xd6: {  	_ = 	snop  }
0xd7: {  	_ = 	snop  }
0xd8: {  	_ = 	snop  }
.LBB2_7:
0xd9: {  	s6 =	rddreg [dreg:$0x6];
	s10 =	simm.s32 $0x100  }
0xda: {  	[tilespmem:s4], [sflag:$0x7] =	stream.strided.gather [hbm4b:s6+s19], $0x2700, s10, s19, $0x38;
	[tilespmem:$0x1E100] =	vst v63  }
0xdb: {  	s10 =	sor.u32 $0x1C08, s31  }
0xdc: {  	[spmem:s0], [sflag:s10] =	dma.local [hbm:s5], $0x800  }
0xdd: {  	_ =	swait.ge [sflag:s7], $0x800  }
0xde: {  	[sflag:s7] =	ssyncset.done $0x0  }
0xdf: {  	s22 =	rddreg [dreg:$0x14];
	[sflag:s7] =	ssyncadd.s32 $0xFFFFF800  }
0xe0: {  	[spmem:s22], [sflag:s10] =	dma.local [hbm:s5], $0x800  }
0xe1: {  	_ =	swait.ge [sflag:s7], $0x800  }
0xe2: {  	[sflag:s7] =	ssyncset.done $0x0  }
0xe3: {  	s12 =	rddreg [dreg:$0x15];
	[sflag:s7] =	ssyncadd.s32 $0xFFFFF800  }
0xe4: {  	[spmem:s12], [sflag:s10] =	dma.local [hbm:s5], $0x800  }
0xe5: {  	_ =	swait.ge [sflag:s7], $0x800  }
0xe6: {  	[sflag:s7] =	ssyncset.done $0x0  }
0xe7: {  	s20 =	rddreg [dreg:$0x16];
	[sflag:s7] =	ssyncadd.s32 $0xFFFFF800  }
0xe8: {  	[spmem:s20], [sflag:s10] =	dma.local [hbm:s5], $0x800  }
0xe9: {  	_ =	swait.ge [sflag:s7], $0x800  }
0xea: {  	[sflag:s7] =	ssyncset.done $0x0  }
0xeb: {  	s22 =	rddreg [dreg:$0x17];
	[sflag:s7] =	ssyncadd.s32 $0xFFFFF800  }
0xec: {  	[spmem:s22], [sflag:s10] =	dma.local [hbm:s5], $0x700  }
0xed: {  	_ =	swait.ge [sflag:s7], $0x700  }
0xee: {  	[sflag:s7] =	ssyncset.done $0x0  }
0xef: {  	[sflag:s7] =	ssyncadd.s32 $0xFFFFF900  }
0xf0: {  	[spmem:s30], [sflag:s10] =	dma.local @!p0 [hbm:s5], $0x100  }
0xf1: {  	s10 =	simm.s32 @!p0 $0x8  }
0xf2: {  	_ =	swait.ge @!p0 [sflag:s10], $0x100  }
0xf3: {  	[sflag:s10] =	ssyncset.done @!p0 $0x0  }
0xf4: {  	[sflag:s10] =	ssyncadd.s32 @!p0 $0xFFFFFF00  }
0xf5: {  	[bflag:$0x0] =	sbarrier.arrive $0xFFFF  }
0xf6: {  	_ =	swait.ge [sflag:s11], $0x2700  }
0xf7: {  	[sflag:s11] =	ssyncset.done $0x0  }
0xf8: {  	[sflag:s11] =	ssyncadd.s32 $0xFFFFD900  }
0xf9: {  	[tilespmem:s13], [sflag:$0x1] =	stream.indirect.gather [hbm4b:s1+s19], $0x80, s4, s19, $0xb8;
	[tilespmem:$0x1E100] =	vst v63  }
0xfa: {  	s10 =	simm.s32 @!p3 $0x1;
	s12 =	rddreg [dreg:$0xa]  }
0xfb: {  	[tilespmem:s14], [sflag:$0x5] =	stream.linear.gather [hbm4b:s12+s4], $0x80, $0x38;
	[tilespmem:$0x1E100] =	vst v63  }
0xfc: {  	_ =	swait.ge @!p3 [sflag:s10], $0x4000  }
0xfd: {  	[sflag:s10] =	ssyncset.done @!p3 $0x0  }
0xfe: {  	[sflag:s10] =	ssyncadd.s32 @!p3 $0xFFFFC000;
	s10 =	simm.s32 @!p3 $0x5  }
0xff: {  	_ =	swait.ge @!p3 [sflag:s10], $0x80  }
0x100: {  	s20 =	sld [smem:$0x7FC];
	_ =	sdelay $0x2  }
0x101: {  	[sflag:s10] =	ssyncset.done @!p3 $0x0;
	p2 =	seq.s32 s20, $0x1  }
0x102: {  	[sflag:s10] =	ssyncadd.s32 @!p3 $0xFFFFFF80;
	s10 =	simm.s32 @!p2 $0x80;
	s12 =	simm.s32 @!p2 $0x6880  }
0x103: {  	[tilespmem:s12], [sflag:$0x2] =	stream.indirect.gather @!p2 [hbm4b:s1+s10], $0x80, s10, s10, $0xb8;
	[tilespmem:$0x1E100] =	vst v63  }
0x104: {  	s6 =	rddreg [dreg:$0xe];
	s10 =	simm.s32 @!p2 $0x0;
	s12 =	simm.s32 @!p2 $0x2800  }
0x105: {  	[tilespmem:s12], [sflag:$0x6] =	stream.linear.gather @!p2 [hbm4b:s6+s10], $0x80, $0x38;
	[tilespmem:$0x1E100] =	vst v63  }
0x106: {  	s20 =	simm.s32 @!p3 $0x2880;
	s10 =	simm.s32 @!p3 $0x80;
	s12 =	simm.s32 @!p3 $0x2780  }
0x107: {  	[spmem:s2] =	stream.indirect.scatter.add.f32 @!p3 [tilespmem:s20], [sflag:$0x3], $0x80, s12, s10, $0xb8;
	[tilespmem:$0x1E100] =	vst v63  }
0x108: {  	s12 =	simm.s32 @!p3 $0x2  }
0x109: {  	_ =	swait.ge @!p3 [sflag:s12], $0x4000  }
0x10a: {  	[sflag:s12] =	ssyncset.done @!p3 $0x0  }
0x10b: {  	[sflag:s12] =	ssyncadd.s32 @!p3 $0xFFFFC000;
	s12 =	simm.s32 @!p3 $0x6  }
0x10c: {  	_ =	swait.ge @!p3 [sflag:s12], $0x80  }
0x10d: {  	[sflag:s12] =	ssyncset.done @!p3 $0x0  }
0x10e: {  	[sflag:s12] =	ssyncadd.s32 @!p3 $0xFFFFFF80;
	s12 =	simm.s32 @!p1 $0x3  }
0x10f: {  	_ =	swait.ge @!p1 [sflag:s12], $0x4000  }
0x110: {  	s22 =	simm.s32 @!p1 $0x2880;
	[sflag:s12] =	ssyncset.done @!p1 $0x0  }
0x111: {  	s20 =	simm.s32 @!p1 $0x100;
	[sflag:s12] =	ssyncadd.s32 @!p1 $0xFFFFC000;
	s12 =	simm.s32 @!p1 $0x80  }
0x112: {  	[tilespmem:s22], [sflag:$0x1] =	stream.indirect.gather @!p1 [hbm4b:s1+s12], $0x80, s20, s12, $0xb8;
	[tilespmem:$0x1E100] =	vst v63  }
0x113: {  	s22 =	sld [smem:$0x7FD];
	_ =	sdelay $0x2  }
0x114: {  	p2 =	seq.s32 s22, $0x1  }
.Ltmp8:
0x115: {  	_ = 	snop;
	(pc) =	sbr.rel @p2 .LBB2_11-.Ltmp8, $4  }
0x116: {  	s6 =	rddreg [dreg:$0xf];
	s12 =	simm.s32 @!p1 $0x0;
	s20 =	simm.s32 @!p1 $0x2780  }
0x117: {  	[tilespmem:s20], [sflag:$0x5] =	stream.linear.gather @!p1 [hbm4b:s6+s12], $0x80, $0x38;
	[tilespmem:$0x1E100] =	vst v63  }
0x118: {  	s12 =	simm.s32 @!p3 $0x2800;
	s20 =	simm.s32 @!p3 $0x6880  }
0x119: {  	[spmem:s2] =	stream.indirect.scatter.add.f32 @!p3 [tilespmem:s20], [sflag:$0x4], $0x80, s12, s10, $0xb8;
	[tilespmem:$0x1E100] =	vst v63  }
0x11a: {  	_ =	swait.ge [sflag:s29], $0x4000  }
0x11b: {  	[sflag:s29] =	ssyncset.done $0x0  }
0x11c: {  	[sflag:s29] =	ssyncadd.s32 $0xFFFFC000  }
0x11d: {  	_ =	swait.ge [sflag:s17], $0x80  }
0x11e: {  	p2 =	sle.s32 s8, $0x3;
	[sflag:s17] =	ssyncset.done $0x0  }
0x11f: {  	s6 =	simm.s32 @!p2 $0x4;
	[sflag:s17] =	ssyncadd.s32 $0xFFFFFF80  }
0x120: {  	_ =	swait.ge @!p2 [sflag:s6], $0x4000  }
0x121: {  	s10 =	simm.s32 @!p3 $0x180;
	[sflag:s6] =	ssyncset.done @!p2 $0x0  }
0x122: {  	s12 =	simm.s32 @!p2 $0x6880;
	[sflag:s6] =	ssyncadd.s32 @!p2 $0xFFFFC000;
	s6 =	simm.s32 @!p2 $0x80  }
0x123: {  	[tilespmem:s12], [sflag:$0x2] =	stream.indirect.gather @!p2 [hbm4b:s1+s6], $0x80, s10, s6, $0xb8;
	[tilespmem:$0x1E100] =	vst v63  }
0x124: {  	s16 =	rddreg [dreg:$0x11];
	s6 =	simm.s32 @!p2 $0x0;
	s10 =	simm.s32 @!p2 $0x2800  }
0x125: {  	[tilespmem:s10], [sflag:$0x6] =	stream.linear.gather @!p2 [hbm4b:s16+s6], $0x80, $0x38;
	[tilespmem:$0x1E100] =	vst v63  }
0x126: {  	_ = 	snop  }
0x127: {  	[spmem:s2] =	stream.indirect.scatter.add.f32 [tilespmem:s13], [sflag:$0x3], $0x80, s14, s19, $0xb8;
	[tilespmem:$0x1E100] =	vst v63  }
0x128: {  	_ =	swait.ge [sflag:s18], $0x4000  }
0x129: {  	[sflag:s18] =	ssyncset.done $0x0  }
0x12a: {  	[sflag:s18] =	ssyncadd.s32 $0xFFFFC000  }
0x12b: {  	_ =	swait.ge [sflag:s23], $0x80  }
0x12c: {  	p2 =	sle.s32 s8, $0x4;
	[sflag:s23] =	ssyncset.done $0x0  }
0x12d: {  	s6 =	simm.s32 @!p2 $0x3;
	[sflag:s23] =	ssyncadd.s32 $0xFFFFFF80  }
0x12e: {  	s10 =	simm.s32 @!p2 $0x80;
	_ =	swait.ge @!p2 [sflag:s6], $0x4000  }
0x12f: {  	s15 =	simm.s32 @!p2 $0x2880;
	s22 =	rddreg [dreg:$0x10];
	[sflag:s6] =	ssyncset.done @!p2 $0x0  }
0x130: {  	s12 =	sadd.s32 $0xFFFFFFFF, s22;
	[sflag:s6] =	ssyncadd.s32 @!p2 $0xFFFFC000;
	s6 =	simm.s32 @!p2 $0x200  }
0x131: {  	[tilespmem:s15], [sflag:$0x1] =	stream.indirect.gather @!p2 [hbm4b:s1+s10], $0x80, s6, s10, $0xb8;
	[tilespmem:$0x1E100] =	vst v63  }
0x132: {  	s6 =	sadd.s32 @!p2 $0x20, s16;
	s10 =	simm.s32 @!p2 $0x0;
	s15 =	simm.s32 @!p2 $0x2780  }
0x133: {  	[tilespmem:s15], [sflag:$0x5] =	stream.linear.gather @!p2 [hbm4b:s6+s10], $0x80, $0x38;
	[tilespmem:$0x1E100] =	vst v63  }
0x134: {  	p2 =	sne.s32 s12, $0x0  }
.Ltmp9:
0x135: {  	_ = 	snop;
	(pc) =	sbr.rel @!p2 .LBB2_10-.Ltmp9, $2  }
0x136: {  	_ =	sdelay $0x2  }
0x137: {  	s20 =	simm.s32 $0x280;
	s22 =	sadd.s32 $0x40, s16;
	s10 =	simm.s32 $0x5  }
.LBB2_9:
0x138: {  	[spmem:s2] =	stream.indirect.scatter.add.f32 [tilespmem:s24], [sflag:$0x4], $0x80, s3, s19, $0xb8;
	[tilespmem:$0x1E100] =	vst v63  }
0x139: {  	s12 =	sadd.s32 $0xFFFFFFFF, s12;
	_ =	swait.ge [sflag:s29], $0x4000  }
0x13a: {  	p5 =	sne.s32 s12, $0x0;
	[sflag:s29] =	ssyncset.done $0x0  }
0x13b: {  	[sflag:s29] =	ssyncadd.s32 $0xFFFFC000  }
0x13c: {  	_ =	swait.ge [sflag:s17], $0x80  }
0x13d: {  	p2 =	sge.s32 s10, s8;
	[sflag:s17] =	ssyncset.done $0x0  }
0x13e: {  	s6 =	simm.s32 @!p2 $0x4;
	[sflag:s17] =	ssyncadd.s32 $0xFFFFFF80  }
0x13f: {  	_ =	swait.ge @!p2 [sflag:s6], $0x4000  }
0x140: {  	[sflag:s6] =	ssyncset.done @!p2 $0x0  }
0x141: {  	s15 =	simm.s32 @!p2 $0x6880;
	[sflag:s6] =	ssyncadd.s32 @!p2 $0xFFFFC000;
	s6 =	simm.s32 @!p2 $0x80  }
0x142: {  	[tilespmem:s15], [sflag:$0x2] =	stream.indirect.gather @!p2 [hbm4b:s1+s6], $0x80, s20, s6, $0xb8;
	[tilespmem:$0x1E100] =	vst v63  }
0x143: {  	s6 =	simm.s32 @!p2 $0x0;
	s15 =	simm.s32 @!p2 $0x2800  }
0x144: {  	[tilespmem:s15], [sflag:$0x6] =	stream.linear.gather @!p2 [hbm4b:s22+s6], $0x80, $0x38;
	[tilespmem:$0x1E100] =	vst v63  }
0x145: {  	_ = 	snop  }
0x146: {  	[spmem:s2] =	stream.indirect.scatter.add.f32 [tilespmem:s13], [sflag:$0x3], $0x80, s14, s19, $0xb8;
	[tilespmem:$0x1E100] =	vst v63  }
0x147: {  	_ =	swait.ge [sflag:s18], $0x4000  }
0x148: {  	[sflag:s18] =	ssyncset.done $0x0  }
0x149: {  	[sflag:s18] =	ssyncadd.s32 $0xFFFFC000  }
0x14a: {  	s6 =	sadd.s32 $0x1, s10;
	_ =	swait.ge [sflag:s23], $0x80  }
0x14b: {  	p2 =	sge.s32 s6, s8;
	[sflag:s23] =	ssyncset.done $0x0  }
0x14c: {  	s6 =	simm.s32 @!p2 $0x3;
	[sflag:s23] =	ssyncadd.s32 $0xFFFFFF80  }
0x14d: {  	_ =	swait.ge @!p2 [sflag:s6], $0x4000  }
0x14e: {  	s15 =	simm.s32 @!p2 $0x80;
	s16 =	simm.s32 @!p2 $0x2880;
	[sflag:s6] =	ssyncset.done @!p2 $0x0  }
.Ltmp10:
0x14f: {  	[sflag:s6] =	ssyncadd.s32 @!p2 $0xFFFFC000;
	s6 =	sadd.s32 @!p2 $0x80, s20;
	(pc) =	sbr.rel @p5 .LBB2_9-.Ltmp10, $4  }
0x150: {  	[tilespmem:s16], [sflag:$0x1] =	stream.indirect.gather @!p2 [hbm4b:s1+s15], $0x80, s6, s15, $0xb8;
	[tilespmem:$0x1E100] =	vst v63  }
0x151: {  	s6 =	sadd.s32 @!p2 $0x20, s22;
	s15 =	simm.s32 @!p2 $0x0;
	s16 =	simm.s32 @!p2 $0x2780  }
0x152: {  	[tilespmem:s16], [sflag:$0x5] =	stream.linear.gather @!p2 [hbm4b:s6+s15], $0x80, $0x38;
	[tilespmem:$0x1E100] =	vst v63  }
0x153: {  	s10 =	sadd.s32 $0x2, s10;
	s20 =	sadd.s32 $0x100, s20;
	s22 =	sadd.s32 $0x40, s22  }
.LBB2_10:
0x154: {  	[spmem:s2] =	stream.indirect.scatter.add.f32 [tilespmem:s24], [sflag:$0x4], $0x80, s3, s19, $0xb8;
	[tilespmem:$0x1E100] =	vst v63  }
0x155: {  	s15 =	stileid.u32;
	s16 =	rddreg [dreg:$0x5]  }
.LBB2_11:
0x156: {  	s6 =	sld [smem:$0x7F9];
	_ =	sdelay $0x2  }
0x157: {  	p2 =	seq.s32 s6, $0x1  }
.Ltmp11:
0x158: {  	_ = 	snop;
	(pc) =	sbr.rel @p2 .LBB2_13-.Ltmp11, $4  }
.Ltmp12:
0x159: {  	_ = 	snop;
	(pc) =	sbr.rel @!p2 .LBB2_12-.Ltmp12, $4  }
0x15a: {  	_ = 	snop  }
0x15b: {  	_ = 	snop  }
0x15c: {  	_ = 	snop  }
0x15d: {  	_ = 	snop  }
.LBB2_14:
0x15e: {  	_ =	sfence.sel $0x180000  }
0x15f: {  	[bflag:$0x0] =	sbarrier.arrive $0xFFFF  }
0x160: {  	_ =	strace $0x90000047  }
0x161: {  	[bflag:$0x2] =	sbarrier.arrive $0xFFFF  }
0x162: {  	p0 =	sne.s32 s15, $0x0;
	s0 =	rddreg [dreg:$0x4]  }
0x163: {  	s0 =	sadd.s32 @!p0 $0x100000, s0  }
0x164: {  	[sflag:s0] =	ssyncadd.tile.s32 @!p0 $0x1;
	_ =	shalt  }
.Lfunc_end2:
_tile_overlayer_lowered:
.L_overlay_start_2:
0x165: {  	(tag) =	ssettag $0x2  }
0x166: {  	s0 =	rddreg [dreg:$0x0];
	s2 =	stileid.u32  }
0x167: {  	s1 =	rddreg [dreg:$0x1];
	p0 =	sne.s32 s2, $0x0  }
0x168: {  	s3 =	rddreg [dreg:$0x2];
	[bflag:$0x3] =	sbarrier.arrive $0xFFFF;
	s2 =	simm.s32 @!p0 $0x1C08  }
0x169: {  	[timem:s3], [sflag:s2] =	dma.local @!p0 [hbm:s0], s1  }
0x16a: {  	s0 =	simm.s32 @!p0 $0x8  }
0x16b: {  	_ =	swait.ge @!p0 [sflag:s0], s1  }
0x16c: {  	s1 =	ssub.s32 @!p0 $0x0, s1;
	[sflag:s0] =	ssyncset.done @!p0 $0x0  }
0x16d: {  	[sflag:s0] =	ssyncadd.s32 @!p0 s1  }
0x16e: {  	[bflag:$0x3] =	sbarrier.arrive $0xFFFF  }
0x16f: {  	_ =	shalt  }

// kernel: kernel.9.cloned.1.call-start
scs
__scs_entry_jumppad:
0x0: {  	(pc) =	sbr.rel $0x88, $3  }
0x1: {  	(tag) =	ssettag $0x0;
	lr =	simm.s32 $0x1  }
0x2: {  	[smem:$0x3F95] =	sst lr;
	_ =	strace $0xD0000000  }
0x3: {  	_ = 	snop  }
0x4: {  	_ = 	snop  }
0x5: {  	_ = 	snop  }
0x6: {  	_ = 	snop  }
0x7: {  	_ = 	snop  }
__scs_overlays_trampoline_lowered:
0x8: {  	[smem:$0x3FA4] =	sst s0  }
0x9: {  	[smem:$0x3FA5] =	sst s1  }
0xa: {  	[smem:$0x3FA6] =	sst s2  }
0xb: {  	[smem:$0x3FA7] =	sst s3  }
0xc: {  	[smem:$0x3FA8] =	sst s4  }
0xd: {  	[smem:$0x3FA9] =	sst s5  }
0xe: {  	[smem:$0x3FAA] =	sst s6  }
0xf: {  	[smem:$0x3FAB] =	sst s7  }
0x10: {  	[smem:$0x3FAC] =	sst s8  }
0x11: {  	[smem:$0x3FAD] =	sst s9;
	s0 =	simm.s32 @!p0 $0x0  }
0x12: {  	s1 =	sld [smem:$0x3F93];
	s0 =	simm.s32 @p0 $0x1  }
0x13: {  	[smem:$0x3FAE] =	sst s0;
	s0 =	simm.s32 @!p1 $0x0  }
0x14: {  	s2 =	sld [smem:$0x3F92];
	s0 =	simm.s32 @p1 $0x1  }
0x15: {  	[smem:$0x3FAF] =	sst s0;
	s0 =	simm.s32 @!p2 $0x0  }
0x16: {  	s3 =	sld [smem:$0x3FDB];
	s0 =	simm.s32 @p2 $0x1  }
0x17: {  	s4 =	simm.s32 $0x1BF5;
	[smem:$0x3FB1] =	sst s0  }
0x18: {  	s0 =	sld [smem:$0x3F94];
	_ =	swait.ge [sflag:s4], $0x0  }
0x19: {  	s7 =	sld [smem:$0x3F95]  }
0x1a: {  	s8 =	sadd.s32 $0xFFFFE003, lr  }
0x1b: {  	s9 =	sadd.s32 $0xFFFFFEF7, lr;
	s5 =	simm.s32 $0xFFFFFFFF;
	p2 =	slt.u32 s8, $0xFFFFF086  }
0x1c: {  	p1 =	slt.u32 s9, $0xF7A;
	s5 =	simm.s32 @!p2 $0x0  }
0x1d: {  	s5 =	simm.s32 @p1 $0x1;
	p0 =	seq.s32 s7, s2  }
0x1e: {  	s7 =	smul.u32 @!p0 $0xF7A, s2;
	p2 =	seq.s32 @!p0 s5, $0x0  }
0x1f: {  	s9 =	smul.u32 $0xF7A, s1;
	s8 =	simm.s32 @!p0 $0x1BF5;
	p2 =	por !p2, p0  }
0x20: {  	[sflag:s8] =	ssyncset.s32 @!p0 $0xFFFFF086;
	s6 =	sadd.s32 @!p0 s3, s7;
	s7 =	simm.s32 @!p0 $0x108  }
0x21: {  	s3 =	sadd.s32 s3, s9;
	s6 =	sadd.s32 @!p0 $0x88, s6;
	s7 =	simm.s32 @p2 $0x1082  }
0x22: {  	[simem:s7], [sflag:s8] =	dma.local @!p0 [hbm:s6], $0xF7A  }
0x23: {  	s9 =	sor.u32 $0xD0000000, s2;
	s6 =	simm.s32 $0x108;
	_ =	swait.ge @!p0 [sflag:s8], $0x0  }
0x24: {  	s3 =	sadd.s32 $0x88, s3;
	s6 =	simm.s32 @!p1 $0x1082;
	[sflag:s4] =	ssyncset.s32 $0xFFFFF086  }
0x25: {  	[simem:s6], [sflag:s4] =	dma.local [hbm:s3], $0xF7A  }
0x26: {  	[smem:$0x3F95] =	sst s1;
	(tag) =	ssettag s2;
	_ =	strace s9  }
0x27: {  	s1 =	sld [smem:$0x3FA5]  }
0x28: {  	s2 =	sld [smem:$0x3FA6]  }
0x29: {  	s4 =	sld [smem:$0x3FA8]  }
0x2a: {  	p0 =	seq.s32 s5, $0x0;
	s5 =	sld [smem:$0x3FA9]  }
0x2b: {  	s6 =	sld [smem:$0x3FAA]  }
0x2c: {  	s7 =	sld [smem:$0x3FAB]  }
0x2d: {  	s3 =	simm.s32 $0x108;
	s8 =	sld [smem:$0x3FAC]  }
0x2e: {  	s3 =	simm.s32 @!p0 $0x1082;
	s9 =	sld [smem:$0x3FAD]  }
0x2f: {  	lr =	sadd.s32 s0, s3;
	s0 =	sld [smem:$0x3FA4]  }
0x30: {  	s3 =	sld [smem:$0x3FA7]  }
0x31: {  	[smem:$0x3FB0] =	sst s10  }
0x32: {  	s10 =	sld [smem:$0x3FAE];
	_ =	sdelay $0x3  }
0x33: {  	p0 =	seq.s32 s10, $0x1;
	s10 =	sld [smem:$0x3FB0];
	_ =	sdelay $0x3  }
0x34: {  	[smem:$0x3FB0] =	sst s10  }
0x35: {  	s10 =	sld [smem:$0x3FAF];
	_ =	sdelay $0x3  }
0x36: {  	p1 =	seq.s32 s10, $0x1;
	s10 =	sld [smem:$0x3FB0];
	_ =	sdelay $0x3  }
0x37: {  	[smem:$0x3FB0] =	sst s10  }
0x38: {  	s10 =	sld [smem:$0x3FB1]  }
0x39: {  	_ = 	snop;
	(pc) =	sbr.ind lr, $3  }
0x3a: {  	_ = 	snop  }
0x3b: {  	_ = 	snop  }
0x3c: {  	p2 =	seq.s32 s10, $0x1;
	s10 =	sld [smem:$0x3FB0]  }
0x3d: {  	_ =	shalt  }
0x3e: {  	_ =	shalt  }
0x3f: {  	_ =	shalt  }
0x40: {  	_ =	shalt  }
0x41: {  	_ =	shalt  }
0x42: {  	_ =	shalt  }
0x43: {  	_ =	shalt  }
0x44: {  	_ =	shalt  }
0x45: {  	_ =	shalt  }
0x46: {  	_ =	shalt  }
0x47: {  	_ =	shalt  }
0x48: {  	_ =	shalt  }
0x49: {  	_ =	shalt  }
0x4a: {  	_ =	shalt  }
0x4b: {  	_ =	shalt  }
0x4c: {  	_ =	shalt  }
0x4d: {  	_ =	shalt  }
0x4e: {  	_ =	shalt  }
0x4f: {  	_ =	shalt  }
0x50: {  	_ =	shalt  }
0x51: {  	_ =	shalt  }
0x52: {  	_ =	shalt  }
0x53: {  	_ =	shalt  }
0x54: {  	_ =	shalt  }
0x55: {  	_ =	shalt  }
0x56: {  	_ =	shalt  }
0x57: {  	_ =	shalt  }
0x58: {  	_ =	shalt  }
0x59: {  	_ =	shalt  }
0x5a: {  	_ =	shalt  }
0x5b: {  	_ =	shalt  }
0x5c: {  	_ =	shalt  }
0x5d: {  	_ =	shalt  }
0x5e: {  	_ =	shalt  }
0x5f: {  	_ =	shalt  }
0x60: {  	_ =	shalt  }
0x61: {  	_ =	shalt  }
0x62: {  	_ =	shalt  }
0x63: {  	_ =	shalt  }
0x64: {  	_ =	shalt  }
0x65: {  	_ =	shalt  }
0x66: {  	_ =	shalt  }
0x67: {  	_ =	shalt  }
0x68: {  	_ =	shalt  }
0x69: {  	_ =	shalt  }
0x6a: {  	_ =	shalt  }
0x6b: {  	_ =	shalt  }
0x6c: {  	_ =	shalt  }
0x6d: {  	_ =	shalt  }
0x6e: {  	_ =	shalt  }
0x6f: {  	_ =	shalt  }
0x70: {  	_ =	shalt  }
0x71: {  	_ =	shalt  }
0x72: {  	_ =	shalt  }
0x73: {  	_ =	shalt  }
0x74: {  	_ =	shalt  }
0x75: {  	_ =	shalt  }
0x76: {  	_ =	shalt  }
0x77: {  	_ =	shalt  }
0x78: {  	_ =	shalt  }
0x79: {  	_ =	shalt  }
0x7a: {  	_ =	shalt  }
0x7b: {  	_ =	shalt  }
0x7c: {  	_ =	shalt  }
0x7d: {  	_ =	shalt  }
0x7e: {  	_ =	shalt  }
0x7f: {  	_ =	shalt  }
0x80: {  	_ =	shalt  }
0x81: {  	_ =	shalt  }
0x82: {  	_ =	shalt  }
0x83: {  	_ =	shalt  }
0x84: {  	_ =	shalt  }
0x85: {  	_ =	shalt  }
0x86: {  	_ =	shalt  }
0x87: {  	_ =	shalt  }
.Lfunc_end0:
.L_simem_size_0:
called_computation.1_lowered:
.L_overlay_start_0:
0x88: {  	s2 =	sld [smem:$0x3FD9]  }
0x89: {  	s3 =	sld [smem:$0x3FFE];
	_ =	sdelay $0x1  }
0x8a: {  	s1 =	srdreg.scid  }
0x8b: {  	s0 =	sand.u32 $0x1, s1  }
0x8c: {  	s17 =	sshll.u32 s0, $0xA;
	s2 =	sadd.s32 s3, s2  }
0x8d: {  	s2 =	sadd.s32 s2, s17  }
0x8e: {  	[smem:$0x3FBC] =	sst s2  }
0x8f: {  	_ = 	snop  }
0x90: {  	s2 =	sld [smem:$0x3FC8];
	(tm) =	ssettm $0x1  }
0x91: {  	s18 =	sld [smem:$0x3FFB];
	_ =	sdelay $0x3  }
0x92: {  	_ =	strace s18  }
0x93: {  	s3 =	sld [smem:$0x3FFC];
	_ =	sdelay $0x3  }
0x94: {  	_ =	strace s3  }
0x95: {  	s3 =	sld [smem:$0x3FFD];
	_ =	sdelay $0x3  }
0x96: {  	_ =	strace s3  }
0x97: {  	_ =	strace $0x8FFFFFFF  }
0x98: {  	s19 =	sld [smem:$0x3FDB];
	_ =	sdelay $0x1  }
0x99: {  	s4 =	simm.s32 $_scs_section_size  }
0x9a: {  	s5 =	simm.s32 $_size__tile_overlayer_lowered;
	s6 =	simm.s32 $_tile_overlayer_lowered  }
0x9b: {  	s22 =	simm.s32 $0x1BFF;
	s21 =	sshll.u32 s6, $0x1;
	s3 =	sadd.s32 s4, s19  }
0x9c: {  	s7 =	simm.s32 $0x0;
	s20 =	sshll.u32 s5, $0x1;
	s5 =	sadd.s32 s21, s3  }
0x9d: {  	[timem:s7], [sflag:s22] =	dma.local [hbm:s5], s20  }
0x9e: {  	_ =	swait.ge [sflag:s22], s20  }
0x9f: {  	s4 =	ssub.s32 $0x0, s20;
	[sflag:s22] =	ssyncset.done $0x0  }
0xa0: {  	[sflag:s22] =	ssyncadd.s32 s4;
	_ =	sdelay $0x1  }
0xa1: {  	s23 =	simm.s32 $0x1B8B  }
0xa2: {  	_ =	swait.ge [sflag:s23], $0x1  }
0xa3: {  	[sflag:s23] =	ssyncset.done $0x0  }
0xa4: {  	s25 =	simm.s32 $0x1B8E;
	s24 =	sld [smem:$0x3FFE];
	[sflag:s23] =	ssyncadd.s32 $0xFFFFFFFF  }
0xa5: {  	s26 =	simm.s32 $execute0_lowered;
	[smem:$0x3FD2] =	sst s25  }
0xa6: {  	s5 =	sshll.u32 s26, $0x1;
	_ =	strace $0x80000049;
	[dreg:$0x1] =	wrdreg $0xFFFFFFFF  }
0xa7: {  	s28 =	simm.s32 $_size_execute0_lowered;
	s3 =	sadd.s32 s3, s5;
	[dreg:$0x0] =	wrdreg $0x0  }
0xa8: {  	s5 =	sshll.u32 s28, $0x1;
	[dreg:$0x2] =	wrdreg s3  }
0xa9: {  	[dreg:$0x3] =	wrdreg s5  }
0xaa: {  	[dreg:$0x4] =	wrdreg $0xC0  }
0xab: {  	_ =	task [dreg:s7], $0x5FFFF  }
0xac: {  	[dreg:$0x1] =	wrdreg $0xFFFFFFFF  }
0xad: {  	[dreg:$0x0] =	wrdreg $0x60  }
0xae: {  	[dreg:$0x2] =	wrdreg s24  }
0xaf: {  	[dreg:$0x3] =	wrdreg s2  }
0xb0: {  	[dreg:$0x4] =	wrdreg $0xA8800  }
0xb1: {  	[dreg:$0x5] =	wrdreg $0x9  }
0xb2: {  	_ =	task.clear_ibuf [dreg:s7], $0x6FFFF;
	_ =	strace $0x90000049  }
0xb3: {  	s29 =	simm.s32 $0x9;
	_ =	strace $0x8000004B  }
0xb4: {  	_ =	swait.ge [sflag:s29], $0x1  }
0xb5: {  	[sflag:s29] =	ssyncadd.s32 $0xFFFFFFFF  }
0xb6: {  	_ =	strace $0x9000004B  }
0xb7: {  	_ =	sfence  }
0xb8: {  	s30 =	sld [smem:$0x0];
	_ =	sdelay $0x2  }
0xb9: {  	s31 =	sshll.u32 s1, $0xD;
	s1 =	sshrl.u32 s1, $0x2  }
0xba: {  	s3 =	sand.u32 $0x4000, s31;
	s1 =	sadd.s32 s1, s30  }
0xbb: {  	s0 =	sor.u32 s3, s0;
	s1 =	sshll.u32 s1, $0x11  }
0xbc: {  	s0 =	sor.u32 s1, s0  }
0xbd: {  	s0 =	sadd.s32 $0x8F2B, s0  }
0xbe: {  	[sflag:s0] =	ssyncadd.remote.s32 $0x1  }
0xbf: {  	_ =	sfence.sel $0xFFFF  }
0xc0: {  	[dreg:$0x0] =	wrdreg $0xFFFFFFFF;
	(pc) =	sbr.abs _section_cstart, $3  }
0xc1: {  	[dreg:$0x1] =	wrdreg $0xFFFFFFFF  }
0xc2: {  	_ =	task.clear_ibuf [dreg:s7], $0x2FFFF;
	_ =	strace $0x9FFFFFFF  }
0xc3: {  	(tm) =	ssettm $0x7FFFFFFF  }
tec
execute0_lowered:
.L_overlay_start_1:
0x0: {  	(tag) =	ssettag $0x1  }
0x1: {  	s0 =	rddreg [dreg:$0x0]  }
0x2: {  	s2 =	rddreg [dreg:$0x1];
	s23 =	stileid.u32  }
0x3: {  	s1 =	rddreg [dreg:$0x2];
	s8 =	smul.u32 $0x4D60, s23  }
0x4: {  	s3 =	simm.s32 $0x0;
	s4 =	srdreg.scid;
	s10 =	smul.u32 $0x4D6, s23  }
0x5: {  	s30 =	simm.s32 $0x1;
	[smem:$0x7FF] =	sst s3;
	s17 =	smul.u32 $0x4E000, s23  }
0x6: {  	s7 =	sand.u32 $0x1, s4;
	s4 =	sadd.s32 $0x2A00, s0;
	s15 =	smul.u32 $0x4EE, s23  }
0x7: {  	s5 =	sadd.s32 $0x2200, s0;
	s12 =	sadd.s32 $0x29C00, s0;
	s28 =	smul.u32 $0x13800, s23  }
0x8: {  	s31 =	smul.u32 $0x9DC, s23;
	s0 =	sadd.s32 $0x29A00, s0;
	s29 =	sadd.s32 $0x138000, s1  }
0x9: {  	_ =	strace $0x8000004A;
	s6 =	ssub.s32 $0x2, s7;
	s26 =	smul.u32 $0x138800, s7  }
0xa: {  	[dreg:$0xb] =	wrdreg s0;
	s9 =	sshrl.u32 s6, $0x1;
	s16 =	sand.u32 $0x7FF00, s8  }
0xb: {  	s18 =	sadd.s32 $0x4D6, s10;
	s13 =	sshrl.u32 s10, $0x4;
	s8 =	sshrl.u32 s17, $0x2  }
0xc: {  	s17 =	sadd.s32 $0x4EE, s15;
	s15 =	sshrl.u32 s15, $0x4;
	s11 =	ssub.s32 s6, s9  }
0xd: {  	s6 =	sshrl.u32 s16, $0x3;
	s9 =	sshrl.u32 s18, $0x4;
	s8 =	sadd.s32 s8, s1  }
0xe: {  	s17 =	sshrl.u32 s17, $0x4;
	s19 =	sadd.s32 s2, s6;
	s6 =	ssub.s32 s9, s13  }
0xf: {  	p0 =	sne.s32 s9, s13;
	s9 =	simm.s32 $0x1;
	s13 =	sshll.u32 s13, $0x5  }
0x10: {  	s10 =	sadd.s32 $0x9DC0, s19;
	s20 =	sand.u32 $0x8000, s6;
	s14 =	sshra.s32 s6, $0x1F  }
0x11: {  	s9 =	simm.s32 @!p0 $0x0;
	[dreg:$0x4] =	wrdreg s10;
	s10 =	sshrl.u32 s20, $0xF  }
0x12: {  	s21 =	sor.u32 s9, s14;
	s9 =	ssub.s32 s17, s15;
	s16 =	sadd.s32 s10, s6  }
0x13: {  	p4 =	sne.s32 s21, $0x1;
	s24 =	sand.u32 $0x8000, s9;
	s20 =	sshra.s32 s9, $0x1F  }
0x14: {  	s21 =	simm.s32 $0x1;
	s10 =	sand.u32 $0xFFFFFFFE, s16;
	s14 =	sshrl.u32 s24, $0xF  }
0x15: {  	s16 =	sshra.s32 s16, $0x1;
	s24 =	smul.u32 $0x2700, s23;
	s18 =	ssub.s32 s6, s10  }
0x16: {  	s10 =	sadd.s32 $0x4000, s8;
	s14 =	sadd.s32 s14, s9;
	s22 =	sand.u32 $0xFFFF, s18  }
0x17: {  	s19 =	sand.u32 $0xFFFFFFFE, s14;
	s14 =	sshra.s32 s14, $0x1;
	s18 =	sand.u32 $0x1, s18  }
0x18: {  	s23 =	sshrl.u32 s10, $0x3;
	p1 =	sne.s32 s22, $0x0;
	s19 =	ssub.s32 s9, s19  }
0x19: {  	s22 =	sadd.s32 $0x10, s2;
	[dreg:$0x14] =	wrdreg s23;
	p0 =	por !p1, !p4  }
0x1a: {  	p1 =	sne.s32 s17, s15;
	s17 =	simm.s32 $0x1;
	s25 =	sand.u32 $0xFFFF, s19  }
0x1b: {  	s15 =	sshll.u32 s15, $0x5;
	p0 =	por !p0, !p0;
	s17 =	simm.s32 @!p1 $0x0  }
0x1c: {  	p6 =	sne.s32 s25, $0x0;
	s17 =	sor.u32 s17, s20;
	s21 =	simm.s32 @!p0 $0x0  }
0x1d: {  	s25 =	sand.u32 $0x1, s19;
	p5 =	sne.s32 s17, $0x1;
	s20 =	ssub.s32 s16, s21  }
0x1e: {  	s17 =	simm.s32 $0x1;
	s21 =	sadd.s32 s28, s26;
	s16 =	sshrl.u32 s26, $0x3  }
0x1f: {  	p0 =	por !p6, !p5;
	s21 =	sshrl.u32 s21, $0x3;
	p3 =	slt.s32 s20, $0x1  }
0x20: {  	s19 =	sadd.s32 $0xFFFFFFFF, s20;
	p0 =	por !p0, !p0;
	s21 =	sadd.s32 s12, s21  }
0x21: {  	s12 =	sadd.s32 s12, s16;
	[dreg:$0x10] =	wrdreg s19;
	s19 =	simm.s32 $0x6  }
0x22: {  	s17 =	simm.s32 @!p0 $0x0;
	[dreg:$0x6] =	wrdreg s21;
	s21 =	sadd.s32 s22, s13  }
0x23: {  	s13 =	sadd.s32 s13, s2;
	p0 =	sne.s32 s7, $0x0;
	s14 =	ssub.s32 s14, s17  }
0x24: {  	s17 =	sand.u32 $0xFFE0, s31;
	s7 =	simm.s32 @!p0 $0x0;
	s28 =	sadd.s32 $0x9DC0, s21  }
0x25: {  	s31 =	sadd.s32 $0x27000, s12;
	s12 =	smax.u32 s11, $0x1;
	[dreg:$0x9] =	wrdreg s28  }
0x26: {  	s11 =	simm.s32 $0x7;
	s17 =	sadd.s32 s2, s17;
	[dreg:$0xc] =	wrdreg s31  }
0x27: {  	s2 =	sadd.s32 s15, s2;
	s7 =	simm.s32 @p0 $0x1;
	[dreg:$0xd] =	wrdreg s12  }
0x28: {  	p0 =	seq.s32 s25, $0x0;
	p4 =	slt.s32 s14, $0x1;
	[dreg:$0x7] =	wrdreg s17  }
0x29: {  	s17 =	smov.u32 s8;
	s8 =	sadd.s32 s15, s22;
	[smem:$0x7F7] =	sst s7  }
0x2a: {  	s16 =	simm.s32 @!p0 $0x0;
	s15 =	sadd.s32 s4, s24;
	p1 =	seq.s32 @!p4 s14, $0x1  }
0x2b: {  	s22 =	sadd.s32 $0x70, s2;
	p2 =	slt.s32 @!p4 s9, $0x2;
	p5 =	slt.s32 @!p4 s9, $0x3  }
0x2c: {  	s7 =	simm.s32 $0x8;
	s2 =	simm.s32 $0x2800;
	[dreg:$0xa] =	wrdreg s15  }
0x2d: {  	s26 =	sadd.s32 $0x8000, s17;
	s16 =	simm.s32 @p0 $0x1;
	[dreg:$0x13] =	wrdreg s22  }
0x2e: {  	p0 =	seq.s32 s18, $0x0;
	s15 =	sadd.s32 $0x9DE0, s21;
	[dreg:$0x8] =	wrdreg s8  }
0x2f: {  	s18 =	sadd.s32 $0x9E00, s21;
	s21 =	sadd.s32 $0xFFFFFFFF, s14;
	[dreg:$0x5] =	wrdreg s17  }
0x30: {  	p2 =	por p2, p4;
	p6 =	por p5, p4;
	[smem:$0x7F8] =	sst s16  }
0x31: {  	p1 =	por p4, p1;
	s25 =	sadd.s32 $0xC000, s17;
	[dreg:$0xe] =	wrdreg s15  }
0x32: {  	s28 =	sadd.s32 $0x20, s8;
	s31 =	sadd.s32 $0x40, s8;
	[dreg:$0xf] =	wrdreg s18  }
0x33: {  	s14 =	simm.s32 $0x2780;
	s22 =	simm.s32 $0x4;
	[dreg:$0x12] =	wrdreg s21  }
0x34: {  	s16 =	stileid.u32;
	s0 =	simm.s32 @!p0 $0x0;
	[dreg:$0x18] =	wrdreg s28  }
0x35: {  	s24 =	sshrl.u32 s26, $0x3;
	s26 =	sadd.s32 $0x10000, s17;
	[dreg:$0x19] =	wrdreg s31  }
0x36: {  	s15 =	simm.s32 $0x5;
	s18 =	simm.s32 $0x2;
	s0 =	simm.s32 @p0 $0x1  }
0x37: {  	p0 =	seq.s32 @!p3 s20, $0x1;
	[smem:$0x7F9] =	sst s0;
	s0 =	simm.s32 @!p2 $0x0  }
0x38: {  	s20 =	sadd.s32 $0x9E30, s13;
	[dreg:$0x15] =	wrdreg s24;
	s0 =	simm.s32 @p2 $0x1  }
0x39: {  	s13 =	simm.s32 $0x2880;
	[smem:$0x7FA] =	sst s0;
	s0 =	simm.s32 @!p1 $0x0  }
0x3a: {  	s24 =	simm.s32 $0x6880;
	[dreg:$0x11] =	wrdreg s20;
	s0 =	simm.s32 @p1 $0x1  }
0x3b: {  	p1 =	slt.s32 @!p3 s6, $0x2;
	[smem:$0x7FB] =	sst s0;
	s0 =	sshrl.u32 s25, $0x3  }
0x3c: {  	p1 =	por p1, p3;
	[dreg:$0x16] =	wrdreg s0;
	s0 =	sshrl.u32 s26, $0x3  }
.Ltmp0:
0x3d: {  	[dreg:$0x17] =	wrdreg s0;
	s0 =	simm.s32 @!p1 $0x0;
	(pc) =	sbr.rel .LBB2_1-.Ltmp0, $4  }
0x3e: {  	p0 =	por p3, p0;
	s20 =	simm.s32 $0x80;
	s0 =	simm.s32 @p1 $0x1  }
0x3f: {  	s25 =	simm.s32 $0x3;
	[smem:$0x7FC] =	sst s0;
	s0 =	simm.s32 @!p0 $0x0  }
0x40: {  	s26 =	simm.s32 $0x0;
	p1 =	slt.s32 @!p3 s6, $0x3;
	s0 =	simm.s32 @p0 $0x1  }
0x41: {  	p1 =	por p1, p3;
	p0 =	sne.s32 s16, $0xF;
	[smem:$0x7FD] =	sst s0  }
.LBB2_12:
0x42: {  	_ =	swait.ge [sflag:s30], $0x4000  }
0x43: {  	[sflag:s30] =	ssyncset.done $0x0  }
0x44: {  	[sflag:s30] =	ssyncadd.s32 $0xFFFFC000  }
0x45: {  	_ =	swait.ge [sflag:s15], $0x80  }
0x46: {  	[sflag:s15] =	ssyncset.done $0x0  }
0x47: {  	[sflag:s15] =	ssyncadd.s32 $0xFFFFFF80  }
0x48: {  	[spmem:s1] =	stream.indirect.scatter.add.f32 [tilespmem:s13], [sflag:$0x3], $0x80, s14, s20, $0xb8;
	[tilespmem:$0x1E100] =	vst v63  }
.LBB2_13:
0x49: {  	_ =	swait.ge [sflag:s25], $0x4000  }
0x4a: {  	[sflag:s25] =	ssyncset.done $0x0  }
0x4b: {  	[sflag:s25] =	ssyncadd.s32 $0xFFFFC000  }
0x4c: {  	_ =	swait.ge [sflag:s22], $0x4000  }
0x4d: {  	[sflag:s22] =	ssyncset.done $0x0  }
0x4e: {  	[sflag:s22] =	ssyncadd.s32 $0xFFFFC000  }
0x4f: {  	[bflag:$0x0] =	sbarrier.arrive $0xFFFF  }
0x50: {  	s8 =	sor.u32 $0x1C08, s31;
	s10 =	rddreg [dreg:$0x6]  }
0x51: {  	[hbm:s10], [sflag:s8] =	dma.local [spmem:s0], $0x2700  }
0x52: {  	_ =	swait.ge [sflag:s7], $0x2700  }
0x53: {  	[sflag:s7] =	ssyncset.done $0x0  }
0x54: {  	s0 =	rddreg [dreg:$0xc];
	[sflag:s7] =	ssyncadd.s32 $0xFFFFD900  }
0x55: {  	[hbm:s0], [sflag:s8] =	dma.local @!p0 [spmem:s28], $0x100  }
0x56: {  	s0 =	simm.s32 @!p0 $0x8  }
0x57: {  	_ =	swait.ge @!p0 [sflag:s0], $0x100  }
0x58: {  	s26 =	sadd.s32 $0x1, s26;
	s31 =	rddreg [dreg:$0xd]  }
0x59: {  	p2 =	sne.s32 s26, s31  }
.Ltmp1:
0x5a: {  	_ = 	snop;
	(pc) =	sbr.rel @!p2 .LBB2_14-.Ltmp1, $3  }
0x5b: {  	_ =	sdelay $0x1  }
0x5c: {  	[sflag:s0] =	ssyncset.done @!p0 $0x0  }
0x5d: {  	[sflag:s0] =	ssyncadd.s32 @!p0 $0xFFFFFF00  }
.LBB2_1:
0x5e: {  	s8 =	sld [smem:$0x7F7];
	_ =	sdelay $0x2  }
0x5f: {  	p2 =	seq.s32 s8, $0x1  }
.Ltmp2:
0x60: {  	_ = 	snop;
	(pc) =	sbr.rel @p2 .LBB2_7-.Ltmp2, $2  }
0x61: {  	_ =	sdelay $0x2  }
0x62: {  	s28 =	sshrl.u32 @!p0 s29, $0x3;
	s31 =	sshll.u32 s16, $0x6;
	s0 =	sshrl.u32 s17, $0x3  }
0x63: {  	s8 =	rddreg [dreg:$0x7];
	s10 =	simm.s32 $0x100  }
0x64: {  	[tilespmem:s3], [sflag:$0x7] =	stream.strided.gather [hbm4b:s8+s20], $0x2780, s10, s20, $0x38;
	[tilespmem:$0x1E100] =	vst v63  }
0x65: {  	s23 =	rddreg [dreg:$0xa];
	s10 =	sor.u32 $0x1C08, s31  }
0x66: {  	[spmem:s0], [sflag:s10] =	dma.local [hbm:s23], $0x2700  }
0x67: {  	_ =	swait.ge [sflag:s7], $0x2700  }
0x68: {  	[sflag:s7] =	ssyncset.done $0x0  }
0x69: {  	s8 =	rddreg [dreg:$0xb];
	[sflag:s7] =	ssyncadd.s32 $0xFFFFD900  }
0x6a: {  	[spmem:s28], [sflag:s10] =	dma.local @!p0 [hbm:s8], $0x100  }
0x6b: {  	s10 =	simm.s32 @!p0 $0x8  }
0x6c: {  	_ =	swait.ge @!p0 [sflag:s10], $0x100  }
0x6d: {  	[sflag:s10] =	ssyncset.done @!p0 $0x0  }
0x6e: {  	[sflag:s10] =	ssyncadd.s32 @!p0 $0xFFFFFF00  }
0x6f: {  	[bflag:$0x0] =	sbarrier.arrive $0xFFFF  }
0x70: {  	_ =	swait.ge [sflag:s11], $0x2780  }
0x71: {  	[sflag:s11] =	ssyncset.done $0x0  }
0x72: {  	[sflag:s11] =	ssyncadd.s32 $0xFFFFD880  }
0x73: {  	[tilespmem:s13], [sflag:$0x1] =	stream.indirect.gather [hbm4b:s4+s20], $0x80, s3, s20, $0xb8;
	[tilespmem:$0x1E100] =	vst v63  }
0x74: {  	s10 =	simm.s32 @!p4 $0x1;
	s12 =	rddreg [dreg:$0x8]  }
0x75: {  	[tilespmem:s14], [sflag:$0x5] =	stream.linear.gather [hbm4b:s12+s3], $0x80, $0x38;
	[tilespmem:$0x1E100] =	vst v63  }
0x76: {  	_ =	swait.ge @!p4 [sflag:s10], $0x4000  }
0x77: {  	[sflag:s10] =	ssyncset.done @!p4 $0x0  }
0x78: {  	[sflag:s10] =	ssyncadd.s32 @!p4 $0xFFFFC000;
	s10 =	simm.s32 @!p4 $0x5  }
0x79: {  	_ =	swait.ge @!p4 [sflag:s10], $0x80  }
0x7a: {  	s21 =	sld [smem:$0x7FA];
	_ =	sdelay $0x2  }
0x7b: {  	[sflag:s10] =	ssyncset.done @!p4 $0x0;
	p2 =	seq.s32 s21, $0x1  }
0x7c: {  	[sflag:s10] =	ssyncadd.s32 @!p4 $0xFFFFFF80;
	s10 =	simm.s32 @!p2 $0x80;
	s12 =	simm.s32 @!p2 $0x6880  }
0x7d: {  	[tilespmem:s12], [sflag:$0x2] =	stream.indirect.gather @!p2 [hbm4b:s4+s10], $0x80, s10, s10, $0xb8;
	[tilespmem:$0x1E100] =	vst v63  }
0x7e: {  	s8 =	rddreg [dreg:$0x18];
	s10 =	simm.s32 @!p2 $0x0;
	s12 =	simm.s32 @!p2 $0x2800  }
0x7f: {  	[tilespmem:s12], [sflag:$0x6] =	stream.linear.gather @!p2 [hbm4b:s8+s10], $0x80, $0x38;
	[tilespmem:$0x1E100] =	vst v63  }
0x80: {  	s21 =	simm.s32 @!p4 $0x2880;
	s10 =	simm.s32 @!p4 $0x80;
	s12 =	simm.s32 @!p4 $0x2780  }
0x81: {  	[spmem:s1] =	stream.indirect.scatter.add.f32 @!p4 [tilespmem:s21], [sflag:$0x3], $0x80, s12, s10, $0xb8;
	[tilespmem:$0x1E100] =	vst v63  }
0x82: {  	s12 =	simm.s32 @!p4 $0x2  }
0x83: {  	_ =	swait.ge @!p4 [sflag:s12], $0x4000  }
0x84: {  	[sflag:s12] =	ssyncset.done @!p4 $0x0  }
0x85: {  	[sflag:s12] =	ssyncadd.s32 @!p4 $0xFFFFC000;
	s12 =	simm.s32 @!p4 $0x6  }
0x86: {  	_ =	swait.ge @!p4 [sflag:s12], $0x80  }
0x87: {  	[sflag:s12] =	ssyncset.done @!p4 $0x0  }
0x88: {  	[sflag:s12] =	ssyncadd.s32 @!p4 $0xFFFFFF80;
	s12 =	simm.s32 @!p6 $0x3  }
0x89: {  	_ =	swait.ge @!p6 [sflag:s12], $0x4000  }
0x8a: {  	s23 =	simm.s32 @!p6 $0x2880;
	[sflag:s12] =	ssyncset.done @!p6 $0x0  }
0x8b: {  	s21 =	simm.s32 @!p6 $0x100;
	[sflag:s12] =	ssyncadd.s32 @!p6 $0xFFFFC000;
	s12 =	simm.s32 @!p6 $0x80  }
0x8c: {  	[tilespmem:s23], [sflag:$0x1] =	stream.indirect.gather @!p6 [hbm4b:s4+s12], $0x80, s21, s12, $0xb8;
	[tilespmem:$0x1E100] =	vst v63  }
0x8d: {  	s23 =	sld [smem:$0x7FB];
	_ =	sdelay $0x2  }
0x8e: {  	p2 =	seq.s32 s23, $0x1  }
.Ltmp3:
0x8f: {  	_ = 	snop;
	(pc) =	sbr.rel @p2 .LBB2_6-.Ltmp3, $4  }
0x90: {  	s8 =	rddreg [dreg:$0x19];
	s12 =	simm.s32 @!p6 $0x0;
	s21 =	simm.s32 @!p6 $0x2780  }
0x91: {  	[tilespmem:s21], [sflag:$0x5] =	stream.linear.gather @!p6 [hbm4b:s8+s12], $0x80, $0x38;
	[tilespmem:$0x1E100] =	vst v63  }
0x92: {  	s12 =	simm.s32 @!p4 $0x2800;
	s21 =	simm.s32 @!p4 $0x6880  }
0x93: {  	[spmem:s1] =	stream.indirect.scatter.add.f32 @!p4 [tilespmem:s21], [sflag:$0x4], $0x80, s12, s10, $0xb8;
	[tilespmem:$0x1E100] =	vst v63  }
0x94: {  	_ =	swait.ge [sflag:s30], $0x4000  }
0x95: {  	[sflag:s30] =	ssyncset.done $0x0  }
0x96: {  	[sflag:s30] =	ssyncadd.s32 $0xFFFFC000  }
0x97: {  	_ =	swait.ge [sflag:s15], $0x80  }
0x98: {  	p2 =	sle.s32 s9, $0x3;
	[sflag:s15] =	ssyncset.done $0x0  }
0x99: {  	s10 =	simm.s32 @!p2 $0x4;
	[sflag:s15] =	ssyncadd.s32 $0xFFFFFF80  }
0x9a: {  	_ =	swait.ge @!p2 [sflag:s10], $0x4000  }
0x9b: {  	s12 =	simm.s32 @!p4 $0x180;
	[sflag:s10] =	ssyncset.done @!p2 $0x0  }
0x9c: {  	s21 =	simm.s32 @!p2 $0x6880;
	[sflag:s10] =	ssyncadd.s32 @!p2 $0xFFFFC000;
	s10 =	simm.s32 @!p2 $0x80  }
0x9d: {  	[tilespmem:s21], [sflag:$0x2] =	stream.indirect.gather @!p2 [hbm4b:s4+s10], $0x80, s12, s10, $0xb8;
	[tilespmem:$0x1E100] =	vst v63  }
0x9e: {  	s16 =	rddreg [dreg:$0x13];
	s10 =	simm.s32 @!p2 $0x0;
	s12 =	simm.s32 @!p2 $0x2800  }
0x9f: {  	[tilespmem:s12], [sflag:$0x6] =	stream.linear.gather @!p2 [hbm4b:s16+s10], $0x80, $0x38;
	[tilespmem:$0x1E100] =	vst v63  }
0xa0: {  	_ = 	snop  }
0xa1: {  	[spmem:s1] =	stream.indirect.scatter.add.f32 [tilespmem:s13], [sflag:$0x3], $0x80, s14, s20, $0xb8;
	[tilespmem:$0x1E100] =	vst v63  }
0xa2: {  	_ =	swait.ge [sflag:s18], $0x4000  }
0xa3: {  	[sflag:s18] =	ssyncset.done $0x0  }
0xa4: {  	[sflag:s18] =	ssyncadd.s32 $0xFFFFC000  }
0xa5: {  	_ =	swait.ge [sflag:s19], $0x80  }
0xa6: {  	p2 =	sle.s32 s9, $0x4;
	[sflag:s19] =	ssyncset.done $0x0  }
0xa7: {  	s10 =	simm.s32 @!p2 $0x3;
	[sflag:s19] =	ssyncadd.s32 $0xFFFFFF80  }
0xa8: {  	s21 =	simm.s32 @!p2 $0x80;
	_ =	swait.ge @!p2 [sflag:s10], $0x4000  }
0xa9: {  	s23 =	simm.s32 @!p2 $0x2880;
	s8 =	rddreg [dreg:$0x12];
	[sflag:s10] =	ssyncset.done @!p2 $0x0  }
0xaa: {  	s12 =	sadd.s32 $0xFFFFFFFF, s8;
	[sflag:s10] =	ssyncadd.s32 @!p2 $0xFFFFC000;
	s10 =	simm.s32 @!p2 $0x200  }
0xab: {  	[tilespmem:s23], [sflag:$0x1] =	stream.indirect.gather @!p2 [hbm4b:s4+s21], $0x80, s10, s21, $0xb8;
	[tilespmem:$0x1E100] =	vst v63  }
0xac: {  	s10 =	sadd.s32 @!p2 $0x20, s16;
	s21 =	simm.s32 @!p2 $0x0;
	s23 =	simm.s32 @!p2 $0x2780  }
0xad: {  	[tilespmem:s23], [sflag:$0x5] =	stream.linear.gather @!p2 [hbm4b:s10+s21], $0x80, $0x38;
	[tilespmem:$0x1E100] =	vst v63  }
0xae: {  	p2 =	sne.s32 s12, $0x0  }
.Ltmp4:
0xaf: {  	_ = 	snop;
	(pc) =	sbr.rel @!p2 .LBB2_5-.Ltmp4, $2  }
0xb0: {  	_ =	sdelay $0x2  }
0xb1: {  	s21 =	simm.s32 $0x280;
	s23 =	sadd.s32 $0x40, s16;
	s10 =	simm.s32 $0x5  }
.LBB2_4:
0xb2: {  	[spmem:s1] =	stream.indirect.scatter.add.f32 [tilespmem:s24], [sflag:$0x4], $0x80, s2, s20, $0xb8;
	[tilespmem:$0x1E100] =	vst v63  }
0xb3: {  	s12 =	sadd.s32 $0xFFFFFFFF, s12;
	_ =	swait.ge [sflag:s30], $0x4000  }
0xb4: {  	p5 =	sne.s32 s12, $0x0;
	[sflag:s30] =	ssyncset.done $0x0  }
0xb5: {  	[sflag:s30] =	ssyncadd.s32 $0xFFFFC000  }
0xb6: {  	_ =	swait.ge [sflag:s15], $0x80  }
0xb7: {  	p2 =	sge.s32 s10, s9;
	[sflag:s15] =	ssyncset.done $0x0  }
0xb8: {  	s8 =	simm.s32 @!p2 $0x4;
	[sflag:s15] =	ssyncadd.s32 $0xFFFFFF80  }
0xb9: {  	_ =	swait.ge @!p2 [sflag:s8], $0x4000  }
0xba: {  	[sflag:s8] =	ssyncset.done @!p2 $0x0  }
0xbb: {  	s16 =	simm.s32 @!p2 $0x6880;
	[sflag:s8] =	ssyncadd.s32 @!p2 $0xFFFFC000;
	s8 =	simm.s32 @!p2 $0x80  }
0xbc: {  	[tilespmem:s16], [sflag:$0x2] =	stream.indirect.gather @!p2 [hbm4b:s4+s8], $0x80, s21, s8, $0xb8;
	[tilespmem:$0x1E100] =	vst v63  }
0xbd: {  	s8 =	simm.s32 @!p2 $0x0;
	s16 =	simm.s32 @!p2 $0x2800  }
0xbe: {  	[tilespmem:s16], [sflag:$0x6] =	stream.linear.gather @!p2 [hbm4b:s23+s8], $0x80, $0x38;
	[tilespmem:$0x1E100] =	vst v63  }
0xbf: {  	_ = 	snop  }
0xc0: {  	[spmem:s1] =	stream.indirect.scatter.add.f32 [tilespmem:s13], [sflag:$0x3], $0x80, s14, s20, $0xb8;
	[tilespmem:$0x1E100] =	vst v63  }
0xc1: {  	_ =	swait.ge [sflag:s18], $0x4000  }
0xc2: {  	[sflag:s18] =	ssyncset.done $0x0  }
0xc3: {  	[sflag:s18] =	ssyncadd.s32 $0xFFFFC000  }
0xc4: {  	s8 =	sadd.s32 $0x1, s10;
	_ =	swait.ge [sflag:s19], $0x80  }
0xc5: {  	p2 =	sge.s32 s8, s9;
	[sflag:s19] =	ssyncset.done $0x0  }
0xc6: {  	s8 =	simm.s32 @!p2 $0x3;
	[sflag:s19] =	ssyncadd.s32 $0xFFFFFF80  }
0xc7: {  	_ =	swait.ge @!p2 [sflag:s8], $0x4000  }
0xc8: {  	s16 =	simm.s32 @!p2 $0x80;
	s17 =	simm.s32 @!p2 $0x2880;
	[sflag:s8] =	ssyncset.done @!p2 $0x0  }
.Ltmp5:
0xc9: {  	[sflag:s8] =	ssyncadd.s32 @!p2 $0xFFFFC000;
	s8 =	sadd.s32 @!p2 $0x80, s21;
	(pc) =	sbr.rel @p5 .LBB2_4-.Ltmp5, $4  }
0xca: {  	[tilespmem:s17], [sflag:$0x1] =	stream.indirect.gather @!p2 [hbm4b:s4+s16], $0x80, s8, s16, $0xb8;
	[tilespmem:$0x1E100] =	vst v63  }
0xcb: {  	s8 =	sadd.s32 @!p2 $0x20, s23;
	s16 =	simm.s32 @!p2 $0x0;
	s17 =	simm.s32 @!p2 $0x2780  }
0xcc: {  	[tilespmem:s17], [sflag:$0x5] =	stream.linear.gather @!p2 [hbm4b:s8+s16], $0x80, $0x38;
	[tilespmem:$0x1E100] =	vst v63  }
0xcd: {  	s10 =	sadd.s32 $0x2, s10;
	s21 =	sadd.s32 $0x100, s21;
	s23 =	sadd.s32 $0x40, s23  }
.LBB2_5:
0xce: {  	[spmem:s1] =	stream.indirect.scatter.add.f32 [tilespmem:s24], [sflag:$0x4], $0x80, s2, s20, $0xb8;
	[tilespmem:$0x1E100] =	vst v63  }
0xcf: {  	s16 =	stileid.u32;
	s17 =	rddreg [dreg:$0x5]  }
.LBB2_6:
0xd0: {  	s8 =	sld [smem:$0x7F8];
	_ =	sdelay $0x2  }
0xd1: {  	p2 =	seq.s32 s8, $0x1  }
.Ltmp6:
0xd2: {  	_ = 	snop;
	(pc) =	sbr.rel @p2 .LBB2_13-.Ltmp6, $4  }
.Ltmp7:
0xd3: {  	_ = 	snop;
	(pc) =	sbr.rel @!p2 .LBB2_12-.Ltmp7, $4  }
0xd4: {  	_ = 	snop  }
0xd5: {  	_ = 	snop  }
0xd6: {  	_ = 	snop  }
0xd7: {  	_ = 	snop  }
.LBB2_7:
0xd8: {  	s8 =	rddreg [dreg:$0x4];
	s10 =	simm.s32 $0x100  }
0xd9: {  	[tilespmem:s3], [sflag:$0x7] =	stream.strided.gather [hbm4b:s8+s20], $0x2700, s10, s20, $0x38;
	[tilespmem:$0x1E100] =	vst v63  }
0xda: {  	s10 =	sor.u32 $0x1C08, s31  }
0xdb: {  	[spmem:s0], [sflag:s10] =	dma.local [hbm:s5], $0x800  }
0xdc: {  	_ =	swait.ge [sflag:s7], $0x800  }
0xdd: {  	[sflag:s7] =	ssyncset.done $0x0  }
0xde: {  	s23 =	rddreg [dreg:$0x14];
	[sflag:s7] =	ssyncadd.s32 $0xFFFFF800  }
0xdf: {  	[spmem:s23], [sflag:s10] =	dma.local [hbm:s5], $0x800  }
0xe0: {  	_ =	swait.ge [sflag:s7], $0x800  }
0xe1: {  	[sflag:s7] =	ssyncset.done $0x0  }
0xe2: {  	s12 =	rddreg [dreg:$0x15];
	[sflag:s7] =	ssyncadd.s32 $0xFFFFF800  }
0xe3: {  	[spmem:s12], [sflag:s10] =	dma.local [hbm:s5], $0x800  }
0xe4: {  	_ =	swait.ge [sflag:s7], $0x800  }
0xe5: {  	[sflag:s7] =	ssyncset.done $0x0  }
0xe6: {  	s21 =	rddreg [dreg:$0x16];
	[sflag:s7] =	ssyncadd.s32 $0xFFFFF800  }
0xe7: {  	[spmem:s21], [sflag:s10] =	dma.local [hbm:s5], $0x800  }
0xe8: {  	_ =	swait.ge [sflag:s7], $0x800  }
0xe9: {  	[sflag:s7] =	ssyncset.done $0x0  }
0xea: {  	s23 =	rddreg [dreg:$0x17];
	[sflag:s7] =	ssyncadd.s32 $0xFFFFF800  }
0xeb: {  	[spmem:s23], [sflag:s10] =	dma.local [hbm:s5], $0x700  }
0xec: {  	_ =	swait.ge [sflag:s7], $0x700  }
0xed: {  	[sflag:s7] =	ssyncset.done $0x0  }
0xee: {  	[sflag:s7] =	ssyncadd.s32 $0xFFFFF900  }
0xef: {  	[spmem:s28], [sflag:s10] =	dma.local @!p0 [hbm:s5], $0x100  }
0xf0: {  	s10 =	simm.s32 @!p0 $0x8  }
0xf1: {  	_ =	swait.ge @!p0 [sflag:s10], $0x100  }
0xf2: {  	[sflag:s10] =	ssyncset.done @!p0 $0x0  }
0xf3: {  	[sflag:s10] =	ssyncadd.s32 @!p0 $0xFFFFFF00  }
0xf4: {  	[bflag:$0x0] =	sbarrier.arrive $0xFFFF  }
0xf5: {  	_ =	swait.ge [sflag:s11], $0x2700  }
0xf6: {  	[sflag:s11] =	ssyncset.done $0x0  }
0xf7: {  	[sflag:s11] =	ssyncadd.s32 $0xFFFFD900  }
0xf8: {  	[tilespmem:s13], [sflag:$0x1] =	stream.indirect.gather [hbm4b:s4+s20], $0x80, s3, s20, $0xb8;
	[tilespmem:$0x1E100] =	vst v63  }
0xf9: {  	s10 =	simm.s32 @!p3 $0x1;
	s12 =	rddreg [dreg:$0x9]  }
0xfa: {  	[tilespmem:s14], [sflag:$0x5] =	stream.linear.gather [hbm4b:s12+s3], $0x80, $0x38;
	[tilespmem:$0x1E100] =	vst v63  }
0xfb: {  	_ =	swait.ge @!p3 [sflag:s10], $0x4000  }
0xfc: {  	[sflag:s10] =	ssyncset.done @!p3 $0x0  }
0xfd: {  	[sflag:s10] =	ssyncadd.s32 @!p3 $0xFFFFC000;
	s10 =	simm.s32 @!p3 $0x5  }
0xfe: {  	_ =	swait.ge @!p3 [sflag:s10], $0x80  }
0xff: {  	s21 =	sld [smem:$0x7FC];
	_ =	sdelay $0x2  }
0x100: {  	[sflag:s10] =	ssyncset.done @!p3 $0x0;
	p2 =	seq.s32 s21, $0x1  }
0x101: {  	[sflag:s10] =	ssyncadd.s32 @!p3 $0xFFFFFF80;
	s10 =	simm.s32 @!p2 $0x80;
	s12 =	simm.s32 @!p2 $0x6880  }
0x102: {  	[tilespmem:s12], [sflag:$0x2] =	stream.indirect.gather @!p2 [hbm4b:s4+s10], $0x80, s10, s10, $0xb8;
	[tilespmem:$0x1E100] =	vst v63  }
0x103: {  	s8 =	rddreg [dreg:$0xe];
	s10 =	simm.s32 @!p2 $0x0;
	s12 =	simm.s32 @!p2 $0x2800  }
0x104: {  	[tilespmem:s12], [sflag:$0x6] =	stream.linear.gather @!p2 [hbm4b:s8+s10], $0x80, $0x38;
	[tilespmem:$0x1E100] =	vst v63  }
0x105: {  	s21 =	simm.s32 @!p3 $0x2880;
	s10 =	simm.s32 @!p3 $0x80;
	s12 =	simm.s32 @!p3 $0x2780  }
0x106: {  	[spmem:s1] =	stream.indirect.scatter.add.f32 @!p3 [tilespmem:s21], [sflag:$0x3], $0x80, s12, s10, $0xb8;
	[tilespmem:$0x1E100] =	vst v63  }
0x107: {  	s12 =	simm.s32 @!p3 $0x2  }
0x108: {  	_ =	swait.ge @!p3 [sflag:s12], $0x4000  }
0x109: {  	[sflag:s12] =	ssyncset.done @!p3 $0x0  }
0x10a: {  	[sflag:s12] =	ssyncadd.s32 @!p3 $0xFFFFC000;
	s12 =	simm.s32 @!p3 $0x6  }
0x10b: {  	_ =	swait.ge @!p3 [sflag:s12], $0x80  }
0x10c: {  	[sflag:s12] =	ssyncset.done @!p3 $0x0  }
0x10d: {  	[sflag:s12] =	ssyncadd.s32 @!p3 $0xFFFFFF80;
	s12 =	simm.s32 @!p1 $0x3  }
0x10e: {  	_ =	swait.ge @!p1 [sflag:s12], $0x4000  }
0x10f: {  	s23 =	simm.s32 @!p1 $0x2880;
	[sflag:s12] =	ssyncset.done @!p1 $0x0  }
0x110: {  	s21 =	simm.s32 @!p1 $0x100;
	[sflag:s12] =	ssyncadd.s32 @!p1 $0xFFFFC000;
	s12 =	simm.s32 @!p1 $0x80  }
0x111: {  	[tilespmem:s23], [sflag:$0x1] =	stream.indirect.gather @!p1 [hbm4b:s4+s12], $0x80, s21, s12, $0xb8;
	[tilespmem:$0x1E100] =	vst v63  }
0x112: {  	s23 =	sld [smem:$0x7FD];
	_ =	sdelay $0x2  }
0x113: {  	p2 =	seq.s32 s23, $0x1  }
.Ltmp8:
0x114: {  	_ = 	snop;
	(pc) =	sbr.rel @p2 .LBB2_11-.Ltmp8, $4  }
0x115: {  	s8 =	rddreg [dreg:$0xf];
	s12 =	simm.s32 @!p1 $0x0;
	s21 =	simm.s32 @!p1 $0x2780  }
0x116: {  	[tilespmem:s21], [sflag:$0x5] =	stream.linear.gather @!p1 [hbm4b:s8+s12], $0x80, $0x38;
	[tilespmem:$0x1E100] =	vst v63  }
0x117: {  	s12 =	simm.s32 @!p3 $0x2800;
	s21 =	simm.s32 @!p3 $0x6880  }
0x118: {  	[spmem:s1] =	stream.indirect.scatter.add.f32 @!p3 [tilespmem:s21], [sflag:$0x4], $0x80, s12, s10, $0xb8;
	[tilespmem:$0x1E100] =	vst v63  }
0x119: {  	_ =	swait.ge [sflag:s30], $0x4000  }
0x11a: {  	[sflag:s30] =	ssyncset.done $0x0  }
0x11b: {  	[sflag:s30] =	ssyncadd.s32 $0xFFFFC000  }
0x11c: {  	_ =	swait.ge [sflag:s15], $0x80  }
0x11d: {  	p2 =	sle.s32 s6, $0x3;
	[sflag:s15] =	ssyncset.done $0x0  }
0x11e: {  	s8 =	simm.s32 @!p2 $0x4;
	[sflag:s15] =	ssyncadd.s32 $0xFFFFFF80  }
0x11f: {  	_ =	swait.ge @!p2 [sflag:s8], $0x4000  }
0x120: {  	s10 =	simm.s32 @!p3 $0x180;
	[sflag:s8] =	ssyncset.done @!p2 $0x0  }
0x121: {  	s12 =	simm.s32 @!p2 $0x6880;
	[sflag:s8] =	ssyncadd.s32 @!p2 $0xFFFFC000;
	s8 =	simm.s32 @!p2 $0x80  }
0x122: {  	[tilespmem:s12], [sflag:$0x2] =	stream.indirect.gather @!p2 [hbm4b:s4+s8], $0x80, s10, s8, $0xb8;
	[tilespmem:$0x1E100] =	vst v63  }
0x123: {  	s17 =	rddreg [dreg:$0x11];
	s8 =	simm.s32 @!p2 $0x0;
	s10 =	simm.s32 @!p2 $0x2800  }
0x124: {  	[tilespmem:s10], [sflag:$0x6] =	stream.linear.gather @!p2 [hbm4b:s17+s8], $0x80, $0x38;
	[tilespmem:$0x1E100] =	vst v63  }
0x125: {  	_ = 	snop  }
0x126: {  	[spmem:s1] =	stream.indirect.scatter.add.f32 [tilespmem:s13], [sflag:$0x3], $0x80, s14, s20, $0xb8;
	[tilespmem:$0x1E100] =	vst v63  }
0x127: {  	_ =	swait.ge [sflag:s18], $0x4000  }
0x128: {  	[sflag:s18] =	ssyncset.done $0x0  }
0x129: {  	[sflag:s18] =	ssyncadd.s32 $0xFFFFC000  }
0x12a: {  	_ =	swait.ge [sflag:s19], $0x80  }
0x12b: {  	p2 =	sle.s32 s6, $0x4;
	[sflag:s19] =	ssyncset.done $0x0  }
0x12c: {  	s8 =	simm.s32 @!p2 $0x3;
	[sflag:s19] =	ssyncadd.s32 $0xFFFFFF80  }
0x12d: {  	s10 =	simm.s32 @!p2 $0x80;
	_ =	swait.ge @!p2 [sflag:s8], $0x4000  }
0x12e: {  	s16 =	simm.s32 @!p2 $0x2880;
	s23 =	rddreg [dreg:$0x10];
	[sflag:s8] =	ssyncset.done @!p2 $0x0  }
0x12f: {  	s12 =	sadd.s32 $0xFFFFFFFF, s23;
	[sflag:s8] =	ssyncadd.s32 @!p2 $0xFFFFC000;
	s8 =	simm.s32 @!p2 $0x200  }
0x130: {  	[tilespmem:s16], [sflag:$0x1] =	stream.indirect.gather @!p2 [hbm4b:s4+s10], $0x80, s8, s10, $0xb8;
	[tilespmem:$0x1E100] =	vst v63  }
0x131: {  	s8 =	sadd.s32 @!p2 $0x20, s17;
	s10 =	simm.s32 @!p2 $0x0;
	s16 =	simm.s32 @!p2 $0x2780  }
0x132: {  	[tilespmem:s16], [sflag:$0x5] =	stream.linear.gather @!p2 [hbm4b:s8+s10], $0x80, $0x38;
	[tilespmem:$0x1E100] =	vst v63  }
0x133: {  	p2 =	sne.s32 s12, $0x0  }
.Ltmp9:
0x134: {  	_ = 	snop;
	(pc) =	sbr.rel @!p2 .LBB2_10-.Ltmp9, $2  }
0x135: {  	_ =	sdelay $0x2  }
0x136: {  	s21 =	simm.s32 $0x280;
	s23 =	sadd.s32 $0x40, s17;
	s10 =	simm.s32 $0x5  }
.LBB2_9:
0x137: {  	[spmem:s1] =	stream.indirect.scatter.add.f32 [tilespmem:s24], [sflag:$0x4], $0x80, s2, s20, $0xb8;
	[tilespmem:$0x1E100] =	vst v63  }
0x138: {  	s12 =	sadd.s32 $0xFFFFFFFF, s12;
	_ =	swait.ge [sflag:s30], $0x4000  }
0x139: {  	p5 =	sne.s32 s12, $0x0;
	[sflag:s30] =	ssyncset.done $0x0  }
0x13a: {  	[sflag:s30] =	ssyncadd.s32 $0xFFFFC000  }
0x13b: {  	_ =	swait.ge [sflag:s15], $0x80  }
0x13c: {  	p2 =	sge.s32 s10, s6;
	[sflag:s15] =	ssyncset.done $0x0  }
0x13d: {  	s8 =	simm.s32 @!p2 $0x4;
	[sflag:s15] =	ssyncadd.s32 $0xFFFFFF80  }
0x13e: {  	_ =	swait.ge @!p2 [sflag:s8], $0x4000  }
0x13f: {  	[sflag:s8] =	ssyncset.done @!p2 $0x0  }
0x140: {  	s16 =	simm.s32 @!p2 $0x6880;
	[sflag:s8] =	ssyncadd.s32 @!p2 $0xFFFFC000;
	s8 =	simm.s32 @!p2 $0x80  }
0x141: {  	[tilespmem:s16], [sflag:$0x2] =	stream.indirect.gather @!p2 [hbm4b:s4+s8], $0x80, s21, s8, $0xb8;
	[tilespmem:$0x1E100] =	vst v63  }
0x142: {  	s8 =	simm.s32 @!p2 $0x0;
	s16 =	simm.s32 @!p2 $0x2800  }
0x143: {  	[tilespmem:s16], [sflag:$0x6] =	stream.linear.gather @!p2 [hbm4b:s23+s8], $0x80, $0x38;
	[tilespmem:$0x1E100] =	vst v63  }
0x144: {  	_ = 	snop  }
0x145: {  	[spmem:s1] =	stream.indirect.scatter.add.f32 [tilespmem:s13], [sflag:$0x3], $0x80, s14, s20, $0xb8;
	[tilespmem:$0x1E100] =	vst v63  }
0x146: {  	_ =	swait.ge [sflag:s18], $0x4000  }
0x147: {  	[sflag:s18] =	ssyncset.done $0x0  }
0x148: {  	[sflag:s18] =	ssyncadd.s32 $0xFFFFC000  }
0x149: {  	s8 =	sadd.s32 $0x1, s10;
	_ =	swait.ge [sflag:s19], $0x80  }
0x14a: {  	p2 =	sge.s32 s8, s6;
	[sflag:s19] =	ssyncset.done $0x0  }
0x14b: {  	s8 =	simm.s32 @!p2 $0x3;
	[sflag:s19] =	ssyncadd.s32 $0xFFFFFF80  }
0x14c: {  	_ =	swait.ge @!p2 [sflag:s8], $0x4000  }
0x14d: {  	s16 =	simm.s32 @!p2 $0x80;
	s17 =	simm.s32 @!p2 $0x2880;
	[sflag:s8] =	ssyncset.done @!p2 $0x0  }
.Ltmp10:
0x14e: {  	[sflag:s8] =	ssyncadd.s32 @!p2 $0xFFFFC000;
	s8 =	sadd.s32 @!p2 $0x80, s21;
	(pc) =	sbr.rel @p5 .LBB2_9-.Ltmp10, $4  }
0x14f: {  	[tilespmem:s17], [sflag:$0x1] =	stream.indirect.gather @!p2 [hbm4b:s4+s16], $0x80, s8, s16, $0xb8;
	[tilespmem:$0x1E100] =	vst v63  }
0x150: {  	s8 =	sadd.s32 @!p2 $0x20, s23;
	s16 =	simm.s32 @!p2 $0x0;
	s17 =	simm.s32 @!p2 $0x2780  }
0x151: {  	[tilespmem:s17], [sflag:$0x5] =	stream.linear.gather @!p2 [hbm4b:s8+s16], $0x80, $0x38;
	[tilespmem:$0x1E100] =	vst v63  }
0x152: {  	s10 =	sadd.s32 $0x2, s10;
	s21 =	sadd.s32 $0x100, s21;
	s23 =	sadd.s32 $0x40, s23  }
.LBB2_10:
0x153: {  	[spmem:s1] =	stream.indirect.scatter.add.f32 [tilespmem:s24], [sflag:$0x4], $0x80, s2, s20, $0xb8;
	[tilespmem:$0x1E100] =	vst v63  }
0x154: {  	s16 =	stileid.u32;
	s17 =	rddreg [dreg:$0x5]  }
.LBB2_11:
0x155: {  	s8 =	sld [smem:$0x7F9];
	_ =	sdelay $0x2  }
0x156: {  	p2 =	seq.s32 s8, $0x1  }
.Ltmp11:
0x157: {  	_ = 	snop;
	(pc) =	sbr.rel @p2 .LBB2_13-.Ltmp11, $4  }
.Ltmp12:
0x158: {  	_ = 	snop;
	(pc) =	sbr.rel @!p2 .LBB2_12-.Ltmp12, $4  }
0x159: {  	_ = 	snop  }
0x15a: {  	_ = 	snop  }
0x15b: {  	_ = 	snop  }
0x15c: {  	_ = 	snop  }
.LBB2_14:
0x15d: {  	_ =	sfence.sel $0x180000  }
0x15e: {  	[bflag:$0x0] =	sbarrier.arrive $0xFFFF  }
0x15f: {  	_ =	strace $0x9000004A  }
0x160: {  	[bflag:$0x2] =	sbarrier.arrive $0xFFFF  }
0x161: {  	p0 =	sne.s32 s16, $0x0;
	s0 =	rddreg [dreg:$0x3]  }
0x162: {  	s0 =	sadd.s32 @!p0 $0x100000, s0  }
0x163: {  	[sflag:s0] =	ssyncadd.tile.s32 @!p0 $0x1;
	_ =	shalt  }
.Lfunc_end2:
_tile_overlayer_lowered:
.L_overlay_start_2:
0x164: {  	(tag) =	ssettag $0x2  }
0x165: {  	s0 =	rddreg [dreg:$0x0];
	s2 =	stileid.u32  }
0x166: {  	s1 =	rddreg [dreg:$0x1];
	p0 =	sne.s32 s2, $0x0  }
0x167: {  	s3 =	rddreg [dreg:$0x2];
	[bflag:$0x3] =	sbarrier.arrive $0xFFFF;
	s2 =	simm.s32 @!p0 $0x1C08  }
0x168: {  	[timem:s3], [sflag:s2] =	dma.local @!p0 [hbm:s0], s1  }
0x169: {  	s0 =	simm.s32 @!p0 $0x8  }
0x16a: {  	_ =	swait.ge @!p0 [sflag:s0], s1  }
0x16b: {  	s1 =	ssub.s32 @!p0 $0x0, s1;
	[sflag:s0] =	ssyncset.done @!p0 $0x0  }
0x16c: {  	[sflag:s0] =	ssyncadd.s32 @!p0 s1  }
0x16d: {  	[bflag:$0x3] =	sbarrier.arrive $0xFFFF  }
0x16e: {  	_ =	shalt  }

</sc_bundles>
